<compile_context>
chip_gen: v7x
topology: tpu7x:2x2x1
jax: 0.10.2.dev20260603
libtpu: 0.0.44.dev20260713+nightly
codegen_flags: <defaults>
</compile_context>

<pallas_src>
import functools

import numpy as np
import jax
import jax.numpy as jnp
from jax import lax
from jax.experimental import pallas as pl
from jax.experimental.pallas import tpu as pltpu
from jax.experimental.pallas import tpu_sc as plsc

ALPHA_BASE = 0.3
MAX_DELTA = 0.5
EPS = 1e-12


def _make_conf_sc(B, V, logv):
    info = plsc.get_sparse_core_info()
    NC, NS, L = info.num_cores, info.num_subcores, info.num_lanes
    NW = NC * NS
    rows_per_w = B // NW
    nch = V // 128
    mesh = plsc.VectorSubcoreMesh(core_axis_name="c", subcore_axis_name="s")

    @functools.partial(
        pl.kernel, mesh=mesh,
        out_type=jax.ShapeDtypeStruct((B, 128), jnp.float32),
        scratch_types=[
            pltpu.VMEM((nch * rows_per_w, 128), jnp.float32),
            pltpu.VMEM((1, 128), jnp.float32),
        ],
    )
    def conf_kernel(logits_hbm, out_hbm, x_v, o_v):
        wid = lax.axis_index("s") * NC + lax.axis_index("c")
        pltpu.sync_copy(
            logits_hbm.at[pl.ds(wid * (rows_per_w * nch), rows_per_w * nch)],
            x_v)
        RW = rows_per_w
        def _mx(i, mxs):
            out = []
            for j in range(RW):
                mx = mxs[j]
                for c in range(128 // L):
                    mx = jnp.maximum(
                        mx, x_v[j * nch + i, c * L:(c + 1) * L])
                out.append(mx)
            return tuple(out)
        mxs = lax.fori_loop(
            0, nch, _mx,
            tuple(jnp.full((L,), -jnp.inf, jnp.float32)
                  for _ in range(RW)))
        liota = lax.iota(jnp.int32, L)
        mvs = []
        for j in range(RW):
            mv = mxs[j]
            for sh in (1, 2, 4, 8):
                mv = jnp.maximum(
                    mv, mv.at[liota ^ sh].get(mode="promise_in_bounds"))
            mvs.append(mv)

        def _zs(i, carry):
            zs, s1s = carry
            zo, so = [], []
            for j in range(RW):
                z, s1 = zs[j], s1s[j]
                for c in range(128 // L):
                    xc = x_v[j * nch + i, c * L:(c + 1) * L] - mvs[j]
                    ec = jnp.exp(xc)
                    z = z + ec
                    s1 = s1 + xc * ec
                zo.append(z)
                so.append(s1)
            return tuple(zo), tuple(so)
        zero = tuple(jnp.zeros((L,), jnp.float32) for _ in range(RW))
        zs, s1s = lax.fori_loop(0, nch, _zs, (zero, zero))

        for j in range(RW):
            z, s1 = zs[j], s1s[j]
            for sh in (1, 2, 4, 8):
                z = z + z.at[liota ^ sh].get(mode="promise_in_bounds")
                s1 = s1 + s1.at[liota ^ sh].get(mode="promise_in_bounds")
            for c in range(64 // L):
                o_v[0, c * L:(c + 1) * L] = z
            for c in range(64 // L, 128 // L):
                o_v[0, c * L:(c + 1) * L] = s1
            pltpu.sync_copy(o_v, out_hbm.at[pl.ds(wid * RW + j, 1)])

    return conf_kernel


def _fused_body(n_reg, logv, hs_ref, conf_ref, att_hbm, reg_ref, out_ref,
                att_vmem, inv_ref, rows_ref, sem):
    b = pl.program_id(0)

    @pl.when(b == 0)
    def _load_attractors():
        cp = pltpu.make_async_copy(att_hbm, att_vmem, sem)
        cp.start()
        cp.wait()
        KC = 512
        def _norm_step(i, _):
            blk = att_vmem[pl.ds(i * KC, KC), :]
            sq = jnp.sum(blk * blk, axis=1)
            inv_ref[0, pl.ds(i * KC, KC)] = (
                1.0 / jnp.maximum(jnp.sqrt(sq), EPS))
            return 0
        lax.fori_loop(0, att_vmem.shape[0] // KC, _norm_step, 0)

    Bb, S, D = hs_ref.shape
    SC = 32
    lane = lax.broadcasted_iota(jnp.int32, (Bb,), 0)

    acc0 = jnp.zeros((Bb, D), jnp.float32)
    acc1 = jnp.zeros((Bb, D), jnp.float32)
    for i in range(0, S // SC, 2):
        acc0 = acc0 + jnp.sum(hs_ref[:, i * SC:(i + 1) * SC, :], axis=1)
        acc1 = acc1 + jnp.sum(hs_ref[:, (i + 1) * SC:(i + 2) * SC, :], axis=1)
    v_raw = (acc0 + acc1) / S
    vn = jnp.sqrt(jnp.sum(v_raw * v_raw, axis=1, keepdims=True))
    v_unit = v_raw / jnp.maximum(vn, EPS)

    z_sc = conf_ref[:, 0]
    s1_sc = conf_ref[:, 64]
    conf = 1.0 - (jnp.log(z_sc) - s1_sc / z_sc) / logv

    reg = reg_ref[...]
    rn = jnp.sqrt(jnp.sum(reg * reg, axis=1, keepdims=True))
    reg_n = reg / jnp.maximum(rn, EPS)
    rsims = lax.dot_general(v_unit, reg_n, (((1,), (1,)), ((), ())),
                            preferred_element_type=jnp.float32)
    iota_r = lax.broadcasted_iota(jnp.int32, rsims.shape, 1)
    rsims = jnp.where(iota_r < n_reg, rsims, -1e30)
    penalty = jnp.max(rsims, axis=1)

    K = att_vmem.shape[0]
    KB = 1024
    chunks = []
    for k in range(K // KB):
        att_c = att_vmem[k * KB:(k + 1) * KB, :]
        s_c = lax.dot_general(v_unit, att_c, (((1,), (1,)), ((), ())),
                              preferred_element_type=jnp.float32)
        chunks.append(s_c * inv_ref[0, k * KB:(k + 1) * KB][None, :])
    sims = jnp.concatenate(chunks, axis=1)
    best = jnp.max(sims, axis=1)
    idx = jnp.argmax(sims, axis=1).astype(jnp.int32)

    for bi in range(Bb):
        idx_i = jnp.sum(jnp.where(lane == bi, idx, 0))
        rows_ref[bi:bi + 1, :] = att_vmem[pl.ds(idx_i, 1), :]
    closest = rows_ref[...]
    cn = jnp.sqrt(jnp.sum(closest * closest, axis=1, keepdims=True))
    closest_n = closest / jnp.maximum(cn, EPS)

    alpha = (ALPHA_BASE * (1.0 - best)) * conf * (1.0 - penalty * 0.5)
    delta = jnp.clip(closest_n - v_unit, -MAX_DELTA, MAX_DELTA)
    steering = alpha[:, None] * delta

    def _add_step(i, _):
        out_ref[:, pl.ds(i * SC, SC), :] = (
            hs_ref[:, pl.ds(i * SC, SC), :] + steering[:, None, :])
        return 0
    lax.fori_loop(0, S // SC, _add_step, 0)


def kernel(hidden_states, logits, attractors, uncertainty_regions):
    B, S, D = hidden_states.shape
    K = attractors.shape[0]
    V = logits.shape[-1]
    R = uncertainty_regions.shape[0]
    logits_flat = logits[:, -1, :].reshape(B * V // 128, 128)
    Rp = max(8, ((R + 7) // 8) * 8)
    reg_p = jnp.pad(uncertainty_regions, ((0, Rp - R), (0, 0)))

    conf2d = _make_conf_sc(B, V, float(np.log(V)))(logits_flat)

    Bb = 8
    body = functools.partial(_fused_body, R, float(np.log(V)))
    return pl.pallas_call(
        body,
        grid=(B // Bb,),
        in_specs=[
            pl.BlockSpec((Bb, S, D), lambda b: (b, 0, 0)),
            pl.BlockSpec((Bb, 128), lambda b: (b, 0)),
            pl.BlockSpec(memory_space=pl.ANY),
            pl.BlockSpec((Rp, D), lambda b: (0, 0)),
        ],
        out_specs=pl.BlockSpec((Bb, S, D), lambda b: (b, 0, 0)),
        out_shape=jax.ShapeDtypeStruct((B, S, D), jnp.float32),
        scratch_shapes=[
            pltpu.VMEM((K, D), jnp.float32),
            pltpu.VMEM((1, K), jnp.float32),
            pltpu.VMEM((Bb, D), jnp.float32),
            pltpu.SemaphoreType.DMA,
        ],
        compiler_params=pltpu.CompilerParams(
            vmem_limit_bytes=67108864),
    )(hidden_states, conf2d, attractors, reg_p)

# --- scband reference (transcript-rebuilt; emitter-appended) ---
"""Pipeline reference for scband-self-supervised-watcher-37804302139879 (READ-ONLY COPY).

The authoritative reference and input builder live on the scoring server;
editing this copy changes nothing except your own understanding.
"""

import jax, jax.numpy as jnp
import numpy as np

ALPHA_BASE = 0.3
MAX_DELTA = 0.5

def _l2norm(x, axis=1, eps=1e-12):
    n = jnp.sqrt(jnp.sum(x * x, axis=axis, keepdims=True))
    return x / jnp.maximum(n, eps)

def setup_inputs(seed: int = 0) -> dict:
    key = jax.random.key(seed)
    k1, k2, k3, k4 = jax.random.split(key, 4)
    hidden_states = jax.random.normal(k1, (128, 256, 768), dtype=jnp.float32)
    logits = jax.random.normal(k2, (128, 1, 32000), dtype=jnp.float32)
    attractors = jax.random.normal(k3, (8192, 768), dtype=jnp.float32)
    uncertainty_regions = jax.random.normal(k4, (50, 768), dtype=jnp.float32)
    return {"hidden_states": hidden_states, "logits": logits, "attractors": attractors, "uncertainty_regions": uncertainty_regions}

def reference(hidden_states, logits, attractors, uncertainty_regions):
    # _preprocess / snap: pool over sequence (use_whitening=False)
    v_raw = jnp.mean(hidden_states, axis=1)            # [B, dim]
    v_norm = v_raw
    v_unit = _l2norm(v_norm, axis=1)                   # [B, dim]
    # normalize_attractors() normalizes the stored attractors in place
    att_n = _l2norm(attractors, axis=1)                # [K, dim]
    similarities = v_unit @ att_n.T                    # [B, K]
    best_scores = jnp.max(similarities, axis=1)        # [B]
    best_idx = jnp.argmax(similarities, axis=1)        # [B]
    closest_att = jnp.take(att_n, best_idx, axis=0)    # [B, dim] gather
    alpha = ALPHA_BASE * (1.0 - best_scores[:, None])  # [B, 1]
    # confidence = 1 - normalized entropy of last-token logits
    last = logits[:, -1, :]                            # [B, V]
    logp = jax.nn.log_softmax(last, axis=-1)
    probs = jnp.exp(logp)
    entropy = -jnp.sum(probs * logp, axis=-1)
    confidence = 1.0 - entropy / np.log(last.shape[-1])
    alpha = alpha * confidence[:, None]
    # uncertainty penalty: max cosine similarity to stored uncertain regions
    act_n = _l2norm(v_norm, axis=1)
    reg_n = _l2norm(uncertainty_regions, axis=1)
    penalty = jnp.max(act_n @ reg_n.T, axis=1)         # [B]
    alpha = alpha * (1.0 - penalty[:, None] * 0.5)
    delta = jnp.clip(closest_att - v_unit, -MAX_DELTA, MAX_DELTA)
    steering = alpha * delta                           # [B, dim]
    # apply steering to every position of the sequence
    return hidden_states + steering[:, None, :]

if __name__ == "__main__":
    import jax
    _d = setup_inputs()
    print(jax.jit(kernel)(*tuple(_d.values())))

</pallas_src>

<mosaic_0001>
#map = affine_map<(d0, d1) -> (0, 0)>
module attributes {stable_mosaic.version = 14 : i64} {
  func.func @conf_kernel(%arg0: i32, %arg1: i32, %arg2: memref<32000x128xf32, #tpu.memory_space<hbm>>, %arg3: memref<128x128xf32, #tpu.memory_space<hbm>>, %arg4: memref<1000x128xf32, #tpu.memory_space<vmem>>, %arg5: memref<1x128xf32, #tpu.memory_space<vmem>>) attributes {dimension_semantics = [#tpu.dimension_semantics<core_parallel>, #tpu.dimension_semantics<subcore_parallel>], iteration_bounds = array<i64: 2, 16>, scalar_prefetch = 0 : i64, scratch_operands = 2 : i64, tpu.core_type = #tpu.core_type<sc_vector_subcore>, window_params = [{transform_indices = #map}, {transform_indices = #map}]} {
    %mul3A = arith.constant 2 : i32
    %mul3A_0 = arith.muli %arg1, %mul3A : i32
    %add3A = arith.addi %mul3A_0, %arg0 : i32
    %mul3A_1 = arith.constant 1000 : i32
    %mul3A_2 = arith.muli %add3A, %mul3A_1 : i32
    "tpu.region"() ({
      %run_scoped3A = tpu.sem_alloc : memref<!tpu.dma_semaphore, #tpu.memory_space<semaphore_mem>>
      %dma_start3A = arith.constant 0 : i32
      %dma_start3A_903 = tpu.memref_slice %arg2[%mul3A_2, %dma_start3A] : memref<32000x128xf32, #tpu.memory_space<hbm>> -> memref<1000x128xf32, #tpu.memory_space<hbm>>
      %dma_start3A_904 = arith.constant 0 : i32
      %dma_start3A_905 = tpu.memref_slice %arg2[%mul3A_2, %dma_start3A_904] : memref<32000x128xf32, #tpu.memory_space<hbm>> -> memref<1000x128xf32, #tpu.memory_space<hbm>>
      tpu.enqueue_dma source(%dma_start3A_905 : memref<1000x128xf32, #tpu.memory_space<hbm>>) target(%arg4 : memref<1000x128xf32, #tpu.memory_space<vmem>>) target_semaphore(%run_scoped3A : memref<!tpu.dma_semaphore, #tpu.memory_space<semaphore_mem>>)
      %dma_wait3A = arith.constant 0 : i32
      %dma_wait3A_906 = tpu.memref_slice %arg2[%mul3A_2, %dma_wait3A] : memref<32000x128xf32, #tpu.memory_space<hbm>> -> memref<1000x128xf32, #tpu.memory_space<hbm>>
      %dma_wait3A_907 = arith.constant 0 : i32
      %dma_wait3A_908 = tpu.memref_slice %arg2[%mul3A_2, %dma_wait3A_907] : memref<32000x128xf32, #tpu.memory_space<hbm>> -> memref<1000x128xf32, #tpu.memory_space<hbm>>
      tpu.wait_dma2 semaphore(%run_scoped3A : memref<!tpu.dma_semaphore, #tpu.memory_space<semaphore_mem>>) src(%dma_wait3A_908 : memref<1000x128xf32, #tpu.memory_space<hbm>>) dst(%arg4 : memref<1000x128xf32, #tpu.memory_space<vmem>>)
      tpu.yield
    }) : () -> ()
    %broadcast_in_dim3A = arith.constant 0xFF800000 : f32
    %broadcast_in_dim3A_3 = vector.broadcast %broadcast_in_dim3A : f32 to vector<16xf32>
    %broadcast_in_dim3A_4 = arith.constant 0xFF800000 : f32
    %broadcast_in_dim3A_5 = vector.broadcast %broadcast_in_dim3A_4 : f32 to vector<16xf32>
    %broadcast_in_dim3A_6 = arith.constant 0xFF800000 : f32
    %broadcast_in_dim3A_7 = vector.broadcast %broadcast_in_dim3A_6 : f32 to vector<16xf32>
    %broadcast_in_dim3A_8 = arith.constant 0xFF800000 : f32
    %broadcast_in_dim3A_9 = vector.broadcast %broadcast_in_dim3A_8 : f32 to vector<16xf32>
    %scan3A = arith.constant 0 : i32
    %scan3A_10 = arith.constant 250 : i32
    %scan3A_11 = arith.addi %scan3A, %scan3A_10 : i32
    %scan3A_12 = arith.constant 1 : i32
    %scan3A_13:4 = scf.for %scan3A_903 = %scan3A to %scan3A_11 step %scan3A_12 iter_args(%scan3A_904 = %broadcast_in_dim3A_3, %scan3A_905 = %broadcast_in_dim3A_5, %scan3A_906 = %broadcast_in_dim3A_7, %scan3A_907 = %broadcast_in_dim3A_9) -> (vector<16xf32>, vector<16xf32>, vector<16xf32>, vector<16xf32>)  : i32 {
      %add3A_908 = arith.constant 0 : i32
      %add3A_909 = arith.addi %add3A_908, %scan3A_903 : i32
      %get3A = arith.index_cast %add3A_909 : i32 to index
      %get3A_910 = arith.constant 0 : index
      %get3A_911 = tpu.vector_load %arg4[%get3A, %get3A_910] {strides = array<i32>} : memref<1000x128xf32, #tpu.memory_space<vmem>>, vector<1x16xf32>,
      %get3A_912 = vector.shape_cast %get3A_911 : vector<1x16xf32> to vector<16xf32>
      %max3A_913 = arith.maximumf %scan3A_904, %get3A_912 : vector<16xf32>
      %add3A_914 = arith.constant 0 : i32
      %add3A_915 = arith.addi %add3A_914, %scan3A_903 : i32
      %get3A_916 = arith.index_cast %add3A_915 : i32 to index
      %get3A_917 = arith.constant 16 : index
      %get3A_918 = tpu.vector_load %arg4[%get3A_916, %get3A_917] {strides = array<i32>} : memref<1000x128xf32, #tpu.memory_space<vmem>>, vector<1x16xf32>,
      %get3A_919 = vector.shape_cast %get3A_918 : vector<1x16xf32> to vector<16xf32>
      %max3A_920 = arith.maximumf %max3A_913, %get3A_919 : vector<16xf32>
      %add3A_921 = arith.constant 0 : i32
      %add3A_922 = arith.addi %add3A_921, %scan3A_903 : i32
      %get3A_923 = arith.index_cast %add3A_922 : i32 to index
      %get3A_924 = arith.constant 32 : index
      %get3A_925 = tpu.vector_load %arg4[%get3A_923, %get3A_924] {strides = array<i32>} : memref<1000x128xf32, #tpu.memory_space<vmem>>, vector<1x16xf32>,
      %get3A_926 = vector.shape_cast %get3A_925 : vector<1x16xf32> to vector<16xf32>
      %max3A_927 = arith.maximumf %max3A_920, %get3A_926 : vector<16xf32>
      %add3A_928 = arith.constant 0 : i32
      %add3A_929 = arith.addi %add3A_928, %scan3A_903 : i32
      %get3A_930 = arith.index_cast %add3A_929 : i32 to index
      %get3A_931 = arith.constant 48 : index
      %get3A_932 = tpu.vector_load %arg4[%get3A_930, %get3A_931] {strides = array<i32>} : memref<1000x128xf32, #tpu.memory_space<vmem>>, vector<1x16xf32>,
      %get3A_933 = vector.shape_cast %get3A_932 : vector<1x16xf32> to vector<16xf32>
      %max3A_934 = arith.maximumf %max3A_927, %get3A_933 : vector<16xf32>
      %add3A_935 = arith.constant 0 : i32
      %add3A_936 = arith.addi %add3A_935, %scan3A_903 : i32
      %get3A_937 = arith.index_cast %add3A_936 : i32 to index
      %get3A_938 = arith.constant 64 : index
      %get3A_939 = tpu.vector_load %arg4[%get3A_937, %get3A_938] {strides = array<i32>} : memref<1000x128xf32, #tpu.memory_space<vmem>>, vector<1x16xf32>,
      %get3A_940 = vector.shape_cast %get3A_939 : vector<1x16xf32> to vector<16xf32>
      %max3A_941 = arith.maximumf %max3A_934, %get3A_940 : vector<16xf32>
      %add3A_942 = arith.constant 0 : i32
      %add3A_943 = arith.addi %add3A_942, %scan3A_903 : i32
      %get3A_944 = arith.index_cast %add3A_943 : i32 to index
      %get3A_945 = arith.constant 80 : index
      %get3A_946 = tpu.vector_load %arg4[%get3A_944, %get3A_945] {strides = array<i32>} : memref<1000x128xf32, #tpu.memory_space<vmem>>, vector<1x16xf32>,
      %get3A_947 = vector.shape_cast %get3A_946 : vector<1x16xf32> to vector<16xf32>
      %max3A_948 = arith.maximumf %max3A_941, %get3A_947 : vector<16xf32>
      %add3A_949 = arith.constant 0 : i32
      %add3A_950 = arith.addi %add3A_949, %scan3A_903 : i32
      %get3A_951 = arith.index_cast %add3A_950 : i32 to index
      %get3A_952 = arith.constant 96 : index
      %get3A_953 = tpu.vector_load %arg4[%get3A_951, %get3A_952] {strides = array<i32>} : memref<1000x128xf32, #tpu.memory_space<vmem>>, vector<1x16xf32>,
      %get3A_954 = vector.shape_cast %get3A_953 : vector<1x16xf32> to vector<16xf32>
      %max3A_955 = arith.maximumf %max3A_948, %get3A_954 : vector<16xf32>
      %add3A_956 = arith.constant 0 : i32
      %add3A_957 = arith.addi %add3A_956, %scan3A_903 : i32
      %get3A_958 = arith.index_cast %add3A_957 : i32 to index
      %get3A_959 = arith.constant 112 : index
      %get3A_960 = tpu.vector_load %arg4[%get3A_958, %get3A_959] {strides = array<i32>} : memref<1000x128xf32, #tpu.memory_space<vmem>>, vector<1x16xf32>,
      %get3A_961 = vector.shape_cast %get3A_960 : vector<1x16xf32> to vector<16xf32>
      %max3A_962 = arith.maximumf %max3A_955, %get3A_961 : vector<16xf32>
      %add3A_963 = arith.constant 250 : i32
      %add3A_964 = arith.addi %add3A_963, %scan3A_903 : i32
      %get3A_965 = arith.index_cast %add3A_964 : i32 to index
      %get3A_966 = arith.constant 0 : index
      %get3A_967 = tpu.vector_load %arg4[%get3A_965, %get3A_966] {strides = array<i32>} : memref<1000x128xf32, #tpu.memory_space<vmem>>, vector<1x16xf32>,
      %get3A_968 = vector.shape_cast %get3A_967 : vector<1x16xf32> to vector<16xf32>
      %max3A_969 = arith.maximumf %scan3A_905, %get3A_968 : vector<16xf32>
      %add3A_970 = arith.constant 250 : i32
      %add3A_971 = arith.addi %add3A_970, %scan3A_903 : i32
      %get3A_972 = arith.index_cast %add3A_971 : i32 to index
      %get3A_973 = arith.constant 16 : index
      %get3A_974 = tpu.vector_load %arg4[%get3A_972, %get3A_973] {strides = array<i32>} : memref<1000x128xf32, #tpu.memory_space<vmem>>, vector<1x16xf32>,
      %get3A_975 = vector.shape_cast %get3A_974 : vector<1x16xf32> to vector<16xf32>
      %max3A_976 = arith.maximumf %max3A_969, %get3A_975 : vector<16xf32>
      %add3A_977 = arith.constant 250 : i32
      %add3A_978 = arith.addi %add3A_977, %scan3A_903 : i32
      %get3A_979 = arith.index_cast %add3A_978 : i32 to index
      %get3A_980 = arith.constant 32 : index
      %get3A_981 = tpu.vector_load %arg4[%get3A_979, %get3A_980] {strides = array<i32>} : memref<1000x128xf32, #tpu.memory_space<vmem>>, vector<1x16xf32>,
      %get3A_982 = vector.shape_cast %get3A_981 : vector<1x16xf32> to vector<16xf32>
      %max3A_983 = arith.maximumf %max3A_976, %get3A_982 : vector<16xf32>
      %add3A_984 = arith.constant 250 : i32
      %add3A_985 = arith.addi %add3A_984, %scan3A_903 : i32
      %get3A_986 = arith.index_cast %add3A_985 : i32 to index
      %get3A_987 = arith.constant 48 : index
      %get3A_988 = tpu.vector_load %arg4[%get3A_986, %get3A_987] {strides = array<i32>} : memref<1000x128xf32, #tpu.memory_space<vmem>>, vector<1x16xf32>,
      %get3A_989 = vector.shape_cast %get3A_988 : vector<1x16xf32> to vector<16xf32>
      %max3A_990 = arith.maximumf %max3A_983, %get3A_989 : vector<16xf32>
      %add3A_991 = arith.constant 250 : i32
      %add3A_992 = arith.addi %add3A_991, %scan3A_903 : i32
      %get3A_993 = arith.index_cast %add3A_992 : i32 to index
      %get3A_994 = arith.constant 64 : index
      %get3A_995 = tpu.vector_load %arg4[%get3A_993, %get3A_994] {strides = array<i32>} : memref<1000x128xf32, #tpu.memory_space<vmem>>, vector<1x16xf32>,
      %get3A_996 = vector.shape_cast %get3A_995 : vector<1x16xf32> to vector<16xf32>
      %max3A_997 = arith.maximumf %max3A_990, %get3A_996 : vector<16xf32>
      %add3A_998 = arith.constant 250 : i32
      %add3A_999 = arith.addi %add3A_998, %scan3A_903 : i32
      %get3A_1000 = arith.index_cast %add3A_999 : i32 to index
      %get3A_1001 = arith.constant 80 : index
      %get3A_1002 = tpu.vector_load %arg4[%get3A_1000, %get3A_1001] {strides = array<i32>} : memref<1000x128xf32, #tpu.memory_space<vmem>>, vector<1x16xf32>,
      %get3A_1003 = vector.shape_cast %get3A_1002 : vector<1x16xf32> to vector<16xf32>
      %max3A_1004 = arith.maximumf %max3A_997, %get3A_1003 : vector<16xf32>
      %add3A_1005 = arith.constant 250 : i32
      %add3A_1006 = arith.addi %add3A_1005, %scan3A_903 : i32
      %get3A_1007 = arith.index_cast %add3A_1006 : i32 to index
      %get3A_1008 = arith.constant 96 : index
      %get3A_1009 = tpu.vector_load %arg4[%get3A_1007, %get3A_1008] {strides = array<i32>} : memref<1000x128xf32, #tpu.memory_space<vmem>>, vector<1x16xf32>,
      %get3A_1010 = vector.shape_cast %get3A_1009 : vector<1x16xf32> to vector<16xf32>
      %max3A_1011 = arith.maximumf %max3A_1004, %get3A_1010 : vector<16xf32>
      %add3A_1012 = arith.constant 250 : i32
      %add3A_1013 = arith.addi %add3A_1012, %scan3A_903 : i32
      %get3A_1014 = arith.index_cast %add3A_1013 : i32 to index
      %get3A_1015 = arith.constant 112 : index
      %get3A_1016 = tpu.vector_load %arg4[%get3A_1014, %get3A_1015] {strides = array<i32>} : memref<1000x128xf32, #tpu.memory_space<vmem>>, vector<1x16xf32>,
      %get3A_1017 = vector.shape_cast %get3A_1016 : vector<1x16xf32> to vector<16xf32>
      %max3A_1018 = arith.maximumf %max3A_1011, %get3A_1017 : vector<16xf32>
      %add3A_1019 = arith.constant 500 : i32
      %add3A_1020 = arith.addi %add3A_1019, %scan3A_903 : i32
      %get3A_1021 = arith.index_cast %add3A_1020 : i32 to index
      %get3A_1022 = arith.constant 0 : index
      %get3A_1023 = tpu.vector_load %arg4[%get3A_1021, %get3A_1022] {strides = array<i32>} : memref<1000x128xf32, #tpu.memory_space<vmem>>, vector<1x16xf32>,
      %get3A_1024 = vector.shape_cast %get3A_1023 : vector<1x16xf32> to vector<16xf32>
      %max3A_1025 = arith.maximumf %scan3A_906, %get3A_1024 : vector<16xf32>
      %add3A_1026 = arith.constant 500 : i32
      %add3A_1027 = arith.addi %add3A_1026, %scan3A_903 : i32
      %get3A_1028 = arith.index_cast %add3A_1027 : i32 to index
      %get3A_1029 = arith.constant 16 : index
      %get3A_1030 = tpu.vector_load %arg4[%get3A_1028, %get3A_1029] {strides = array<i32>} : memref<1000x128xf32, #tpu.memory_space<vmem>>, vector<1x16xf32>,
      %get3A_1031 = vector.shape_cast %get3A_1030 : vector<1x16xf32> to vector<16xf32>
      %max3A_1032 = arith.maximumf %max3A_1025, %get3A_1031 : vector<16xf32>
      %add3A_1033 = arith.constant 500 : i32
      %add3A_1034 = arith.addi %add3A_1033, %scan3A_903 : i32
      %get3A_1035 = arith.index_cast %add3A_1034 : i32 to index
      %get3A_1036 = arith.constant 32 : index
      %get3A_1037 = tpu.vector_load %arg4[%get3A_1035, %get3A_1036] {strides = array<i32>} : memref<1000x128xf32, #tpu.memory_space<vmem>>, vector<1x16xf32>,
      %get3A_1038 = vector.shape_cast %get3A_1037 : vector<1x16xf32> to vector<16xf32>
      %max3A_1039 = arith.maximumf %max3A_1032, %get3A_1038 : vector<16xf32>
      %add3A_1040 = arith.constant 500 : i32
      %add3A_1041 = arith.addi %add3A_1040, %scan3A_903 : i32
      %get3A_1042 = arith.index_cast %add3A_1041 : i32 to index
      %get3A_1043 = arith.constant 48 : index
      %get3A_1044 = tpu.vector_load %arg4[%get3A_1042, %get3A_1043] {strides = array<i32>} : memref<1000x128xf32, #tpu.memory_space<vmem>>, vector<1x16xf32>,
      %get3A_1045 = vector.shape_cast %get3A_1044 : vector<1x16xf32> to vector<16xf32>
      %max3A_1046 = arith.maximumf %max3A_1039, %get3A_1045 : vector<16xf32>
      %add3A_1047 = arith.constant 500 : i32
      %add3A_1048 = arith.addi %add3A_1047, %scan3A_903 : i32
      %get3A_1049 = arith.index_cast %add3A_1048 : i32 to index
      %get3A_1050 = arith.constant 64 : index
      %get3A_1051 = tpu.vector_load %arg4[%get3A_1049, %get3A_1050] {strides = array<i32>} : memref<1000x128xf32, #tpu.memory_space<vmem>>, vector<1x16xf32>,
      %get3A_1052 = vector.shape_cast %get3A_1051 : vector<1x16xf32> to vector<16xf32>
      %max3A_1053 = arith.maximumf %max3A_1046, %get3A_1052 : vector<16xf32>
      %add3A_1054 = arith.constant 500 : i32
      %add3A_1055 = arith.addi %add3A_1054, %scan3A_903 : i32
      %get3A_1056 = arith.index_cast %add3A_1055 : i32 to index
      %get3A_1057 = arith.constant 80 : index
      %get3A_1058 = tpu.vector_load %arg4[%get3A_1056, %get3A_1057] {strides = array<i32>} : memref<1000x128xf32, #tpu.memory_space<vmem>>, vector<1x16xf32>,
      %get3A_1059 = vector.shape_cast %get3A_1058 : vector<1x16xf32> to vector<16xf32>
      %max3A_1060 = arith.maximumf %max3A_1053, %get3A_1059 : vector<16xf32>
      %add3A_1061 = arith.constant 500 : i32
      %add3A_1062 = arith.addi %add3A_1061, %scan3A_903 : i32
      %get3A_1063 = arith.index_cast %add3A_1062 : i32 to index
      %get3A_1064 = arith.constant 96 : index
      %get3A_1065 = tpu.vector_load %arg4[%get3A_1063, %get3A_1064] {strides = array<i32>} : memref<1000x128xf32, #tpu.memory_space<vmem>>, vector<1x16xf32>,
      %get3A_1066 = vector.shape_cast %get3A_1065 : vector<1x16xf32> to vector<16xf32>
      %max3A_1067 = arith.maximumf %max3A_1060, %get3A_1066 : vector<16xf32>
      %add3A_1068 = arith.constant 500 : i32
      %add3A_1069 = arith.addi %add3A_1068, %scan3A_903 : i32
      %get3A_1070 = arith.index_cast %add3A_1069 : i32 to index
      %get3A_1071 = arith.constant 112 : index
      %get3A_1072 = tpu.vector_load %arg4[%get3A_1070, %get3A_1071] {strides = array<i32>} : memref<1000x128xf32, #tpu.memory_space<vmem>>, vector<1x16xf32>,
      %get3A_1073 = vector.shape_cast %get3A_1072 : vector<1x16xf32> to vector<16xf32>
      %max3A_1074 = arith.maximumf %max3A_1067, %get3A_1073 : vector<16xf32>
      %add3A_1075 = arith.constant 750 : i32
      %add3A_1076 = arith.addi %add3A_1075, %scan3A_903 : i32
      %get3A_1077 = arith.index_cast %add3A_1076 : i32 to index
      %get3A_1078 = arith.constant 0 : index
      %get3A_1079 = tpu.vector_load %arg4[%get3A_1077, %get3A_1078] {strides = array<i32>} : memref<1000x128xf32, #tpu.memory_space<vmem>>, vector<1x16xf32>,
      %get3A_1080 = vector.shape_cast %get3A_1079 : vector<1x16xf32> to vector<16xf32>
      %max3A_1081 = arith.maximumf %scan3A_907, %get3A_1080 : vector<16xf32>
      %add3A_1082 = arith.constant 750 : i32
      %add3A_1083 = arith.addi %add3A_1082, %scan3A_903 : i32
      %get3A_1084 = arith.index_cast %add3A_1083 : i32 to index
      %get3A_1085 = arith.constant 16 : index
      %get3A_1086 = tpu.vector_load %arg4[%get3A_1084, %get3A_1085] {strides = array<i32>} : memref<1000x128xf32, #tpu.memory_space<vmem>>, vector<1x16xf32>,
      %get3A_1087 = vector.shape_cast %get3A_1086 : vector<1x16xf32> to vector<16xf32>
      %max3A_1088 = arith.maximumf %max3A_1081, %get3A_1087 : vector<16xf32>
      %add3A_1089 = arith.constant 750 : i32
      %add3A_1090 = arith.addi %add3A_1089, %scan3A_903 : i32
      %get3A_1091 = arith.index_cast %add3A_1090 : i32 to index
      %get3A_1092 = arith.constant 32 : index
      %get3A_1093 = tpu.vector_load %arg4[%get3A_1091, %get3A_1092] {strides = array<i32>} : memref<1000x128xf32, #tpu.memory_space<vmem>>, vector<1x16xf32>,
      %get3A_1094 = vector.shape_cast %get3A_1093 : vector<1x16xf32> to vector<16xf32>
      %max3A_1095 = arith.maximumf %max3A_1088, %get3A_1094 : vector<16xf32>
      %add3A_1096 = arith.constant 750 : i32
      %add3A_1097 = arith.addi %add3A_1096, %scan3A_903 : i32
      %get3A_1098 = arith.index_cast %add3A_1097 : i32 to index
      %get3A_1099 = arith.constant 48 : index
      %get3A_1100 = tpu.vector_load %arg4[%get3A_1098, %get3A_1099] {strides = array<i32>} : memref<1000x128xf32, #tpu.memory_space<vmem>>, vector<1x16xf32>,
      %get3A_1101 = vector.shape_cast %get3A_1100 : vector<1x16xf32> to vector<16xf32>
      %max3A_1102 = arith.maximumf %max3A_1095, %get3A_1101 : vector<16xf32>
      %add3A_1103 = arith.constant 750 : i32
      %add3A_1104 = arith.addi %add3A_1103, %scan3A_903 : i32
      %get3A_1105 = arith.index_cast %add3A_1104 : i32 to index
      %get3A_1106 = arith.constant 64 : index
      %get3A_1107 = tpu.vector_load %arg4[%get3A_1105, %get3A_1106] {strides = array<i32>} : memref<1000x128xf32, #tpu.memory_space<vmem>>, vector<1x16xf32>,
      %get3A_1108 = vector.shape_cast %get3A_1107 : vector<1x16xf32> to vector<16xf32>
      %max3A_1109 = arith.maximumf %max3A_1102, %get3A_1108 : vector<16xf32>
      %add3A_1110 = arith.constant 750 : i32
      %add3A_1111 = arith.addi %add3A_1110, %scan3A_903 : i32
      %get3A_1112 = arith.index_cast %add3A_1111 : i32 to index
      %get3A_1113 = arith.constant 80 : index
      %get3A_1114 = tpu.vector_load %arg4[%get3A_1112, %get3A_1113] {strides = array<i32>} : memref<1000x128xf32, #tpu.memory_space<vmem>>, vector<1x16xf32>,
      %get3A_1115 = vector.shape_cast %get3A_1114 : vector<1x16xf32> to vector<16xf32>
      %max3A_1116 = arith.maximumf %max3A_1109, %get3A_1115 : vector<16xf32>
      %add3A_1117 = arith.constant 750 : i32
      %add3A_1118 = arith.addi %add3A_1117, %scan3A_903 : i32
      %get3A_1119 = arith.index_cast %add3A_1118 : i32 to index
      %get3A_1120 = arith.constant 96 : index
      %get3A_1121 = tpu.vector_load %arg4[%get3A_1119, %get3A_1120] {strides = array<i32>} : memref<1000x128xf32, #tpu.memory_space<vmem>>, vector<1x16xf32>,
      %get3A_1122 = vector.shape_cast %get3A_1121 : vector<1x16xf32> to vector<16xf32>
      %max3A_1123 = arith.maximumf %max3A_1116, %get3A_1122 : vector<16xf32>
      %add3A_1124 = arith.constant 750 : i32
      %add3A_1125 = arith.addi %add3A_1124, %scan3A_903 : i32
      %get3A_1126 = arith.index_cast %add3A_1125 : i32 to index
      %get3A_1127 = arith.constant 112 : index
      %get3A_1128 = tpu.vector_load %arg4[%get3A_1126, %get3A_1127] {strides = array<i32>} : memref<1000x128xf32, #tpu.memory_space<vmem>>, vector<1x16xf32>,
      %get3A_1129 = vector.shape_cast %get3A_1128 : vector<1x16xf32> to vector<16xf32>
      %max3A_1130 = arith.maximumf %max3A_1123, %get3A_1129 : vector<16xf32>
      scf.yield %max3A_962, %max3A_1018, %max3A_1074, %max3A_1130 : vector<16xf32>, vector<16xf32>, vector<16xf32>, vector<16xf32>
    }
    %scan3A_14 = arith.constant 250 : i32
    %iota3A = tpu.iota {dimensions = array<i32: 0>} : vector<16xi32>
    %xor3A = arith.constant 1 : i32
    %xor3A_15 = vector.broadcast %xor3A : i32 to vector<16xi32>
    %xor3A_16 = arith.xori %iota3A, %xor3A_15 : vector<16xi32>
    %lt3A = arith.constant 0 : i32
    %lt3A_17 = vector.broadcast %lt3A : i32 to vector<16xi32>
    %lt3A_18 = arith.cmpi slt, %xor3A_16, %lt3A_17 : vector<16xi32>
    %add3A_19 = arith.constant 16 : i32
    %add3A_20 = vector.broadcast %add3A_19 : i32 to vector<16xi32>
    %add3A_21 = arith.addi %xor3A_16, %add3A_20 : vector<16xi32>
    %select_n3A = arith.select %lt3A_18, %add3A_21, %xor3A_16 : vector<16xi1>, vector<16xi32>
    %broadcast_in_dim3A_22 = vector.shape_cast %select_n3A : vector<16xi32> to vector<16x1xi32>
    %gather3A = vector.shape_cast %broadcast_in_dim3A_22 : vector<16x1xi32> to vector<16xi32>
    %gather3A_23 = tpu.dynamic_gather %scan3A_13#0[%gather3A] in [0] : vector<16xf32>, vector<16xi32> -> vector<16xf32>
    %max3A = arith.maximumf %scan3A_13#0, %gather3A_23 : vector<16xf32>
    %xor3A_24 = arith.constant 2 : i32
    %xor3A_25 = vector.broadcast %xor3A_24 : i32 to vector<16xi32>
    %xor3A_26 = arith.xori %iota3A, %xor3A_25 : vector<16xi32>
    %lt3A_27 = arith.constant 0 : i32
    %lt3A_28 = vector.broadcast %lt3A_27 : i32 to vector<16xi32>
    %lt3A_29 = arith.cmpi slt, %xor3A_26, %lt3A_28 : vector<16xi32>
    %add3A_30 = arith.constant 16 : i32
    %add3A_31 = vector.broadcast %add3A_30 : i32 to vector<16xi32>
    %add3A_32 = arith.addi %xor3A_26, %add3A_31 : vector<16xi32>
    %select_n3A_33 = arith.select %lt3A_29, %add3A_32, %xor3A_26 : vector<16xi1>, vector<16xi32>
    %broadcast_in_dim3A_34 = vector.shape_cast %select_n3A_33 : vector<16xi32> to vector<16x1xi32>
    %gather3A_35 = vector.shape_cast %broadcast_in_dim3A_34 : vector<16x1xi32> to vector<16xi32>
    %gather3A_36 = tpu.dynamic_gather %max3A[%gather3A_35] in [0] : vector<16xf32>, vector<16xi32> -> vector<16xf32>
    %max3A_37 = arith.maximumf %max3A, %gather3A_36 : vector<16xf32>
    %xor3A_38 = arith.constant 4 : i32
    %xor3A_39 = vector.broadcast %xor3A_38 : i32 to vector<16xi32>
    %xor3A_40 = arith.xori %iota3A, %xor3A_39 : vector<16xi32>
    %lt3A_41 = arith.constant 0 : i32
    %lt3A_42 = vector.broadcast %lt3A_41 : i32 to vector<16xi32>
    %lt3A_43 = arith.cmpi slt, %xor3A_40, %lt3A_42 : vector<16xi32>
    %add3A_44 = arith.constant 16 : i32
    %add3A_45 = vector.broadcast %add3A_44 : i32 to vector<16xi32>
    %add3A_46 = arith.addi %xor3A_40, %add3A_45 : vector<16xi32>
    %select_n3A_47 = arith.select %lt3A_43, %add3A_46, %xor3A_40 : vector<16xi1>, vector<16xi32>
    %broadcast_in_dim3A_48 = vector.shape_cast %select_n3A_47 : vector<16xi32> to vector<16x1xi32>
    %gather3A_49 = vector.shape_cast %broadcast_in_dim3A_48 : vector<16x1xi32> to vector<16xi32>
    %gather3A_50 = tpu.dynamic_gather %max3A_37[%gather3A_49] in [0] : vector<16xf32>, vector<16xi32> -> vector<16xf32>
    %max3A_51 = arith.maximumf %max3A_37, %gather3A_50 : vector<16xf32>
    %xor3A_52 = arith.constant 8 : i32
    %xor3A_53 = vector.broadcast %xor3A_52 : i32 to vector<16xi32>
    %xor3A_54 = arith.xori %iota3A, %xor3A_53 : vector<16xi32>
    %lt3A_55 = arith.constant 0 : i32
    %lt3A_56 = vector.broadcast %lt3A_55 : i32 to vector<16xi32>
    %lt3A_57 = arith.cmpi slt, %xor3A_54, %lt3A_56 : vector<16xi32>
    %add3A_58 = arith.constant 16 : i32
    %add3A_59 = vector.broadcast %add3A_58 : i32 to vector<16xi32>
    %add3A_60 = arith.addi %xor3A_54, %add3A_59 : vector<16xi32>
    %select_n3A_61 = arith.select %lt3A_57, %add3A_60, %xor3A_54 : vector<16xi1>, vector<16xi32>
    %broadcast_in_dim3A_62 = vector.shape_cast %select_n3A_61 : vector<16xi32> to vector<16x1xi32>
    %gather3A_63 = vector.shape_cast %broadcast_in_dim3A_62 : vector<16x1xi32> to vector<16xi32>
    %gather3A_64 = tpu.dynamic_gather %max3A_51[%gather3A_63] in [0] : vector<16xf32>, vector<16xi32> -> vector<16xf32>
    %max3A_65 = arith.maximumf %max3A_51, %gather3A_64 : vector<16xf32>
    %xor3A_66 = arith.constant 1 : i32
    %xor3A_67 = vector.broadcast %xor3A_66 : i32 to vector<16xi32>
    %xor3A_68 = arith.xori %iota3A, %xor3A_67 : vector<16xi32>
    %lt3A_69 = arith.constant 0 : i32
    %lt3A_70 = vector.broadcast %lt3A_69 : i32 to vector<16xi32>
    %lt3A_71 = arith.cmpi slt, %xor3A_68, %lt3A_70 : vector<16xi32>
    %add3A_72 = arith.constant 16 : i32
    %add3A_73 = vector.broadcast %add3A_72 : i32 to vector<16xi32>
    %add3A_74 = arith.addi %xor3A_68, %add3A_73 : vector<16xi32>
    %select_n3A_75 = arith.select %lt3A_71, %add3A_74, %xor3A_68 : vector<16xi1>, vector<16xi32>
    %broadcast_in_dim3A_76 = vector.shape_cast %select_n3A_75 : vector<16xi32> to vector<16x1xi32>
    %gather3A_77 = vector.shape_cast %broadcast_in_dim3A_76 : vector<16x1xi32> to vector<16xi32>
    %gather3A_78 = tpu.dynamic_gather %scan3A_13#1[%gather3A_77] in [0] : vector<16xf32>, vector<16xi32> -> vector<16xf32>
    %max3A_79 = arith.maximumf %scan3A_13#1, %gather3A_78 : vector<16xf32>
    %xor3A_80 = arith.constant 2 : i32
    %xor3A_81 = vector.broadcast %xor3A_80 : i32 to vector<16xi32>
    %xor3A_82 = arith.xori %iota3A, %xor3A_81 : vector<16xi32>
    %lt3A_83 = arith.constant 0 : i32
    %lt3A_84 = vector.broadcast %lt3A_83 : i32 to vector<16xi32>
    %lt3A_85 = arith.cmpi slt, %xor3A_82, %lt3A_84 : vector<16xi32>
    %add3A_86 = arith.constant 16 : i32
    %add3A_87 = vector.broadcast %add3A_86 : i32 to vector<16xi32>
    %add3A_88 = arith.addi %xor3A_82, %add3A_87 : vector<16xi32>
    %select_n3A_89 = arith.select %lt3A_85, %add3A_88, %xor3A_82 : vector<16xi1>, vector<16xi32>
    %broadcast_in_dim3A_90 = vector.shape_cast %select_n3A_89 : vector<16xi32> to vector<16x1xi32>
    %gather3A_91 = vector.shape_cast %broadcast_in_dim3A_90 : vector<16x1xi32> to vector<16xi32>
    %gather3A_92 = tpu.dynamic_gather %max3A_79[%gather3A_91] in [0] : vector<16xf32>, vector<16xi32> -> vector<16xf32>
    %max3A_93 = arith.maximumf %max3A_79, %gather3A_92 : vector<16xf32>
    %xor3A_94 = arith.constant 4 : i32
    %xor3A_95 = vector.broadcast %xor3A_94 : i32 to vector<16xi32>
    %xor3A_96 = arith.xori %iota3A, %xor3A_95 : vector<16xi32>
    %lt3A_97 = arith.constant 0 : i32
    %lt3A_98 = vector.broadcast %lt3A_97 : i32 to vector<16xi32>
    %lt3A_99 = arith.cmpi slt, %xor3A_96, %lt3A_98 : vector<16xi32>
    %add3A_100 = arith.constant 16 : i32
    %add3A_101 = vector.broadcast %add3A_100 : i32 to vector<16xi32>
    %add3A_102 = arith.addi %xor3A_96, %add3A_101 : vector<16xi32>
    %select_n3A_103 = arith.select %lt3A_99, %add3A_102, %xor3A_96 : vector<16xi1>, vector<16xi32>
    %broadcast_in_dim3A_104 = vector.shape_cast %select_n3A_103 : vector<16xi32> to vector<16x1xi32>
    %gather3A_105 = vector.shape_cast %broadcast_in_dim3A_104 : vector<16x1xi32> to vector<16xi32>
    %gather3A_106 = tpu.dynamic_gather %max3A_93[%gather3A_105] in [0] : vector<16xf32>, vector<16xi32> -> vector<16xf32>
    %max3A_107 = arith.maximumf %max3A_93, %gather3A_106 : vector<16xf32>
    %xor3A_108 = arith.constant 8 : i32
    %xor3A_109 = vector.broadcast %xor3A_108 : i32 to vector<16xi32>
    %xor3A_110 = arith.xori %iota3A, %xor3A_109 : vector<16xi32>
    %lt3A_111 = arith.constant 0 : i32
    %lt3A_112 = vector.broadcast %lt3A_111 : i32 to vector<16xi32>
    %lt3A_113 = arith.cmpi slt, %xor3A_110, %lt3A_112 : vector<16xi32>
    %add3A_114 = arith.constant 16 : i32
    %add3A_115 = vector.broadcast %add3A_114 : i32 to vector<16xi32>
    %add3A_116 = arith.addi %xor3A_110, %add3A_115 : vector<16xi32>
    %select_n3A_117 = arith.select %lt3A_113, %add3A_116, %xor3A_110 : vector<16xi1>, vector<16xi32>
    %broadcast_in_dim3A_118 = vector.shape_cast %select_n3A_117 : vector<16xi32> to vector<16x1xi32>
    %gather3A_119 = vector.shape_cast %broadcast_in_dim3A_118 : vector<16x1xi32> to vector<16xi32>
    %gather3A_120 = tpu.dynamic_gather %max3A_107[%gather3A_119] in [0] : vector<16xf32>, vector<16xi32> -> vector<16xf32>
    %max3A_121 = arith.maximumf %max3A_107, %gather3A_120 : vector<16xf32>
    %xor3A_122 = arith.constant 1 : i32
    %xor3A_123 = vector.broadcast %xor3A_122 : i32 to vector<16xi32>
    %xor3A_124 = arith.xori %iota3A, %xor3A_123 : vector<16xi32>
    %lt3A_125 = arith.constant 0 : i32
    %lt3A_126 = vector.broadcast %lt3A_125 : i32 to vector<16xi32>
    %lt3A_127 = arith.cmpi slt, %xor3A_124, %lt3A_126 : vector<16xi32>
    %add3A_128 = arith.constant 16 : i32
    %add3A_129 = vector.broadcast %add3A_128 : i32 to vector<16xi32>
    %add3A_130 = arith.addi %xor3A_124, %add3A_129 : vector<16xi32>
    %select_n3A_131 = arith.select %lt3A_127, %add3A_130, %xor3A_124 : vector<16xi1>, vector<16xi32>
    %broadcast_in_dim3A_132 = vector.shape_cast %select_n3A_131 : vector<16xi32> to vector<16x1xi32>
    %gather3A_133 = vector.shape_cast %broadcast_in_dim3A_132 : vector<16x1xi32> to vector<16xi32>
    %gather3A_134 = tpu.dynamic_gather %scan3A_13#2[%gather3A_133] in [0] : vector<16xf32>, vector<16xi32> -> vector<16xf32>
    %max3A_135 = arith.maximumf %scan3A_13#2, %gather3A_134 : vector<16xf32>
    %xor3A_136 = arith.constant 2 : i32
    %xor3A_137 = vector.broadcast %xor3A_136 : i32 to vector<16xi32>
    %xor3A_138 = arith.xori %iota3A, %xor3A_137 : vector<16xi32>
    %lt3A_139 = arith.constant 0 : i32
    %lt3A_140 = vector.broadcast %lt3A_139 : i32 to vector<16xi32>
    %lt3A_141 = arith.cmpi slt, %xor3A_138, %lt3A_140 : vector<16xi32>
    %add3A_142 = arith.constant 16 : i32
    %add3A_143 = vector.broadcast %add3A_142 : i32 to vector<16xi32>
    %add3A_144 = arith.addi %xor3A_138, %add3A_143 : vector<16xi32>
    %select_n3A_145 = arith.select %lt3A_141, %add3A_144, %xor3A_138 : vector<16xi1>, vector<16xi32>
    %broadcast_in_dim3A_146 = vector.shape_cast %select_n3A_145 : vector<16xi32> to vector<16x1xi32>
    %gather3A_147 = vector.shape_cast %broadcast_in_dim3A_146 : vector<16x1xi32> to vector<16xi32>
    %gather3A_148 = tpu.dynamic_gather %max3A_135[%gather3A_147] in [0] : vector<16xf32>, vector<16xi32> -> vector<16xf32>
    %max3A_149 = arith.maximumf %max3A_135, %gather3A_148 : vector<16xf32>
    %xor3A_150 = arith.constant 4 : i32
    %xor3A_151 = vector.broadcast %xor3A_150 : i32 to vector<16xi32>
    %xor3A_152 = arith.xori %iota3A, %xor3A_151 : vector<16xi32>
    %lt3A_153 = arith.constant 0 : i32
    %lt3A_154 = vector.broadcast %lt3A_153 : i32 to vector<16xi32>
    %lt3A_155 = arith.cmpi slt, %xor3A_152, %lt3A_154 : vector<16xi32>
    %add3A_156 = arith.constant 16 : i32
    %add3A_157 = vector.broadcast %add3A_156 : i32 to vector<16xi32>
    %add3A_158 = arith.addi %xor3A_152, %add3A_157 : vector<16xi32>
    %select_n3A_159 = arith.select %lt3A_155, %add3A_158, %xor3A_152 : vector<16xi1>, vector<16xi32>
    %broadcast_in_dim3A_160 = vector.shape_cast %select_n3A_159 : vector<16xi32> to vector<16x1xi32>
    %gather3A_161 = vector.shape_cast %broadcast_in_dim3A_160 : vector<16x1xi32> to vector<16xi32>
    %gather3A_162 = tpu.dynamic_gather %max3A_149[%gather3A_161] in [0] : vector<16xf32>, vector<16xi32> -> vector<16xf32>
    %max3A_163 = arith.maximumf %max3A_149, %gather3A_162 : vector<16xf32>
    %xor3A_164 = arith.constant 8 : i32
    %xor3A_165 = vector.broadcast %xor3A_164 : i32 to vector<16xi32>
    %xor3A_166 = arith.xori %iota3A, %xor3A_165 : vector<16xi32>
    %lt3A_167 = arith.constant 0 : i32
    %lt3A_168 = vector.broadcast %lt3A_167 : i32 to vector<16xi32>
    %lt3A_169 = arith.cmpi slt, %xor3A_166, %lt3A_168 : vector<16xi32>
    %add3A_170 = arith.constant 16 : i32
    %add3A_171 = vector.broadcast %add3A_170 : i32 to vector<16xi32>
    %add3A_172 = arith.addi %xor3A_166, %add3A_171 : vector<16xi32>
    %select_n3A_173 = arith.select %lt3A_169, %add3A_172, %xor3A_166 : vector<16xi1>, vector<16xi32>
    %broadcast_in_dim3A_174 = vector.shape_cast %select_n3A_173 : vector<16xi32> to vector<16x1xi32>
    %gather3A_175 = vector.shape_cast %broadcast_in_dim3A_174 : vector<16x1xi32> to vector<16xi32>
    %gather3A_176 = tpu.dynamic_gather %max3A_163[%gather3A_175] in [0] : vector<16xf32>, vector<16xi32> -> vector<16xf32>
    %max3A_177 = arith.maximumf %max3A_163, %gather3A_176 : vector<16xf32>
    %xor3A_178 = arith.constant 1 : i32
    %xor3A_179 = vector.broadcast %xor3A_178 : i32 to vector<16xi32>
    %xor3A_180 = arith.xori %iota3A, %xor3A_179 : vector<16xi32>
    %lt3A_181 = arith.constant 0 : i32
    %lt3A_182 = vector.broadcast %lt3A_181 : i32 to vector<16xi32>
    %lt3A_183 = arith.cmpi slt, %xor3A_180, %lt3A_182 : vector<16xi32>
    %add3A_184 = arith.constant 16 : i32
    %add3A_185 = vector.broadcast %add3A_184 : i32 to vector<16xi32>
    %add3A_186 = arith.addi %xor3A_180, %add3A_185 : vector<16xi32>
    %select_n3A_187 = arith.select %lt3A_183, %add3A_186, %xor3A_180 : vector<16xi1>, vector<16xi32>
    %broadcast_in_dim3A_188 = vector.shape_cast %select_n3A_187 : vector<16xi32> to vector<16x1xi32>
    %gather3A_189 = vector.shape_cast %broadcast_in_dim3A_188 : vector<16x1xi32> to vector<16xi32>
    %gather3A_190 = tpu.dynamic_gather %scan3A_13#3[%gather3A_189] in [0] : vector<16xf32>, vector<16xi32> -> vector<16xf32>
    %max3A_191 = arith.maximumf %scan3A_13#3, %gather3A_190 : vector<16xf32>
    %xor3A_192 = arith.constant 2 : i32
    %xor3A_193 = vector.broadcast %xor3A_192 : i32 to vector<16xi32>
    %xor3A_194 = arith.xori %iota3A, %xor3A_193 : vector<16xi32>
    %lt3A_195 = arith.constant 0 : i32
    %lt3A_196 = vector.broadcast %lt3A_195 : i32 to vector<16xi32>
    %lt3A_197 = arith.cmpi slt, %xor3A_194, %lt3A_196 : vector<16xi32>
    %add3A_198 = arith.constant 16 : i32
    %add3A_199 = vector.broadcast %add3A_198 : i32 to vector<16xi32>
    %add3A_200 = arith.addi %xor3A_194, %add3A_199 : vector<16xi32>
    %select_n3A_201 = arith.select %lt3A_197, %add3A_200, %xor3A_194 : vector<16xi1>, vector<16xi32>
    %broadcast_in_dim3A_202 = vector.shape_cast %select_n3A_201 : vector<16xi32> to vector<16x1xi32>
    %gather3A_203 = vector.shape_cast %broadcast_in_dim3A_202 : vector<16x1xi32> to vector<16xi32>
    %gather3A_204 = tpu.dynamic_gather %max3A_191[%gather3A_203] in [0] : vector<16xf32>, vector<16xi32> -> vector<16xf32>
    %max3A_205 = arith.maximumf %max3A_191, %gather3A_204 : vector<16xf32>
    %xor3A_206 = arith.constant 4 : i32
    %xor3A_207 = vector.broadcast %xor3A_206 : i32 to vector<16xi32>
    %xor3A_208 = arith.xori %iota3A, %xor3A_207 : vector<16xi32>
    %lt3A_209 = arith.constant 0 : i32
    %lt3A_210 = vector.broadcast %lt3A_209 : i32 to vector<16xi32>
    %lt3A_211 = arith.cmpi slt, %xor3A_208, %lt3A_210 : vector<16xi32>
    %add3A_212 = arith.constant 16 : i32
    %add3A_213 = vector.broadcast %add3A_212 : i32 to vector<16xi32>
    %add3A_214 = arith.addi %xor3A_208, %add3A_213 : vector<16xi32>
    %select_n3A_215 = arith.select %lt3A_211, %add3A_214, %xor3A_208 : vector<16xi1>, vector<16xi32>
    %broadcast_in_dim3A_216 = vector.shape_cast %select_n3A_215 : vector<16xi32> to vector<16x1xi32>
    %gather3A_217 = vector.shape_cast %broadcast_in_dim3A_216 : vector<16x1xi32> to vector<16xi32>
    %gather3A_218 = tpu.dynamic_gather %max3A_205[%gather3A_217] in [0] : vector<16xf32>, vector<16xi32> -> vector<16xf32>
    %max3A_219 = arith.maximumf %max3A_205, %gather3A_218 : vector<16xf32>
    %xor3A_220 = arith.constant 8 : i32
    %xor3A_221 = vector.broadcast %xor3A_220 : i32 to vector<16xi32>
    %xor3A_222 = arith.xori %iota3A, %xor3A_221 : vector<16xi32>
    %lt3A_223 = arith.constant 0 : i32
    %lt3A_224 = vector.broadcast %lt3A_223 : i32 to vector<16xi32>
    %lt3A_225 = arith.cmpi slt, %xor3A_222, %lt3A_224 : vector<16xi32>
    %add3A_226 = arith.constant 16 : i32
    %add3A_227 = vector.broadcast %add3A_226 : i32 to vector<16xi32>
    %add3A_228 = arith.addi %xor3A_222, %add3A_227 : vector<16xi32>
    %select_n3A_229 = arith.select %lt3A_225, %add3A_228, %xor3A_222 : vector<16xi1>, vector<16xi32>
    %broadcast_in_dim3A_230 = vector.shape_cast %select_n3A_229 : vector<16xi32> to vector<16x1xi32>
    %gather3A_231 = vector.shape_cast %broadcast_in_dim3A_230 : vector<16x1xi32> to vector<16xi32>
    %gather3A_232 = tpu.dynamic_gather %max3A_219[%gather3A_231] in [0] : vector<16xf32>, vector<16xi32> -> vector<16xf32>
    %max3A_233 = arith.maximumf %max3A_219, %gather3A_232 : vector<16xf32>
    %broadcast_in_dim3A_234 = arith.constant 0.000000e+00 : f32
    %broadcast_in_dim3A_235 = vector.broadcast %broadcast_in_dim3A_234 : f32 to vector<16xf32>
    %broadcast_in_dim3A_236 = arith.constant 0.000000e+00 : f32
    %broadcast_in_dim3A_237 = vector.broadcast %broadcast_in_dim3A_236 : f32 to vector<16xf32>
    %broadcast_in_dim3A_238 = arith.constant 0.000000e+00 : f32
    %broadcast_in_dim3A_239 = vector.broadcast %broadcast_in_dim3A_238 : f32 to vector<16xf32>
    %broadcast_in_dim3A_240 = arith.constant 0.000000e+00 : f32
    %broadcast_in_dim3A_241 = vector.broadcast %broadcast_in_dim3A_240 : f32 to vector<16xf32>
    %scan3A_242 = arith.constant 0 : i32
    %scan3A_243 = arith.constant 250 : i32
    %scan3A_244 = arith.addi %scan3A_242, %scan3A_243 : i32
    %scan3A_245 = arith.constant 1 : i32
    %scan3A_246:8 = scf.for %scan3A_903 = %scan3A_242 to %scan3A_244 step %scan3A_245 iter_args(%scan3A_904 = %broadcast_in_dim3A_235, %scan3A_905 = %broadcast_in_dim3A_237, %scan3A_906 = %broadcast_in_dim3A_239, %scan3A_907 = %broadcast_in_dim3A_241, %scan3A_908 = %broadcast_in_dim3A_235, %scan3A_909 = %broadcast_in_dim3A_237, %scan3A_910 = %broadcast_in_dim3A_239, %scan3A_911 = %broadcast_in_dim3A_241) -> (vector<16xf32>, vector<16xf32>, vector<16xf32>, vector<16xf32>, vector<16xf32>, vector<16xf32>, vector<16xf32>, vector<16xf32>)  : i32 {
      %add3A_912 = arith.constant 0 : i32
      %add3A_913 = arith.addi %add3A_912, %scan3A_903 : i32
      %get3A = arith.index_cast %add3A_913 : i32 to index
      %get3A_914 = arith.constant 0 : index
      %get3A_915 = tpu.vector_load %arg4[%get3A, %get3A_914] {strides = array<i32>} : memref<1000x128xf32, #tpu.memory_space<vmem>>, vector<1x16xf32>,
      %get3A_916 = vector.shape_cast %get3A_915 : vector<1x16xf32> to vector<16xf32>
      %sub3A = arith.subf %get3A_916, %max3A_65 : vector<16xf32>
      %exp3A = math.exp %sub3A : vector<16xf32>
      %add3A_917 = arith.addf %scan3A_904, %exp3A : vector<16xf32>
      %mul3A_918 = arith.mulf %sub3A, %exp3A : vector<16xf32>
      %add3A_919 = arith.addf %scan3A_908, %mul3A_918 : vector<16xf32>
      %add3A_920 = arith.constant 0 : i32
      %add3A_921 = arith.addi %add3A_920, %scan3A_903 : i32
      %get3A_922 = arith.index_cast %add3A_921 : i32 to index
      %get3A_923 = arith.constant 16 : index
      %get3A_924 = tpu.vector_load %arg4[%get3A_922, %get3A_923] {strides = array<i32>} : memref<1000x128xf32, #tpu.memory_space<vmem>>, vector<1x16xf32>,
      %get3A_925 = vector.shape_cast %get3A_924 : vector<1x16xf32> to vector<16xf32>
      %sub3A_926 = arith.subf %get3A_925, %max3A_65 : vector<16xf32>
      %exp3A_927 = math.exp %sub3A_926 : vector<16xf32>
      %add3A_928 = arith.addf %add3A_917, %exp3A_927 : vector<16xf32>
      %mul3A_929 = arith.mulf %sub3A_926, %exp3A_927 : vector<16xf32>
      %add3A_930 = arith.addf %add3A_919, %mul3A_929 : vector<16xf32>
      %add3A_931 = arith.constant 0 : i32
      %add3A_932 = arith.addi %add3A_931, %scan3A_903 : i32
      %get3A_933 = arith.index_cast %add3A_932 : i32 to index
      %get3A_934 = arith.constant 32 : index
      %get3A_935 = tpu.vector_load %arg4[%get3A_933, %get3A_934] {strides = array<i32>} : memref<1000x128xf32, #tpu.memory_space<vmem>>, vector<1x16xf32>,
      %get3A_936 = vector.shape_cast %get3A_935 : vector<1x16xf32> to vector<16xf32>
      %sub3A_937 = arith.subf %get3A_936, %max3A_65 : vector<16xf32>
      %exp3A_938 = math.exp %sub3A_937 : vector<16xf32>
      %add3A_939 = arith.addf %add3A_928, %exp3A_938 : vector<16xf32>
      %mul3A_940 = arith.mulf %sub3A_937, %exp3A_938 : vector<16xf32>
      %add3A_941 = arith.addf %add3A_930, %mul3A_940 : vector<16xf32>
      %add3A_942 = arith.constant 0 : i32
      %add3A_943 = arith.addi %add3A_942, %scan3A_903 : i32
      %get3A_944 = arith.index_cast %add3A_943 : i32 to index
      %get3A_945 = arith.constant 48 : index
      %get3A_946 = tpu.vector_load %arg4[%get3A_944, %get3A_945] {strides = array<i32>} : memref<1000x128xf32, #tpu.memory_space<vmem>>, vector<1x16xf32>,
      %get3A_947 = vector.shape_cast %get3A_946 : vector<1x16xf32> to vector<16xf32>
      %sub3A_948 = arith.subf %get3A_947, %max3A_65 : vector<16xf32>
      %exp3A_949 = math.exp %sub3A_948 : vector<16xf32>
      %add3A_950 = arith.addf %add3A_939, %exp3A_949 : vector<16xf32>
      %mul3A_951 = arith.mulf %sub3A_948, %exp3A_949 : vector<16xf32>
      %add3A_952 = arith.addf %add3A_941, %mul3A_951 : vector<16xf32>
      %add3A_953 = arith.constant 0 : i32
      %add3A_954 = arith.addi %add3A_953, %scan3A_903 : i32
      %get3A_955 = arith.index_cast %add3A_954 : i32 to index
      %get3A_956 = arith.constant 64 : index
      %get3A_957 = tpu.vector_load %arg4[%get3A_955, %get3A_956] {strides = array<i32>} : memref<1000x128xf32, #tpu.memory_space<vmem>>, vector<1x16xf32>,
      %get3A_958 = vector.shape_cast %get3A_957 : vector<1x16xf32> to vector<16xf32>
      %sub3A_959 = arith.subf %get3A_958, %max3A_65 : vector<16xf32>
      %exp3A_960 = math.exp %sub3A_959 : vector<16xf32>
      %add3A_961 = arith.addf %add3A_950, %exp3A_960 : vector<16xf32>
      %mul3A_962 = arith.mulf %sub3A_959, %exp3A_960 : vector<16xf32>
      %add3A_963 = arith.addf %add3A_952, %mul3A_962 : vector<16xf32>
      %add3A_964 = arith.constant 0 : i32
      %add3A_965 = arith.addi %add3A_964, %scan3A_903 : i32
      %get3A_966 = arith.index_cast %add3A_965 : i32 to index
      %get3A_967 = arith.constant 80 : index
      %get3A_968 = tpu.vector_load %arg4[%get3A_966, %get3A_967] {strides = array<i32>} : memref<1000x128xf32, #tpu.memory_space<vmem>>, vector<1x16xf32>,
      %get3A_969 = vector.shape_cast %get3A_968 : vector<1x16xf32> to vector<16xf32>
      %sub3A_970 = arith.subf %get3A_969, %max3A_65 : vector<16xf32>
      %exp3A_971 = math.exp %sub3A_970 : vector<16xf32>
      %add3A_972 = arith.addf %add3A_961, %exp3A_971 : vector<16xf32>
      %mul3A_973 = arith.mulf %sub3A_970, %exp3A_971 : vector<16xf32>
      %add3A_974 = arith.addf %add3A_963, %mul3A_973 : vector<16xf32>
      %add3A_975 = arith.constant 0 : i32
      %add3A_976 = arith.addi %add3A_975, %scan3A_903 : i32
      %get3A_977 = arith.index_cast %add3A_976 : i32 to index
      %get3A_978 = arith.constant 96 : index
      %get3A_979 = tpu.vector_load %arg4[%get3A_977, %get3A_978] {strides = array<i32>} : memref<1000x128xf32, #tpu.memory_space<vmem>>, vector<1x16xf32>,
      %get3A_980 = vector.shape_cast %get3A_979 : vector<1x16xf32> to vector<16xf32>
      %sub3A_981 = arith.subf %get3A_980, %max3A_65 : vector<16xf32>
      %exp3A_982 = math.exp %sub3A_981 : vector<16xf32>
      %add3A_983 = arith.addf %add3A_972, %exp3A_982 : vector<16xf32>
      %mul3A_984 = arith.mulf %sub3A_981, %exp3A_982 : vector<16xf32>
      %add3A_985 = arith.addf %add3A_974, %mul3A_984 : vector<16xf32>
      %add3A_986 = arith.constant 0 : i32
      %add3A_987 = arith.addi %add3A_986, %scan3A_903 : i32
      %get3A_988 = arith.index_cast %add3A_987 : i32 to index
      %get3A_989 = arith.constant 112 : index
      %get3A_990 = tpu.vector_load %arg4[%get3A_988, %get3A_989] {strides = array<i32>} : memref<1000x128xf32, #tpu.memory_space<vmem>>, vector<1x16xf32>,
      %get3A_991 = vector.shape_cast %get3A_990 : vector<1x16xf32> to vector<16xf32>
      %sub3A_992 = arith.subf %get3A_991, %max3A_65 : vector<16xf32>
      %exp3A_993 = math.exp %sub3A_992 : vector<16xf32>
      %add3A_994 = arith.addf %add3A_983, %exp3A_993 : vector<16xf32>
      %mul3A_995 = arith.mulf %sub3A_992, %exp3A_993 : vector<16xf32>
      %add3A_996 = arith.addf %add3A_985, %mul3A_995 : vector<16xf32>
      %add3A_997 = arith.constant 250 : i32
      %add3A_998 = arith.addi %add3A_997, %scan3A_903 : i32
      %get3A_999 = arith.index_cast %add3A_998 : i32 to index
      %get3A_1000 = arith.constant 0 : index
      %get3A_1001 = tpu.vector_load %arg4[%get3A_999, %get3A_1000] {strides = array<i32>} : memref<1000x128xf32, #tpu.memory_space<vmem>>, vector<1x16xf32>,
      %get3A_1002 = vector.shape_cast %get3A_1001 : vector<1x16xf32> to vector<16xf32>
      %sub3A_1003 = arith.subf %get3A_1002, %max3A_121 : vector<16xf32>
      %exp3A_1004 = math.exp %sub3A_1003 : vector<16xf32>
      %add3A_1005 = arith.addf %scan3A_905, %exp3A_1004 : vector<16xf32>
      %mul3A_1006 = arith.mulf %sub3A_1003, %exp3A_1004 : vector<16xf32>
      %add3A_1007 = arith.addf %scan3A_909, %mul3A_1006 : vector<16xf32>
      %add3A_1008 = arith.constant 250 : i32
      %add3A_1009 = arith.addi %add3A_1008, %scan3A_903 : i32
      %get3A_1010 = arith.index_cast %add3A_1009 : i32 to index
      %get3A_1011 = arith.constant 16 : index
      %get3A_1012 = tpu.vector_load %arg4[%get3A_1010, %get3A_1011] {strides = array<i32>} : memref<1000x128xf32, #tpu.memory_space<vmem>>, vector<1x16xf32>,
      %get3A_1013 = vector.shape_cast %get3A_1012 : vector<1x16xf32> to vector<16xf32>
      %sub3A_1014 = arith.subf %get3A_1013, %max3A_121 : vector<16xf32>
      %exp3A_1015 = math.exp %sub3A_1014 : vector<16xf32>
      %add3A_1016 = arith.addf %add3A_1005, %exp3A_1015 : vector<16xf32>
      %mul3A_1017 = arith.mulf %sub3A_1014, %exp3A_1015 : vector<16xf32>
      %add3A_1018 = arith.addf %add3A_1007, %mul3A_1017 : vector<16xf32>
      %add3A_1019 = arith.constant 250 : i32
      %add3A_1020 = arith.addi %add3A_1019, %scan3A_903 : i32
      %get3A_1021 = arith.index_cast %add3A_1020 : i32 to index
      %get3A_1022 = arith.constant 32 : index
      %get3A_1023 = tpu.vector_load %arg4[%get3A_1021, %get3A_1022] {strides = array<i32>} : memref<1000x128xf32, #tpu.memory_space<vmem>>, vector<1x16xf32>,
      %get3A_1024 = vector.shape_cast %get3A_1023 : vector<1x16xf32> to vector<16xf32>
      %sub3A_1025 = arith.subf %get3A_1024, %max3A_121 : vector<16xf32>
      %exp3A_1026 = math.exp %sub3A_1025 : vector<16xf32>
      %add3A_1027 = arith.addf %add3A_1016, %exp3A_1026 : vector<16xf32>
      %mul3A_1028 = arith.mulf %sub3A_1025, %exp3A_1026 : vector<16xf32>
      %add3A_1029 = arith.addf %add3A_1018, %mul3A_1028 : vector<16xf32>
      %add3A_1030 = arith.constant 250 : i32
      %add3A_1031 = arith.addi %add3A_1030, %scan3A_903 : i32
      %get3A_1032 = arith.index_cast %add3A_1031 : i32 to index
      %get3A_1033 = arith.constant 48 : index
      %get3A_1034 = tpu.vector_load %arg4[%get3A_1032, %get3A_1033] {strides = array<i32>} : memref<1000x128xf32, #tpu.memory_space<vmem>>, vector<1x16xf32>,
      %get3A_1035 = vector.shape_cast %get3A_1034 : vector<1x16xf32> to vector<16xf32>
      %sub3A_1036 = arith.subf %get3A_1035, %max3A_121 : vector<16xf32>
      %exp3A_1037 = math.exp %sub3A_1036 : vector<16xf32>
      %add3A_1038 = arith.addf %add3A_1027, %exp3A_1037 : vector<16xf32>
      %mul3A_1039 = arith.mulf %sub3A_1036, %exp3A_1037 : vector<16xf32>
      %add3A_1040 = arith.addf %add3A_1029, %mul3A_1039 : vector<16xf32>
      %add3A_1041 = arith.constant 250 : i32
      %add3A_1042 = arith.addi %add3A_1041, %scan3A_903 : i32
      %get3A_1043 = arith.index_cast %add3A_1042 : i32 to index
      %get3A_1044 = arith.constant 64 : index
      %get3A_1045 = tpu.vector_load %arg4[%get3A_1043, %get3A_1044] {strides = array<i32>} : memref<1000x128xf32, #tpu.memory_space<vmem>>, vector<1x16xf32>,
      %get3A_1046 = vector.shape_cast %get3A_1045 : vector<1x16xf32> to vector<16xf32>
      %sub3A_1047 = arith.subf %get3A_1046, %max3A_121 : vector<16xf32>
      %exp3A_1048 = math.exp %sub3A_1047 : vector<16xf32>
      %add3A_1049 = arith.addf %add3A_1038, %exp3A_1048 : vector<16xf32>
      %mul3A_1050 = arith.mulf %sub3A_1047, %exp3A_1048 : vector<16xf32>
      %add3A_1051 = arith.addf %add3A_1040, %mul3A_1050 : vector<16xf32>
      %add3A_1052 = arith.constant 250 : i32
      %add3A_1053 = arith.addi %add3A_1052, %scan3A_903 : i32
      %get3A_1054 = arith.index_cast %add3A_1053 : i32 to index
      %get3A_1055 = arith.constant 80 : index
      %get3A_1056 = tpu.vector_load %arg4[%get3A_1054, %get3A_1055] {strides = array<i32>} : memref<1000x128xf32, #tpu.memory_space<vmem>>, vector<1x16xf32>,
      %get3A_1057 = vector.shape_cast %get3A_1056 : vector<1x16xf32> to vector<16xf32>
      %sub3A_1058 = arith.subf %get3A_1057, %max3A_121 : vector<16xf32>
      %exp3A_1059 = math.exp %sub3A_1058 : vector<16xf32>
      %add3A_1060 = arith.addf %add3A_1049, %exp3A_1059 : vector<16xf32>
      %mul3A_1061 = arith.mulf %sub3A_1058, %exp3A_1059 : vector<16xf32>
      %add3A_1062 = arith.addf %add3A_1051, %mul3A_1061 : vector<16xf32>
      %add3A_1063 = arith.constant 250 : i32
      %add3A_1064 = arith.addi %add3A_1063, %scan3A_903 : i32
      %get3A_1065 = arith.index_cast %add3A_1064 : i32 to index
      %get3A_1066 = arith.constant 96 : index
      %get3A_1067 = tpu.vector_load %arg4[%get3A_1065, %get3A_1066] {strides = array<i32>} : memref<1000x128xf32, #tpu.memory_space<vmem>>, vector<1x16xf32>,
      %get3A_1068 = vector.shape_cast %get3A_1067 : vector<1x16xf32> to vector<16xf32>
      %sub3A_1069 = arith.subf %get3A_1068, %max3A_121 : vector<16xf32>
      %exp3A_1070 = math.exp %sub3A_1069 : vector<16xf32>
      %add3A_1071 = arith.addf %add3A_1060, %exp3A_1070 : vector<16xf32>
      %mul3A_1072 = arith.mulf %sub3A_1069, %exp3A_1070 : vector<16xf32>
      %add3A_1073 = arith.addf %add3A_1062, %mul3A_1072 : vector<16xf32>
      %add3A_1074 = arith.constant 250 : i32
      %add3A_1075 = arith.addi %add3A_1074, %scan3A_903 : i32
      %get3A_1076 = arith.index_cast %add3A_1075 : i32 to index
      %get3A_1077 = arith.constant 112 : index
      %get3A_1078 = tpu.vector_load %arg4[%get3A_1076, %get3A_1077] {strides = array<i32>} : memref<1000x128xf32, #tpu.memory_space<vmem>>, vector<1x16xf32>,
      %get3A_1079 = vector.shape_cast %get3A_1078 : vector<1x16xf32> to vector<16xf32>
      %sub3A_1080 = arith.subf %get3A_1079, %max3A_121 : vector<16xf32>
      %exp3A_1081 = math.exp %sub3A_1080 : vector<16xf32>
      %add3A_1082 = arith.addf %add3A_1071, %exp3A_1081 : vector<16xf32>
      %mul3A_1083 = arith.mulf %sub3A_1080, %exp3A_1081 : vector<16xf32>
      %add3A_1084 = arith.addf %add3A_1073, %mul3A_1083 : vector<16xf32>
      %add3A_1085 = arith.constant 500 : i32
      %add3A_1086 = arith.addi %add3A_1085, %scan3A_903 : i32
      %get3A_1087 = arith.index_cast %add3A_1086 : i32 to index
      %get3A_1088 = arith.constant 0 : index
      %get3A_1089 = tpu.vector_load %arg4[%get3A_1087, %get3A_1088] {strides = array<i32>} : memref<1000x128xf32, #tpu.memory_space<vmem>>, vector<1x16xf32>,
      %get3A_1090 = vector.shape_cast %get3A_1089 : vector<1x16xf32> to vector<16xf32>
      %sub3A_1091 = arith.subf %get3A_1090, %max3A_177 : vector<16xf32>
      %exp3A_1092 = math.exp %sub3A_1091 : vector<16xf32>
      %add3A_1093 = arith.addf %scan3A_906, %exp3A_1092 : vector<16xf32>
      %mul3A_1094 = arith.mulf %sub3A_1091, %exp3A_1092 : vector<16xf32>
      %add3A_1095 = arith.addf %scan3A_910, %mul3A_1094 : vector<16xf32>
      %add3A_1096 = arith.constant 500 : i32
      %add3A_1097 = arith.addi %add3A_1096, %scan3A_903 : i32
      %get3A_1098 = arith.index_cast %add3A_1097 : i32 to index
      %get3A_1099 = arith.constant 16 : index
      %get3A_1100 = tpu.vector_load %arg4[%get3A_1098, %get3A_1099] {strides = array<i32>} : memref<1000x128xf32, #tpu.memory_space<vmem>>, vector<1x16xf32>,
      %get3A_1101 = vector.shape_cast %get3A_1100 : vector<1x16xf32> to vector<16xf32>
      %sub3A_1102 = arith.subf %get3A_1101, %max3A_177 : vector<16xf32>
      %exp3A_1103 = math.exp %sub3A_1102 : vector<16xf32>
      %add3A_1104 = arith.addf %add3A_1093, %exp3A_1103 : vector<16xf32>
      %mul3A_1105 = arith.mulf %sub3A_1102, %exp3A_1103 : vector<16xf32>
      %add3A_1106 = arith.addf %add3A_1095, %mul3A_1105 : vector<16xf32>
      %add3A_1107 = arith.constant 500 : i32
      %add3A_1108 = arith.addi %add3A_1107, %scan3A_903 : i32
      %get3A_1109 = arith.index_cast %add3A_1108 : i32 to index
      %get3A_1110 = arith.constant 32 : index
      %get3A_1111 = tpu.vector_load %arg4[%get3A_1109, %get3A_1110] {strides = array<i32>} : memref<1000x128xf32, #tpu.memory_space<vmem>>, vector<1x16xf32>,
      %get3A_1112 = vector.shape_cast %get3A_1111 : vector<1x16xf32> to vector<16xf32>
      %sub3A_1113 = arith.subf %get3A_1112, %max3A_177 : vector<16xf32>
      %exp3A_1114 = math.exp %sub3A_1113 : vector<16xf32>
      %add3A_1115 = arith.addf %add3A_1104, %exp3A_1114 : vector<16xf32>
      %mul3A_1116 = arith.mulf %sub3A_1113, %exp3A_1114 : vector<16xf32>
      %add3A_1117 = arith.addf %add3A_1106, %mul3A_1116 : vector<16xf32>
      %add3A_1118 = arith.constant 500 : i32
      %add3A_1119 = arith.addi %add3A_1118, %scan3A_903 : i32
      %get3A_1120 = arith.index_cast %add3A_1119 : i32 to index
      %get3A_1121 = arith.constant 48 : index
      %get3A_1122 = tpu.vector_load %arg4[%get3A_1120, %get3A_1121] {strides = array<i32>} : memref<1000x128xf32, #tpu.memory_space<vmem>>, vector<1x16xf32>,
      %get3A_1123 = vector.shape_cast %get3A_1122 : vector<1x16xf32> to vector<16xf32>
      %sub3A_1124 = arith.subf %get3A_1123, %max3A_177 : vector<16xf32>
      %exp3A_1125 = math.exp %sub3A_1124 : vector<16xf32>
      %add3A_1126 = arith.addf %add3A_1115, %exp3A_1125 : vector<16xf32>
      %mul3A_1127 = arith.mulf %sub3A_1124, %exp3A_1125 : vector<16xf32>
      %add3A_1128 = arith.addf %add3A_1117, %mul3A_1127 : vector<16xf32>
      %add3A_1129 = arith.constant 500 : i32
      %add3A_1130 = arith.addi %add3A_1129, %scan3A_903 : i32
      %get3A_1131 = arith.index_cast %add3A_1130 : i32 to index
      %get3A_1132 = arith.constant 64 : index
      %get3A_1133 = tpu.vector_load %arg4[%get3A_1131, %get3A_1132] {strides = array<i32>} : memref<1000x128xf32, #tpu.memory_space<vmem>>, vector<1x16xf32>,
      %get3A_1134 = vector.shape_cast %get3A_1133 : vector<1x16xf32> to vector<16xf32>
      %sub3A_1135 = arith.subf %get3A_1134, %max3A_177 : vector<16xf32>
      %exp3A_1136 = math.exp %sub3A_1135 : vector<16xf32>
      %add3A_1137 = arith.addf %add3A_1126, %exp3A_1136 : vector<16xf32>
      %mul3A_1138 = arith.mulf %sub3A_1135, %exp3A_1136 : vector<16xf32>
      %add3A_1139 = arith.addf %add3A_1128, %mul3A_1138 : vector<16xf32>
      %add3A_1140 = arith.constant 500 : i32
      %add3A_1141 = arith.addi %add3A_1140, %scan3A_903 : i32
      %get3A_1142 = arith.index_cast %add3A_1141 : i32 to index
      %get3A_1143 = arith.constant 80 : index
      %get3A_1144 = tpu.vector_load %arg4[%get3A_1142, %get3A_1143] {strides = array<i32>} : memref<1000x128xf32, #tpu.memory_space<vmem>>, vector<1x16xf32>,
      %get3A_1145 = vector.shape_cast %get3A_1144 : vector<1x16xf32> to vector<16xf32>
      %sub3A_1146 = arith.subf %get3A_1145, %max3A_177 : vector<16xf32>
      %exp3A_1147 = math.exp %sub3A_1146 : vector<16xf32>
      %add3A_1148 = arith.addf %add3A_1137, %exp3A_1147 : vector<16xf32>
      %mul3A_1149 = arith.mulf %sub3A_1146, %exp3A_1147 : vector<16xf32>
      %add3A_1150 = arith.addf %add3A_1139, %mul3A_1149 : vector<16xf32>
      %add3A_1151 = arith.constant 500 : i32
      %add3A_1152 = arith.addi %add3A_1151, %scan3A_903 : i32
      %get3A_1153 = arith.index_cast %add3A_1152 : i32 to index
      %get3A_1154 = arith.constant 96 : index
      %get3A_1155 = tpu.vector_load %arg4[%get3A_1153, %get3A_1154] {strides = array<i32>} : memref<1000x128xf32, #tpu.memory_space<vmem>>, vector<1x16xf32>,
      %get3A_1156 = vector.shape_cast %get3A_1155 : vector<1x16xf32> to vector<16xf32>
      %sub3A_1157 = arith.subf %get3A_1156, %max3A_177 : vector<16xf32>
      %exp3A_1158 = math.exp %sub3A_1157 : vector<16xf32>
      %add3A_1159 = arith.addf %add3A_1148, %exp3A_1158 : vector<16xf32>
      %mul3A_1160 = arith.mulf %sub3A_1157, %exp3A_1158 : vector<16xf32>
      %add3A_1161 = arith.addf %add3A_1150, %mul3A_1160 : vector<16xf32>
      %add3A_1162 = arith.constant 500 : i32
      %add3A_1163 = arith.addi %add3A_1162, %scan3A_903 : i32
      %get3A_1164 = arith.index_cast %add3A_1163 : i32 to index
      %get3A_1165 = arith.constant 112 : index
      %get3A_1166 = tpu.vector_load %arg4[%get3A_1164, %get3A_1165] {strides = array<i32>} : memref<1000x128xf32, #tpu.memory_space<vmem>>, vector<1x16xf32>,
      %get3A_1167 = vector.shape_cast %get3A_1166 : vector<1x16xf32> to vector<16xf32>
      %sub3A_1168 = arith.subf %get3A_1167, %max3A_177 : vector<16xf32>
      %exp3A_1169 = math.exp %sub3A_1168 : vector<16xf32>
      %add3A_1170 = arith.addf %add3A_1159, %exp3A_1169 : vector<16xf32>
      %mul3A_1171 = arith.mulf %sub3A_1168, %exp3A_1169 : vector<16xf32>
      %add3A_1172 = arith.addf %add3A_1161, %mul3A_1171 : vector<16xf32>
      %add3A_1173 = arith.constant 750 : i32
      %add3A_1174 = arith.addi %add3A_1173, %scan3A_903 : i32
      %get3A_1175 = arith.index_cast %add3A_1174 : i32 to index
      %get3A_1176 = arith.constant 0 : index
      %get3A_1177 = tpu.vector_load %arg4[%get3A_1175, %get3A_1176] {strides = array<i32>} : memref<1000x128xf32, #tpu.memory_space<vmem>>, vector<1x16xf32>,
      %get3A_1178 = vector.shape_cast %get3A_1177 : vector<1x16xf32> to vector<16xf32>
      %sub3A_1179 = arith.subf %get3A_1178, %max3A_233 : vector<16xf32>
      %exp3A_1180 = math.exp %sub3A_1179 : vector<16xf32>
      %add3A_1181 = arith.addf %scan3A_907, %exp3A_1180 : vector<16xf32>
      %mul3A_1182 = arith.mulf %sub3A_1179, %exp3A_1180 : vector<16xf32>
      %add3A_1183 = arith.addf %scan3A_911, %mul3A_1182 : vector<16xf32>
      %add3A_1184 = arith.constant 750 : i32
      %add3A_1185 = arith.addi %add3A_1184, %scan3A_903 : i32
      %get3A_1186 = arith.index_cast %add3A_1185 : i32 to index
      %get3A_1187 = arith.constant 16 : index
      %get3A_1188 = tpu.vector_load %arg4[%get3A_1186, %get3A_1187] {strides = array<i32>} : memref<1000x128xf32, #tpu.memory_space<vmem>>, vector<1x16xf32>,
      %get3A_1189 = vector.shape_cast %get3A_1188 : vector<1x16xf32> to vector<16xf32>
      %sub3A_1190 = arith.subf %get3A_1189, %max3A_233 : vector<16xf32>
      %exp3A_1191 = math.exp %sub3A_1190 : vector<16xf32>
      %add3A_1192 = arith.addf %add3A_1181, %exp3A_1191 : vector<16xf32>
      %mul3A_1193 = arith.mulf %sub3A_1190, %exp3A_1191 : vector<16xf32>
      %add3A_1194 = arith.addf %add3A_1183, %mul3A_1193 : vector<16xf32>
      %add3A_1195 = arith.constant 750 : i32
      %add3A_1196 = arith.addi %add3A_1195, %scan3A_903 : i32
      %get3A_1197 = arith.index_cast %add3A_1196 : i32 to index
      %get3A_1198 = arith.constant 32 : index
      %get3A_1199 = tpu.vector_load %arg4[%get3A_1197, %get3A_1198] {strides = array<i32>} : memref<1000x128xf32, #tpu.memory_space<vmem>>, vector<1x16xf32>,
      %get3A_1200 = vector.shape_cast %get3A_1199 : vector<1x16xf32> to vector<16xf32>
      %sub3A_1201 = arith.subf %get3A_1200, %max3A_233 : vector<16xf32>
      %exp3A_1202 = math.exp %sub3A_1201 : vector<16xf32>
      %add3A_1203 = arith.addf %add3A_1192, %exp3A_1202 : vector<16xf32>
      %mul3A_1204 = arith.mulf %sub3A_1201, %exp3A_1202 : vector<16xf32>
      %add3A_1205 = arith.addf %add3A_1194, %mul3A_1204 : vector<16xf32>
      %add3A_1206 = arith.constant 750 : i32
      %add3A_1207 = arith.addi %add3A_1206, %scan3A_903 : i32
      %get3A_1208 = arith.index_cast %add3A_1207 : i32 to index
      %get3A_1209 = arith.constant 48 : index
      %get3A_1210 = tpu.vector_load %arg4[%get3A_1208, %get3A_1209] {strides = array<i32>} : memref<1000x128xf32, #tpu.memory_space<vmem>>, vector<1x16xf32>,
      %get3A_1211 = vector.shape_cast %get3A_1210 : vector<1x16xf32> to vector<16xf32>
      %sub3A_1212 = arith.subf %get3A_1211, %max3A_233 : vector<16xf32>
      %exp3A_1213 = math.exp %sub3A_1212 : vector<16xf32>
      %add3A_1214 = arith.addf %add3A_1203, %exp3A_1213 : vector<16xf32>
      %mul3A_1215 = arith.mulf %sub3A_1212, %exp3A_1213 : vector<16xf32>
      %add3A_1216 = arith.addf %add3A_1205, %mul3A_1215 : vector<16xf32>
      %add3A_1217 = arith.constant 750 : i32
      %add3A_1218 = arith.addi %add3A_1217, %scan3A_903 : i32
      %get3A_1219 = arith.index_cast %add3A_1218 : i32 to index
      %get3A_1220 = arith.constant 64 : index
      %get3A_1221 = tpu.vector_load %arg4[%get3A_1219, %get3A_1220] {strides = array<i32>} : memref<1000x128xf32, #tpu.memory_space<vmem>>, vector<1x16xf32>,
      %get3A_1222 = vector.shape_cast %get3A_1221 : vector<1x16xf32> to vector<16xf32>
      %sub3A_1223 = arith.subf %get3A_1222, %max3A_233 : vector<16xf32>
      %exp3A_1224 = math.exp %sub3A_1223 : vector<16xf32>
      %add3A_1225 = arith.addf %add3A_1214, %exp3A_1224 : vector<16xf32>
      %mul3A_1226 = arith.mulf %sub3A_1223, %exp3A_1224 : vector<16xf32>
      %add3A_1227 = arith.addf %add3A_1216, %mul3A_1226 : vector<16xf32>
      %add3A_1228 = arith.constant 750 : i32
      %add3A_1229 = arith.addi %add3A_1228, %scan3A_903 : i32
      %get3A_1230 = arith.index_cast %add3A_1229 : i32 to index
      %get3A_1231 = arith.constant 80 : index
      %get3A_1232 = tpu.vector_load %arg4[%get3A_1230, %get3A_1231] {strides = array<i32>} : memref<1000x128xf32, #tpu.memory_space<vmem>>, vector<1x16xf32>,
      %get3A_1233 = vector.shape_cast %get3A_1232 : vector<1x16xf32> to vector<16xf32>
      %sub3A_1234 = arith.subf %get3A_1233, %max3A_233 : vector<16xf32>
      %exp3A_1235 = math.exp %sub3A_1234 : vector<16xf32>
      %add3A_1236 = arith.addf %add3A_1225, %exp3A_1235 : vector<16xf32>
      %mul3A_1237 = arith.mulf %sub3A_1234, %exp3A_1235 : vector<16xf32>
      %add3A_1238 = arith.addf %add3A_1227, %mul3A_1237 : vector<16xf32>
      %add3A_1239 = arith.constant 750 : i32
      %add3A_1240 = arith.addi %add3A_1239, %scan3A_903 : i32
      %get3A_1241 = arith.index_cast %add3A_1240 : i32 to index
      %get3A_1242 = arith.constant 96 : index
      %get3A_1243 = tpu.vector_load %arg4[%get3A_1241, %get3A_1242] {strides = array<i32>} : memref<1000x128xf32, #tpu.memory_space<vmem>>, vector<1x16xf32>,
      %get3A_1244 = vector.shape_cast %get3A_1243 : vector<1x16xf32> to vector<16xf32>
      %sub3A_1245 = arith.subf %get3A_1244, %max3A_233 : vector<16xf32>
      %exp3A_1246 = math.exp %sub3A_1245 : vector<16xf32>
      %add3A_1247 = arith.addf %add3A_1236, %exp3A_1246 : vector<16xf32>
      %mul3A_1248 = arith.mulf %sub3A_1245, %exp3A_1246 : vector<16xf32>
      %add3A_1249 = arith.addf %add3A_1238, %mul3A_1248 : vector<16xf32>
      %add3A_1250 = arith.constant 750 : i32
      %add3A_1251 = arith.addi %add3A_1250, %scan3A_903 : i32
      %get3A_1252 = arith.index_cast %add3A_1251 : i32 to index
      %get3A_1253 = arith.constant 112 : index
      %get3A_1254 = tpu.vector_load %arg4[%get3A_1252, %get3A_1253] {strides = array<i32>} : memref<1000x128xf32, #tpu.memory_space<vmem>>, vector<1x16xf32>,
      %get3A_1255 = vector.shape_cast %get3A_1254 : vector<1x16xf32> to vector<16xf32>
      %sub3A_1256 = arith.subf %get3A_1255, %max3A_233 : vector<16xf32>
      %exp3A_1257 = math.exp %sub3A_1256 : vector<16xf32>
      %add3A_1258 = arith.addf %add3A_1247, %exp3A_1257 : vector<16xf32>
      %mul3A_1259 = arith.mulf %sub3A_1256, %exp3A_1257 : vector<16xf32>
      %add3A_1260 = arith.addf %add3A_1249, %mul3A_1259 : vector<16xf32>
      scf.yield %add3A_994, %add3A_1082, %add3A_1170, %add3A_1258, %add3A_996, %add3A_1084, %add3A_1172, %add3A_1260 : vector<16xf32>, vector<16xf32>, vector<16xf32>, vector<16xf32>, vector<16xf32>, vector<16xf32>, vector<16xf32>, vector<16xf32>
    }
    %scan3A_247 = arith.constant 250 : i32
    %xor3A_248 = arith.constant 1 : i32
    %xor3A_249 = vector.broadcast %xor3A_248 : i32 to vector<16xi32>
    %xor3A_250 = arith.xori %iota3A, %xor3A_249 : vector<16xi32>
    %lt3A_251 = arith.constant 0 : i32
    %lt3A_252 = vector.broadcast %lt3A_251 : i32 to vector<16xi32>
    %lt3A_253 = arith.cmpi slt, %xor3A_250, %lt3A_252 : vector<16xi32>
    %add3A_254 = arith.constant 16 : i32
    %add3A_255 = vector.broadcast %add3A_254 : i32 to vector<16xi32>
    %add3A_256 = arith.addi %xor3A_250, %add3A_255 : vector<16xi32>
    %select_n3A_257 = arith.select %lt3A_253, %add3A_256, %xor3A_250 : vector<16xi1>, vector<16xi32>
    %broadcast_in_dim3A_258 = vector.shape_cast %select_n3A_257 : vector<16xi32> to vector<16x1xi32>
    %gather3A_259 = vector.shape_cast %broadcast_in_dim3A_258 : vector<16x1xi32> to vector<16xi32>
    %gather3A_260 = tpu.dynamic_gather %scan3A_246#0[%gather3A_259] in [0] : vector<16xf32>, vector<16xi32> -> vector<16xf32>
    %add3A_261 = arith.addf %scan3A_246#0, %gather3A_260 : vector<16xf32>
    %xor3A_262 = arith.constant 1 : i32
    %xor3A_263 = vector.broadcast %xor3A_262 : i32 to vector<16xi32>
    %xor3A_264 = arith.xori %iota3A, %xor3A_263 : vector<16xi32>
    %lt3A_265 = arith.constant 0 : i32
    %lt3A_266 = vector.broadcast %lt3A_265 : i32 to vector<16xi32>
    %lt3A_267 = arith.cmpi slt, %xor3A_264, %lt3A_266 : vector<16xi32>
    %add3A_268 = arith.constant 16 : i32
    %add3A_269 = vector.broadcast %add3A_268 : i32 to vector<16xi32>
    %add3A_270 = arith.addi %xor3A_264, %add3A_269 : vector<16xi32>
    %select_n3A_271 = arith.select %lt3A_267, %add3A_270, %xor3A_264 : vector<16xi1>, vector<16xi32>
    %broadcast_in_dim3A_272 = vector.shape_cast %select_n3A_271 : vector<16xi32> to vector<16x1xi32>
    %gather3A_273 = vector.shape_cast %broadcast_in_dim3A_272 : vector<16x1xi32> to vector<16xi32>
    %gather3A_274 = tpu.dynamic_gather %scan3A_246#4[%gather3A_273] in [0] : vector<16xf32>, vector<16xi32> -> vector<16xf32>
    %add3A_275 = arith.addf %scan3A_246#4, %gather3A_274 : vector<16xf32>
    %xor3A_276 = arith.constant 2 : i32
    %xor3A_277 = vector.broadcast %xor3A_276 : i32 to vector<16xi32>
    %xor3A_278 = arith.xori %iota3A, %xor3A_277 : vector<16xi32>
    %lt3A_279 = arith.constant 0 : i32
    %lt3A_280 = vector.broadcast %lt3A_279 : i32 to vector<16xi32>
    %lt3A_281 = arith.cmpi slt, %xor3A_278, %lt3A_280 : vector<16xi32>
    %add3A_282 = arith.constant 16 : i32
    %add3A_283 = vector.broadcast %add3A_282 : i32 to vector<16xi32>
    %add3A_284 = arith.addi %xor3A_278, %add3A_283 : vector<16xi32>
    %select_n3A_285 = arith.select %lt3A_281, %add3A_284, %xor3A_278 : vector<16xi1>, vector<16xi32>
    %broadcast_in_dim3A_286 = vector.shape_cast %select_n3A_285 : vector<16xi32> to vector<16x1xi32>
    %gather3A_287 = vector.shape_cast %broadcast_in_dim3A_286 : vector<16x1xi32> to vector<16xi32>
    %gather3A_288 = tpu.dynamic_gather %add3A_261[%gather3A_287] in [0] : vector<16xf32>, vector<16xi32> -> vector<16xf32>
    %add3A_289 = arith.addf %add3A_261, %gather3A_288 : vector<16xf32>
    %xor3A_290 = arith.constant 2 : i32
    %xor3A_291 = vector.broadcast %xor3A_290 : i32 to vector<16xi32>
    %xor3A_292 = arith.xori %iota3A, %xor3A_291 : vector<16xi32>
    %lt3A_293 = arith.constant 0 : i32
    %lt3A_294 = vector.broadcast %lt3A_293 : i32 to vector<16xi32>
    %lt3A_295 = arith.cmpi slt, %xor3A_292, %lt3A_294 : vector<16xi32>
    %add3A_296 = arith.constant 16 : i32
    %add3A_297 = vector.broadcast %add3A_296 : i32 to vector<16xi32>
    %add3A_298 = arith.addi %xor3A_292, %add3A_297 : vector<16xi32>
    %select_n3A_299 = arith.select %lt3A_295, %add3A_298, %xor3A_292 : vector<16xi1>, vector<16xi32>
    %broadcast_in_dim3A_300 = vector.shape_cast %select_n3A_299 : vector<16xi32> to vector<16x1xi32>
    %gather3A_301 = vector.shape_cast %broadcast_in_dim3A_300 : vector<16x1xi32> to vector<16xi32>
    %gather3A_302 = tpu.dynamic_gather %add3A_275[%gather3A_301] in [0] : vector<16xf32>, vector<16xi32> -> vector<16xf32>
    %add3A_303 = arith.addf %add3A_275, %gather3A_302 : vector<16xf32>
    %xor3A_304 = arith.constant 4 : i32
    %xor3A_305 = vector.broadcast %xor3A_304 : i32 to vector<16xi32>
    %xor3A_306 = arith.xori %iota3A, %xor3A_305 : vector<16xi32>
    %lt3A_307 = arith.constant 0 : i32
    %lt3A_308 = vector.broadcast %lt3A_307 : i32 to vector<16xi32>
    %lt3A_309 = arith.cmpi slt, %xor3A_306, %lt3A_308 : vector<16xi32>
    %add3A_310 = arith.constant 16 : i32
    %add3A_311 = vector.broadcast %add3A_310 : i32 to vector<16xi32>
    %add3A_312 = arith.addi %xor3A_306, %add3A_311 : vector<16xi32>
    %select_n3A_313 = arith.select %lt3A_309, %add3A_312, %xor3A_306 : vector<16xi1>, vector<16xi32>
    %broadcast_in_dim3A_314 = vector.shape_cast %select_n3A_313 : vector<16xi32> to vector<16x1xi32>
    %gather3A_315 = vector.shape_cast %broadcast_in_dim3A_314 : vector<16x1xi32> to vector<16xi32>
    %gather3A_316 = tpu.dynamic_gather %add3A_289[%gather3A_315] in [0] : vector<16xf32>, vector<16xi32> -> vector<16xf32>
    %add3A_317 = arith.addf %add3A_289, %gather3A_316 : vector<16xf32>
    %xor3A_318 = arith.constant 4 : i32
    %xor3A_319 = vector.broadcast %xor3A_318 : i32 to vector<16xi32>
    %xor3A_320 = arith.xori %iota3A, %xor3A_319 : vector<16xi32>
    %lt3A_321 = arith.constant 0 : i32
    %lt3A_322 = vector.broadcast %lt3A_321 : i32 to vector<16xi32>
    %lt3A_323 = arith.cmpi slt, %xor3A_320, %lt3A_322 : vector<16xi32>
    %add3A_324 = arith.constant 16 : i32
    %add3A_325 = vector.broadcast %add3A_324 : i32 to vector<16xi32>
    %add3A_326 = arith.addi %xor3A_320, %add3A_325 : vector<16xi32>
    %select_n3A_327 = arith.select %lt3A_323, %add3A_326, %xor3A_320 : vector<16xi1>, vector<16xi32>
    %broadcast_in_dim3A_328 = vector.shape_cast %select_n3A_327 : vector<16xi32> to vector<16x1xi32>
    %gather3A_329 = vector.shape_cast %broadcast_in_dim3A_328 : vector<16x1xi32> to vector<16xi32>
    %gather3A_330 = tpu.dynamic_gather %add3A_303[%gather3A_329] in [0] : vector<16xf32>, vector<16xi32> -> vector<16xf32>
    %add3A_331 = arith.addf %add3A_303, %gather3A_330 : vector<16xf32>
    %xor3A_332 = arith.constant 8 : i32
    %xor3A_333 = vector.broadcast %xor3A_332 : i32 to vector<16xi32>
    %xor3A_334 = arith.xori %iota3A, %xor3A_333 : vector<16xi32>
    %lt3A_335 = arith.constant 0 : i32
    %lt3A_336 = vector.broadcast %lt3A_335 : i32 to vector<16xi32>
    %lt3A_337 = arith.cmpi slt, %xor3A_334, %lt3A_336 : vector<16xi32>
    %add3A_338 = arith.constant 16 : i32
    %add3A_339 = vector.broadcast %add3A_338 : i32 to vector<16xi32>
    %add3A_340 = arith.addi %xor3A_334, %add3A_339 : vector<16xi32>
    %select_n3A_341 = arith.select %lt3A_337, %add3A_340, %xor3A_334 : vector<16xi1>, vector<16xi32>
    %broadcast_in_dim3A_342 = vector.shape_cast %select_n3A_341 : vector<16xi32> to vector<16x1xi32>
    %gather3A_343 = vector.shape_cast %broadcast_in_dim3A_342 : vector<16x1xi32> to vector<16xi32>
    %gather3A_344 = tpu.dynamic_gather %add3A_317[%gather3A_343] in [0] : vector<16xf32>, vector<16xi32> -> vector<16xf32>
    %add3A_345 = arith.addf %add3A_317, %gather3A_344 : vector<16xf32>
    %xor3A_346 = arith.constant 8 : i32
    %xor3A_347 = vector.broadcast %xor3A_346 : i32 to vector<16xi32>
    %xor3A_348 = arith.xori %iota3A, %xor3A_347 : vector<16xi32>
    %lt3A_349 = arith.constant 0 : i32
    %lt3A_350 = vector.broadcast %lt3A_349 : i32 to vector<16xi32>
    %lt3A_351 = arith.cmpi slt, %xor3A_348, %lt3A_350 : vector<16xi32>
    %add3A_352 = arith.constant 16 : i32
    %add3A_353 = vector.broadcast %add3A_352 : i32 to vector<16xi32>
    %add3A_354 = arith.addi %xor3A_348, %add3A_353 : vector<16xi32>
    %select_n3A_355 = arith.select %lt3A_351, %add3A_354, %xor3A_348 : vector<16xi1>, vector<16xi32>
    %broadcast_in_dim3A_356 = vector.shape_cast %select_n3A_355 : vector<16xi32> to vector<16x1xi32>
    %gather3A_357 = vector.shape_cast %broadcast_in_dim3A_356 : vector<16x1xi32> to vector<16xi32>
    %gather3A_358 = tpu.dynamic_gather %add3A_331[%gather3A_357] in [0] : vector<16xf32>, vector<16xi32> -> vector<16xf32>
    %add3A_359 = arith.addf %add3A_331, %gather3A_358 : vector<16xf32>
    %swap3A = arith.constant 0 : i32
    %swap3A_360 = arith.index_cast %swap3A : i32 to index
    %swap3A_361 = arith.constant 0 : index
    %swap3A_362 = tpu.vector_load %arg5[%swap3A_360, %swap3A_361] {strides = array<i32>} : memref<1x128xf32, #tpu.memory_space<vmem>>, vector<1x16xf32>,
    %swap3A_363 = vector.shape_cast %swap3A_362 : vector<1x16xf32> to vector<16xf32>
    %swap3A_364 = vector.shape_cast %add3A_345 : vector<16xf32> to vector<1x16xf32>
    tpu.vector_store %arg5[%swap3A_360, %swap3A_361], %swap3A_364 {strides = array<i32>} : memref<1x128xf32, #tpu.memory_space<vmem>>, vector<1x16xf32>,
    %swap3A_365 = arith.constant 0 : i32
    %swap3A_366 = arith.index_cast %swap3A_365 : i32 to index
    %swap3A_367 = arith.constant 16 : index
    %swap3A_368 = tpu.vector_load %arg5[%swap3A_366, %swap3A_367] {strides = array<i32>} : memref<1x128xf32, #tpu.memory_space<vmem>>, vector<1x16xf32>,
    %swap3A_369 = vector.shape_cast %swap3A_368 : vector<1x16xf32> to vector<16xf32>
    %swap3A_370 = vector.shape_cast %add3A_345 : vector<16xf32> to vector<1x16xf32>
    tpu.vector_store %arg5[%swap3A_366, %swap3A_367], %swap3A_370 {strides = array<i32>} : memref<1x128xf32, #tpu.memory_space<vmem>>, vector<1x16xf32>,
    %swap3A_371 = arith.constant 0 : i32
    %swap3A_372 = arith.index_cast %swap3A_371 : i32 to index
    %swap3A_373 = arith.constant 32 : index
    %swap3A_374 = tpu.vector_load %arg5[%swap3A_372, %swap3A_373] {strides = array<i32>} : memref<1x128xf32, #tpu.memory_space<vmem>>, vector<1x16xf32>,
    %swap3A_375 = vector.shape_cast %swap3A_374 : vector<1x16xf32> to vector<16xf32>
    %swap3A_376 = vector.shape_cast %add3A_345 : vector<16xf32> to vector<1x16xf32>
    tpu.vector_store %arg5[%swap3A_372, %swap3A_373], %swap3A_376 {strides = array<i32>} : memref<1x128xf32, #tpu.memory_space<vmem>>, vector<1x16xf32>,
    %swap3A_377 = arith.constant 0 : i32
    %swap3A_378 = arith.index_cast %swap3A_377 : i32 to index
    %swap3A_379 = arith.constant 48 : index
    %swap3A_380 = tpu.vector_load %arg5[%swap3A_378, %swap3A_379] {strides = array<i32>} : memref<1x128xf32, #tpu.memory_space<vmem>>, vector<1x16xf32>,
    %swap3A_381 = vector.shape_cast %swap3A_380 : vector<1x16xf32> to vector<16xf32>
    %swap3A_382 = vector.shape_cast %add3A_345 : vector<16xf32> to vector<1x16xf32>
    tpu.vector_store %arg5[%swap3A_378, %swap3A_379], %swap3A_382 {strides = array<i32>} : memref<1x128xf32, #tpu.memory_space<vmem>>, vector<1x16xf32>,
    %swap3A_383 = arith.constant 0 : i32
    %swap3A_384 = arith.index_cast %swap3A_383 : i32 to index
    %swap3A_385 = arith.constant 64 : index
    %swap3A_386 = tpu.vector_load %arg5[%swap3A_384, %swap3A_385] {strides = array<i32>} : memref<1x128xf32, #tpu.memory_space<vmem>>, vector<1x16xf32>,
    %swap3A_387 = vector.shape_cast %swap3A_386 : vector<1x16xf32> to vector<16xf32>
    %swap3A_388 = vector.shape_cast %add3A_359 : vector<16xf32> to vector<1x16xf32>
    tpu.vector_store %arg5[%swap3A_384, %swap3A_385], %swap3A_388 {strides = array<i32>} : memref<1x128xf32, #tpu.memory_space<vmem>>, vector<1x16xf32>,
    %swap3A_389 = arith.constant 0 : i32
    %swap3A_390 = arith.index_cast %swap3A_389 : i32 to index
    %swap3A_391 = arith.constant 80 : index
    %swap3A_392 = tpu.vector_load %arg5[%swap3A_390, %swap3A_391] {strides = array<i32>} : memref<1x128xf32, #tpu.memory_space<vmem>>, vector<1x16xf32>,
    %swap3A_393 = vector.shape_cast %swap3A_392 : vector<1x16xf32> to vector<16xf32>
    %swap3A_394 = vector.shape_cast %add3A_359 : vector<16xf32> to vector<1x16xf32>
    tpu.vector_store %arg5[%swap3A_390, %swap3A_391], %swap3A_394 {strides = array<i32>} : memref<1x128xf32, #tpu.memory_space<vmem>>, vector<1x16xf32>,
    %swap3A_395 = arith.constant 0 : i32
    %swap3A_396 = arith.index_cast %swap3A_395 : i32 to index
    %swap3A_397 = arith.constant 96 : index
    %swap3A_398 = tpu.vector_load %arg5[%swap3A_396, %swap3A_397] {strides = array<i32>} : memref<1x128xf32, #tpu.memory_space<vmem>>, vector<1x16xf32>,
    %swap3A_399 = vector.shape_cast %swap3A_398 : vector<1x16xf32> to vector<16xf32>
    %swap3A_400 = vector.shape_cast %add3A_359 : vector<16xf32> to vector<1x16xf32>
    tpu.vector_store %arg5[%swap3A_396, %swap3A_397], %swap3A_400 {strides = array<i32>} : memref<1x128xf32, #tpu.memory_space<vmem>>, vector<1x16xf32>,
    %swap3A_401 = arith.constant 0 : i32
    %swap3A_402 = arith.index_cast %swap3A_401 : i32 to index
    %swap3A_403 = arith.constant 112 : index
    %swap3A_404 = tpu.vector_load %arg5[%swap3A_402, %swap3A_403] {strides = array<i32>} : memref<1x128xf32, #tpu.memory_space<vmem>>, vector<1x16xf32>,
    %swap3A_405 = vector.shape_cast %swap3A_404 : vector<1x16xf32> to vector<16xf32>
    %swap3A_406 = vector.shape_cast %add3A_359 : vector<16xf32> to vector<1x16xf32>
    tpu.vector_store %arg5[%swap3A_402, %swap3A_403], %swap3A_406 {strides = array<i32>} : memref<1x128xf32, #tpu.memory_space<vmem>>, vector<1x16xf32>,
    %mul3A_407 = arith.constant 4 : i32
    %mul3A_408 = arith.muli %add3A, %mul3A_407 : i32
    %add3A_409 = arith.constant 0 : i32
    %add3A_410 = arith.addi %mul3A_408, %add3A_409 : i32
    "tpu.region"() ({
      %run_scoped3A = tpu.sem_alloc : memref<!tpu.dma_semaphore, #tpu.memory_space<semaphore_mem>>
      %dma_start3A = arith.constant 0 : i32
      %dma_start3A_903 = tpu.memref_slice %arg3[%add3A_410, %dma_start3A] : memref<128x128xf32, #tpu.memory_space<hbm>> -> memref<1x128xf32, #tpu.memory_space<hbm>>
      %dma_start3A_904 = arith.constant 0 : i32
      %dma_start3A_905 = tpu.memref_slice %arg3[%add3A_410, %dma_start3A_904] : memref<128x128xf32, #tpu.memory_space<hbm>> -> memref<1x128xf32, #tpu.memory_space<hbm>>
      tpu.enqueue_dma source(%arg5 : memref<1x128xf32, #tpu.memory_space<vmem>>) target(%dma_start3A_905 : memref<1x128xf32, #tpu.memory_space<hbm>>) target_semaphore(%run_scoped3A : memref<!tpu.dma_semaphore, #tpu.memory_space<semaphore_mem>>)
      %dma_wait3A = arith.constant 0 : i32
      %dma_wait3A_906 = tpu.memref_slice %arg3[%add3A_410, %dma_wait3A] : memref<128x128xf32, #tpu.memory_space<hbm>> -> memref<1x128xf32, #tpu.memory_space<hbm>>
      %dma_wait3A_907 = arith.constant 0 : i32
      %dma_wait3A_908 = tpu.memref_slice %arg3[%add3A_410, %dma_wait3A_907] : memref<128x128xf32, #tpu.memory_space<hbm>> -> memref<1x128xf32, #tpu.memory_space<hbm>>
      tpu.wait_dma2 semaphore(%run_scoped3A : memref<!tpu.dma_semaphore, #tpu.memory_space<semaphore_mem>>) src(%arg5 : memref<1x128xf32, #tpu.memory_space<vmem>>) dst(%dma_wait3A_908 : memref<1x128xf32, #tpu.memory_space<hbm>>)
      tpu.yield
    }) : () -> ()
    %xor3A_411 = arith.constant 1 : i32
    %xor3A_412 = vector.broadcast %xor3A_411 : i32 to vector<16xi32>
    %xor3A_413 = arith.xori %iota3A, %xor3A_412 : vector<16xi32>
    %lt3A_414 = arith.constant 0 : i32
    %lt3A_415 = vector.broadcast %lt3A_414 : i32 to vector<16xi32>
    %lt3A_416 = arith.cmpi slt, %xor3A_413, %lt3A_415 : vector<16xi32>
    %add3A_417 = arith.constant 16 : i32
    %add3A_418 = vector.broadcast %add3A_417 : i32 to vector<16xi32>
    %add3A_419 = arith.addi %xor3A_413, %add3A_418 : vector<16xi32>
    %select_n3A_420 = arith.select %lt3A_416, %add3A_419, %xor3A_413 : vector<16xi1>, vector<16xi32>
    %broadcast_in_dim3A_421 = vector.shape_cast %select_n3A_420 : vector<16xi32> to vector<16x1xi32>
    %gather3A_422 = vector.shape_cast %broadcast_in_dim3A_421 : vector<16x1xi32> to vector<16xi32>
    %gather3A_423 = tpu.dynamic_gather %scan3A_246#1[%gather3A_422] in [0] : vector<16xf32>, vector<16xi32> -> vector<16xf32>
    %add3A_424 = arith.addf %scan3A_246#1, %gather3A_423 : vector<16xf32>
    %xor3A_425 = arith.constant 1 : i32
    %xor3A_426 = vector.broadcast %xor3A_425 : i32 to vector<16xi32>
    %xor3A_427 = arith.xori %iota3A, %xor3A_426 : vector<16xi32>
    %lt3A_428 = arith.constant 0 : i32
    %lt3A_429 = vector.broadcast %lt3A_428 : i32 to vector<16xi32>
    %lt3A_430 = arith.cmpi slt, %xor3A_427, %lt3A_429 : vector<16xi32>
    %add3A_431 = arith.constant 16 : i32
    %add3A_432 = vector.broadcast %add3A_431 : i32 to vector<16xi32>
    %add3A_433 = arith.addi %xor3A_427, %add3A_432 : vector<16xi32>
    %select_n3A_434 = arith.select %lt3A_430, %add3A_433, %xor3A_427 : vector<16xi1>, vector<16xi32>
    %broadcast_in_dim3A_435 = vector.shape_cast %select_n3A_434 : vector<16xi32> to vector<16x1xi32>
    %gather3A_436 = vector.shape_cast %broadcast_in_dim3A_435 : vector<16x1xi32> to vector<16xi32>
    %gather3A_437 = tpu.dynamic_gather %scan3A_246#5[%gather3A_436] in [0] : vector<16xf32>, vector<16xi32> -> vector<16xf32>
    %add3A_438 = arith.addf %scan3A_246#5, %gather3A_437 : vector<16xf32>
    %xor3A_439 = arith.constant 2 : i32
    %xor3A_440 = vector.broadcast %xor3A_439 : i32 to vector<16xi32>
    %xor3A_441 = arith.xori %iota3A, %xor3A_440 : vector<16xi32>
    %lt3A_442 = arith.constant 0 : i32
    %lt3A_443 = vector.broadcast %lt3A_442 : i32 to vector<16xi32>
    %lt3A_444 = arith.cmpi slt, %xor3A_441, %lt3A_443 : vector<16xi32>
    %add3A_445 = arith.constant 16 : i32
    %add3A_446 = vector.broadcast %add3A_445 : i32 to vector<16xi32>
    %add3A_447 = arith.addi %xor3A_441, %add3A_446 : vector<16xi32>
    %select_n3A_448 = arith.select %lt3A_444, %add3A_447, %xor3A_441 : vector<16xi1>, vector<16xi32>
    %broadcast_in_dim3A_449 = vector.shape_cast %select_n3A_448 : vector<16xi32> to vector<16x1xi32>
    %gather3A_450 = vector.shape_cast %broadcast_in_dim3A_449 : vector<16x1xi32> to vector<16xi32>
    %gather3A_451 = tpu.dynamic_gather %add3A_424[%gather3A_450] in [0] : vector<16xf32>, vector<16xi32> -> vector<16xf32>
    %add3A_452 = arith.addf %add3A_424, %gather3A_451 : vector<16xf32>
    %xor3A_453 = arith.constant 2 : i32
    %xor3A_454 = vector.broadcast %xor3A_453 : i32 to vector<16xi32>
    %xor3A_455 = arith.xori %iota3A, %xor3A_454 : vector<16xi32>
    %lt3A_456 = arith.constant 0 : i32
    %lt3A_457 = vector.broadcast %lt3A_456 : i32 to vector<16xi32>
    %lt3A_458 = arith.cmpi slt, %xor3A_455, %lt3A_457 : vector<16xi32>
    %add3A_459 = arith.constant 16 : i32
    %add3A_460 = vector.broadcast %add3A_459 : i32 to vector<16xi32>
    %add3A_461 = arith.addi %xor3A_455, %add3A_460 : vector<16xi32>
    %select_n3A_462 = arith.select %lt3A_458, %add3A_461, %xor3A_455 : vector<16xi1>, vector<16xi32>
    %broadcast_in_dim3A_463 = vector.shape_cast %select_n3A_462 : vector<16xi32> to vector<16x1xi32>
    %gather3A_464 = vector.shape_cast %broadcast_in_dim3A_463 : vector<16x1xi32> to vector<16xi32>
    %gather3A_465 = tpu.dynamic_gather %add3A_438[%gather3A_464] in [0] : vector<16xf32>, vector<16xi32> -> vector<16xf32>
    %add3A_466 = arith.addf %add3A_438, %gather3A_465 : vector<16xf32>
    %xor3A_467 = arith.constant 4 : i32
    %xor3A_468 = vector.broadcast %xor3A_467 : i32 to vector<16xi32>
    %xor3A_469 = arith.xori %iota3A, %xor3A_468 : vector<16xi32>
    %lt3A_470 = arith.constant 0 : i32
    %lt3A_471 = vector.broadcast %lt3A_470 : i32 to vector<16xi32>
    %lt3A_472 = arith.cmpi slt, %xor3A_469, %lt3A_471 : vector<16xi32>
    %add3A_473 = arith.constant 16 : i32
    %add3A_474 = vector.broadcast %add3A_473 : i32 to vector<16xi32>
    %add3A_475 = arith.addi %xor3A_469, %add3A_474 : vector<16xi32>
    %select_n3A_476 = arith.select %lt3A_472, %add3A_475, %xor3A_469 : vector<16xi1>, vector<16xi32>
    %broadcast_in_dim3A_477 = vector.shape_cast %select_n3A_476 : vector<16xi32> to vector<16x1xi32>
    %gather3A_478 = vector.shape_cast %broadcast_in_dim3A_477 : vector<16x1xi32> to vector<16xi32>
    %gather3A_479 = tpu.dynamic_gather %add3A_452[%gather3A_478] in [0] : vector<16xf32>, vector<16xi32> -> vector<16xf32>
    %add3A_480 = arith.addf %add3A_452, %gather3A_479 : vector<16xf32>
    %xor3A_481 = arith.constant 4 : i32
    %xor3A_482 = vector.broadcast %xor3A_481 : i32 to vector<16xi32>
    %xor3A_483 = arith.xori %iota3A, %xor3A_482 : vector<16xi32>
    %lt3A_484 = arith.constant 0 : i32
    %lt3A_485 = vector.broadcast %lt3A_484 : i32 to vector<16xi32>
    %lt3A_486 = arith.cmpi slt, %xor3A_483, %lt3A_485 : vector<16xi32>
    %add3A_487 = arith.constant 16 : i32
    %add3A_488 = vector.broadcast %add3A_487 : i32 to vector<16xi32>
    %add3A_489 = arith.addi %xor3A_483, %add3A_488 : vector<16xi32>
    %select_n3A_490 = arith.select %lt3A_486, %add3A_489, %xor3A_483 : vector<16xi1>, vector<16xi32>
    %broadcast_in_dim3A_491 = vector.shape_cast %select_n3A_490 : vector<16xi32> to vector<16x1xi32>
    %gather3A_492 = vector.shape_cast %broadcast_in_dim3A_491 : vector<16x1xi32> to vector<16xi32>
    %gather3A_493 = tpu.dynamic_gather %add3A_466[%gather3A_492] in [0] : vector<16xf32>, vector<16xi32> -> vector<16xf32>
    %add3A_494 = arith.addf %add3A_466, %gather3A_493 : vector<16xf32>
    %xor3A_495 = arith.constant 8 : i32
    %xor3A_496 = vector.broadcast %xor3A_495 : i32 to vector<16xi32>
    %xor3A_497 = arith.xori %iota3A, %xor3A_496 : vector<16xi32>
    %lt3A_498 = arith.constant 0 : i32
    %lt3A_499 = vector.broadcast %lt3A_498 : i32 to vector<16xi32>
    %lt3A_500 = arith.cmpi slt, %xor3A_497, %lt3A_499 : vector<16xi32>
    %add3A_501 = arith.constant 16 : i32
    %add3A_502 = vector.broadcast %add3A_501 : i32 to vector<16xi32>
    %add3A_503 = arith.addi %xor3A_497, %add3A_502 : vector<16xi32>
    %select_n3A_504 = arith.select %lt3A_500, %add3A_503, %xor3A_497 : vector<16xi1>, vector<16xi32>
    %broadcast_in_dim3A_505 = vector.shape_cast %select_n3A_504 : vector<16xi32> to vector<16x1xi32>
    %gather3A_506 = vector.shape_cast %broadcast_in_dim3A_505 : vector<16x1xi32> to vector<16xi32>
    %gather3A_507 = tpu.dynamic_gather %add3A_480[%gather3A_506] in [0] : vector<16xf32>, vector<16xi32> -> vector<16xf32>
    %add3A_508 = arith.addf %add3A_480, %gather3A_507 : vector<16xf32>
    %xor3A_509 = arith.constant 8 : i32
    %xor3A_510 = vector.broadcast %xor3A_509 : i32 to vector<16xi32>
    %xor3A_511 = arith.xori %iota3A, %xor3A_510 : vector<16xi32>
    %lt3A_512 = arith.constant 0 : i32
    %lt3A_513 = vector.broadcast %lt3A_512 : i32 to vector<16xi32>
    %lt3A_514 = arith.cmpi slt, %xor3A_511, %lt3A_513 : vector<16xi32>
    %add3A_515 = arith.constant 16 : i32
    %add3A_516 = vector.broadcast %add3A_515 : i32 to vector<16xi32>
    %add3A_517 = arith.addi %xor3A_511, %add3A_516 : vector<16xi32>
    %select_n3A_518 = arith.select %lt3A_514, %add3A_517, %xor3A_511 : vector<16xi1>, vector<16xi32>
    %broadcast_in_dim3A_519 = vector.shape_cast %select_n3A_518 : vector<16xi32> to vector<16x1xi32>
    %gather3A_520 = vector.shape_cast %broadcast_in_dim3A_519 : vector<16x1xi32> to vector<16xi32>
    %gather3A_521 = tpu.dynamic_gather %add3A_494[%gather3A_520] in [0] : vector<16xf32>, vector<16xi32> -> vector<16xf32>
    %add3A_522 = arith.addf %add3A_494, %gather3A_521 : vector<16xf32>
    %swap3A_523 = arith.constant 0 : i32
    %swap3A_524 = arith.index_cast %swap3A_523 : i32 to index
    %swap3A_525 = arith.constant 0 : index
    %swap3A_526 = tpu.vector_load %arg5[%swap3A_524, %swap3A_525] {strides = array<i32>} : memref<1x128xf32, #tpu.memory_space<vmem>>, vector<1x16xf32>,
    %swap3A_527 = vector.shape_cast %swap3A_526 : vector<1x16xf32> to vector<16xf32>
    %swap3A_528 = vector.shape_cast %add3A_508 : vector<16xf32> to vector<1x16xf32>
    tpu.vector_store %arg5[%swap3A_524, %swap3A_525], %swap3A_528 {strides = array<i32>} : memref<1x128xf32, #tpu.memory_space<vmem>>, vector<1x16xf32>,
    %swap3A_529 = arith.constant 0 : i32
    %swap3A_530 = arith.index_cast %swap3A_529 : i32 to index
    %swap3A_531 = arith.constant 16 : index
    %swap3A_532 = tpu.vector_load %arg5[%swap3A_530, %swap3A_531] {strides = array<i32>} : memref<1x128xf32, #tpu.memory_space<vmem>>, vector<1x16xf32>,
    %swap3A_533 = vector.shape_cast %swap3A_532 : vector<1x16xf32> to vector<16xf32>
    %swap3A_534 = vector.shape_cast %add3A_508 : vector<16xf32> to vector<1x16xf32>
    tpu.vector_store %arg5[%swap3A_530, %swap3A_531], %swap3A_534 {strides = array<i32>} : memref<1x128xf32, #tpu.memory_space<vmem>>, vector<1x16xf32>,
    %swap3A_535 = arith.constant 0 : i32
    %swap3A_536 = arith.index_cast %swap3A_535 : i32 to index
    %swap3A_537 = arith.constant 32 : index
    %swap3A_538 = tpu.vector_load %arg5[%swap3A_536, %swap3A_537] {strides = array<i32>} : memref<1x128xf32, #tpu.memory_space<vmem>>, vector<1x16xf32>,
    %swap3A_539 = vector.shape_cast %swap3A_538 : vector<1x16xf32> to vector<16xf32>
    %swap3A_540 = vector.shape_cast %add3A_508 : vector<16xf32> to vector<1x16xf32>
    tpu.vector_store %arg5[%swap3A_536, %swap3A_537], %swap3A_540 {strides = array<i32>} : memref<1x128xf32, #tpu.memory_space<vmem>>, vector<1x16xf32>,
    %swap3A_541 = arith.constant 0 : i32
    %swap3A_542 = arith.index_cast %swap3A_541 : i32 to index
    %swap3A_543 = arith.constant 48 : index
    %swap3A_544 = tpu.vector_load %arg5[%swap3A_542, %swap3A_543] {strides = array<i32>} : memref<1x128xf32, #tpu.memory_space<vmem>>, vector<1x16xf32>,
    %swap3A_545 = vector.shape_cast %swap3A_544 : vector<1x16xf32> to vector<16xf32>
    %swap3A_546 = vector.shape_cast %add3A_508 : vector<16xf32> to vector<1x16xf32>
    tpu.vector_store %arg5[%swap3A_542, %swap3A_543], %swap3A_546 {strides = array<i32>} : memref<1x128xf32, #tpu.memory_space<vmem>>, vector<1x16xf32>,
    %swap3A_547 = arith.constant 0 : i32
    %swap3A_548 = arith.index_cast %swap3A_547 : i32 to index
    %swap3A_549 = arith.constant 64 : index
    %swap3A_550 = tpu.vector_load %arg5[%swap3A_548, %swap3A_549] {strides = array<i32>} : memref<1x128xf32, #tpu.memory_space<vmem>>, vector<1x16xf32>,
    %swap3A_551 = vector.shape_cast %swap3A_550 : vector<1x16xf32> to vector<16xf32>
    %swap3A_552 = vector.shape_cast %add3A_522 : vector<16xf32> to vector<1x16xf32>
    tpu.vector_store %arg5[%swap3A_548, %swap3A_549], %swap3A_552 {strides = array<i32>} : memref<1x128xf32, #tpu.memory_space<vmem>>, vector<1x16xf32>,
    %swap3A_553 = arith.constant 0 : i32
    %swap3A_554 = arith.index_cast %swap3A_553 : i32 to index
    %swap3A_555 = arith.constant 80 : index
    %swap3A_556 = tpu.vector_load %arg5[%swap3A_554, %swap3A_555] {strides = array<i32>} : memref<1x128xf32, #tpu.memory_space<vmem>>, vector<1x16xf32>,
    %swap3A_557 = vector.shape_cast %swap3A_556 : vector<1x16xf32> to vector<16xf32>
    %swap3A_558 = vector.shape_cast %add3A_522 : vector<16xf32> to vector<1x16xf32>
    tpu.vector_store %arg5[%swap3A_554, %swap3A_555], %swap3A_558 {strides = array<i32>} : memref<1x128xf32, #tpu.memory_space<vmem>>, vector<1x16xf32>,
    %swap3A_559 = arith.constant 0 : i32
    %swap3A_560 = arith.index_cast %swap3A_559 : i32 to index
    %swap3A_561 = arith.constant 96 : index
    %swap3A_562 = tpu.vector_load %arg5[%swap3A_560, %swap3A_561] {strides = array<i32>} : memref<1x128xf32, #tpu.memory_space<vmem>>, vector<1x16xf32>,
    %swap3A_563 = vector.shape_cast %swap3A_562 : vector<1x16xf32> to vector<16xf32>
    %swap3A_564 = vector.shape_cast %add3A_522 : vector<16xf32> to vector<1x16xf32>
    tpu.vector_store %arg5[%swap3A_560, %swap3A_561], %swap3A_564 {strides = array<i32>} : memref<1x128xf32, #tpu.memory_space<vmem>>, vector<1x16xf32>,
    %swap3A_565 = arith.constant 0 : i32
    %swap3A_566 = arith.index_cast %swap3A_565 : i32 to index
    %swap3A_567 = arith.constant 112 : index
    %swap3A_568 = tpu.vector_load %arg5[%swap3A_566, %swap3A_567] {strides = array<i32>} : memref<1x128xf32, #tpu.memory_space<vmem>>, vector<1x16xf32>,
    %swap3A_569 = vector.shape_cast %swap3A_568 : vector<1x16xf32> to vector<16xf32>
    %swap3A_570 = vector.shape_cast %add3A_522 : vector<16xf32> to vector<1x16xf32>
    tpu.vector_store %arg5[%swap3A_566, %swap3A_567], %swap3A_570 {strides = array<i32>} : memref<1x128xf32, #tpu.memory_space<vmem>>, vector<1x16xf32>,
    %mul3A_571 = arith.constant 4 : i32
    %mul3A_572 = arith.muli %add3A, %mul3A_571 : i32
    %add3A_573 = arith.constant 1 : i32
    %add3A_574 = arith.addi %mul3A_572, %add3A_573 : i32
    "tpu.region"() ({
      %run_scoped3A = tpu.sem_alloc : memref<!tpu.dma_semaphore, #tpu.memory_space<semaphore_mem>>
      %dma_start3A = arith.constant 0 : i32
      %dma_start3A_903 = tpu.memref_slice %arg3[%add3A_574, %dma_start3A] : memref<128x128xf32, #tpu.memory_space<hbm>> -> memref<1x128xf32, #tpu.memory_space<hbm>>
      %dma_start3A_904 = arith.constant 0 : i32
      %dma_start3A_905 = tpu.memref_slice %arg3[%add3A_574, %dma_start3A_904] : memref<128x128xf32, #tpu.memory_space<hbm>> -> memref<1x128xf32, #tpu.memory_space<hbm>>
      tpu.enqueue_dma source(%arg5 : memref<1x128xf32, #tpu.memory_space<vmem>>) target(%dma_start3A_905 : memref<1x128xf32, #tpu.memory_space<hbm>>) target_semaphore(%run_scoped3A : memref<!tpu.dma_semaphore, #tpu.memory_space<semaphore_mem>>)
      %dma_wait3A = arith.constant 0 : i32
      %dma_wait3A_906 = tpu.memref_slice %arg3[%add3A_574, %dma_wait3A] : memref<128x128xf32, #tpu.memory_space<hbm>> -> memref<1x128xf32, #tpu.memory_space<hbm>>
      %dma_wait3A_907 = arith.constant 0 : i32
      %dma_wait3A_908 = tpu.memref_slice %arg3[%add3A_574, %dma_wait3A_907] : memref<128x128xf32, #tpu.memory_space<hbm>> -> memref<1x128xf32, #tpu.memory_space<hbm>>
      tpu.wait_dma2 semaphore(%run_scoped3A : memref<!tpu.dma_semaphore, #tpu.memory_space<semaphore_mem>>) src(%arg5 : memref<1x128xf32, #tpu.memory_space<vmem>>) dst(%dma_wait3A_908 : memref<1x128xf32, #tpu.memory_space<hbm>>)
      tpu.yield
    }) : () -> ()
    %xor3A_575 = arith.constant 1 : i32
    %xor3A_576 = vector.broadcast %xor3A_575 : i32 to vector<16xi32>
    %xor3A_577 = arith.xori %iota3A, %xor3A_576 : vector<16xi32>
    %lt3A_578 = arith.constant 0 : i32
    %lt3A_579 = vector.broadcast %lt3A_578 : i32 to vector<16xi32>
    %lt3A_580 = arith.cmpi slt, %xor3A_577, %lt3A_579 : vector<16xi32>
    %add3A_581 = arith.constant 16 : i32
    %add3A_582 = vector.broadcast %add3A_581 : i32 to vector<16xi32>
    %add3A_583 = arith.addi %xor3A_577, %add3A_582 : vector<16xi32>
    %select_n3A_584 = arith.select %lt3A_580, %add3A_583, %xor3A_577 : vector<16xi1>, vector<16xi32>
    %broadcast_in_dim3A_585 = vector.shape_cast %select_n3A_584 : vector<16xi32> to vector<16x1xi32>
    %gather3A_586 = vector.shape_cast %broadcast_in_dim3A_585 : vector<16x1xi32> to vector<16xi32>
    %gather3A_587 = tpu.dynamic_gather %scan3A_246#2[%gather3A_586] in [0] : vector<16xf32>, vector<16xi32> -> vector<16xf32>
    %add3A_588 = arith.addf %scan3A_246#2, %gather3A_587 : vector<16xf32>
    %xor3A_589 = arith.constant 1 : i32
    %xor3A_590 = vector.broadcast %xor3A_589 : i32 to vector<16xi32>
    %xor3A_591 = arith.xori %iota3A, %xor3A_590 : vector<16xi32>
    %lt3A_592 = arith.constant 0 : i32
    %lt3A_593 = vector.broadcast %lt3A_592 : i32 to vector<16xi32>
    %lt3A_594 = arith.cmpi slt, %xor3A_591, %lt3A_593 : vector<16xi32>
    %add3A_595 = arith.constant 16 : i32
    %add3A_596 = vector.broadcast %add3A_595 : i32 to vector<16xi32>
    %add3A_597 = arith.addi %xor3A_591, %add3A_596 : vector<16xi32>
    %select_n3A_598 = arith.select %lt3A_594, %add3A_597, %xor3A_591 : vector<16xi1>, vector<16xi32>
    %broadcast_in_dim3A_599 = vector.shape_cast %select_n3A_598 : vector<16xi32> to vector<16x1xi32>
    %gather3A_600 = vector.shape_cast %broadcast_in_dim3A_599 : vector<16x1xi32> to vector<16xi32>
    %gather3A_601 = tpu.dynamic_gather %scan3A_246#6[%gather3A_600] in [0] : vector<16xf32>, vector<16xi32> -> vector<16xf32>
    %add3A_602 = arith.addf %scan3A_246#6, %gather3A_601 : vector<16xf32>
    %xor3A_603 = arith.constant 2 : i32
    %xor3A_604 = vector.broadcast %xor3A_603 : i32 to vector<16xi32>
    %xor3A_605 = arith.xori %iota3A, %xor3A_604 : vector<16xi32>
    %lt3A_606 = arith.constant 0 : i32
    %lt3A_607 = vector.broadcast %lt3A_606 : i32 to vector<16xi32>
    %lt3A_608 = arith.cmpi slt, %xor3A_605, %lt3A_607 : vector<16xi32>
    %add3A_609 = arith.constant 16 : i32
    %add3A_610 = vector.broadcast %add3A_609 : i32 to vector<16xi32>
    %add3A_611 = arith.addi %xor3A_605, %add3A_610 : vector<16xi32>
    %select_n3A_612 = arith.select %lt3A_608, %add3A_611, %xor3A_605 : vector<16xi1>, vector<16xi32>
    %broadcast_in_dim3A_613 = vector.shape_cast %select_n3A_612 : vector<16xi32> to vector<16x1xi32>
    %gather3A_614 = vector.shape_cast %broadcast_in_dim3A_613 : vector<16x1xi32> to vector<16xi32>
    %gather3A_615 = tpu.dynamic_gather %add3A_588[%gather3A_614] in [0] : vector<16xf32>, vector<16xi32> -> vector<16xf32>
    %add3A_616 = arith.addf %add3A_588, %gather3A_615 : vector<16xf32>
    %xor3A_617 = arith.constant 2 : i32
    %xor3A_618 = vector.broadcast %xor3A_617 : i32 to vector<16xi32>
    %xor3A_619 = arith.xori %iota3A, %xor3A_618 : vector<16xi32>
    %lt3A_620 = arith.constant 0 : i32
    %lt3A_621 = vector.broadcast %lt3A_620 : i32 to vector<16xi32>
    %lt3A_622 = arith.cmpi slt, %xor3A_619, %lt3A_621 : vector<16xi32>
    %add3A_623 = arith.constant 16 : i32
    %add3A_624 = vector.broadcast %add3A_623 : i32 to vector<16xi32>
    %add3A_625 = arith.addi %xor3A_619, %add3A_624 : vector<16xi32>
    %select_n3A_626 = arith.select %lt3A_622, %add3A_625, %xor3A_619 : vector<16xi1>, vector<16xi32>
    %broadcast_in_dim3A_627 = vector.shape_cast %select_n3A_626 : vector<16xi32> to vector<16x1xi32>
    %gather3A_628 = vector.shape_cast %broadcast_in_dim3A_627 : vector<16x1xi32> to vector<16xi32>
    %gather3A_629 = tpu.dynamic_gather %add3A_602[%gather3A_628] in [0] : vector<16xf32>, vector<16xi32> -> vector<16xf32>
    %add3A_630 = arith.addf %add3A_602, %gather3A_629 : vector<16xf32>
    %xor3A_631 = arith.constant 4 : i32
    %xor3A_632 = vector.broadcast %xor3A_631 : i32 to vector<16xi32>
    %xor3A_633 = arith.xori %iota3A, %xor3A_632 : vector<16xi32>
    %lt3A_634 = arith.constant 0 : i32
    %lt3A_635 = vector.broadcast %lt3A_634 : i32 to vector<16xi32>
    %lt3A_636 = arith.cmpi slt, %xor3A_633, %lt3A_635 : vector<16xi32>
    %add3A_637 = arith.constant 16 : i32
    %add3A_638 = vector.broadcast %add3A_637 : i32 to vector<16xi32>
    %add3A_639 = arith.addi %xor3A_633, %add3A_638 : vector<16xi32>
    %select_n3A_640 = arith.select %lt3A_636, %add3A_639, %xor3A_633 : vector<16xi1>, vector<16xi32>
    %broadcast_in_dim3A_641 = vector.shape_cast %select_n3A_640 : vector<16xi32> to vector<16x1xi32>
    %gather3A_642 = vector.shape_cast %broadcast_in_dim3A_641 : vector<16x1xi32> to vector<16xi32>
    %gather3A_643 = tpu.dynamic_gather %add3A_616[%gather3A_642] in [0] : vector<16xf32>, vector<16xi32> -> vector<16xf32>
    %add3A_644 = arith.addf %add3A_616, %gather3A_643 : vector<16xf32>
    %xor3A_645 = arith.constant 4 : i32
    %xor3A_646 = vector.broadcast %xor3A_645 : i32 to vector<16xi32>
    %xor3A_647 = arith.xori %iota3A, %xor3A_646 : vector<16xi32>
    %lt3A_648 = arith.constant 0 : i32
    %lt3A_649 = vector.broadcast %lt3A_648 : i32 to vector<16xi32>
    %lt3A_650 = arith.cmpi slt, %xor3A_647, %lt3A_649 : vector<16xi32>
    %add3A_651 = arith.constant 16 : i32
    %add3A_652 = vector.broadcast %add3A_651 : i32 to vector<16xi32>
    %add3A_653 = arith.addi %xor3A_647, %add3A_652 : vector<16xi32>
    %select_n3A_654 = arith.select %lt3A_650, %add3A_653, %xor3A_647 : vector<16xi1>, vector<16xi32>
    %broadcast_in_dim3A_655 = vector.shape_cast %select_n3A_654 : vector<16xi32> to vector<16x1xi32>
    %gather3A_656 = vector.shape_cast %broadcast_in_dim3A_655 : vector<16x1xi32> to vector<16xi32>
    %gather3A_657 = tpu.dynamic_gather %add3A_630[%gather3A_656] in [0] : vector<16xf32>, vector<16xi32> -> vector<16xf32>
    %add3A_658 = arith.addf %add3A_630, %gather3A_657 : vector<16xf32>
    %xor3A_659 = arith.constant 8 : i32
    %xor3A_660 = vector.broadcast %xor3A_659 : i32 to vector<16xi32>
    %xor3A_661 = arith.xori %iota3A, %xor3A_660 : vector<16xi32>
    %lt3A_662 = arith.constant 0 : i32
    %lt3A_663 = vector.broadcast %lt3A_662 : i32 to vector<16xi32>
    %lt3A_664 = arith.cmpi slt, %xor3A_661, %lt3A_663 : vector<16xi32>
    %add3A_665 = arith.constant 16 : i32
    %add3A_666 = vector.broadcast %add3A_665 : i32 to vector<16xi32>
    %add3A_667 = arith.addi %xor3A_661, %add3A_666 : vector<16xi32>
    %select_n3A_668 = arith.select %lt3A_664, %add3A_667, %xor3A_661 : vector<16xi1>, vector<16xi32>
    %broadcast_in_dim3A_669 = vector.shape_cast %select_n3A_668 : vector<16xi32> to vector<16x1xi32>
    %gather3A_670 = vector.shape_cast %broadcast_in_dim3A_669 : vector<16x1xi32> to vector<16xi32>
    %gather3A_671 = tpu.dynamic_gather %add3A_644[%gather3A_670] in [0] : vector<16xf32>, vector<16xi32> -> vector<16xf32>
    %add3A_672 = arith.addf %add3A_644, %gather3A_671 : vector<16xf32>
    %xor3A_673 = arith.constant 8 : i32
    %xor3A_674 = vector.broadcast %xor3A_673 : i32 to vector<16xi32>
    %xor3A_675 = arith.xori %iota3A, %xor3A_674 : vector<16xi32>
    %lt3A_676 = arith.constant 0 : i32
    %lt3A_677 = vector.broadcast %lt3A_676 : i32 to vector<16xi32>
    %lt3A_678 = arith.cmpi slt, %xor3A_675, %lt3A_677 : vector<16xi32>
    %add3A_679 = arith.constant 16 : i32
    %add3A_680 = vector.broadcast %add3A_679 : i32 to vector<16xi32>
    %add3A_681 = arith.addi %xor3A_675, %add3A_680 : vector<16xi32>
    %select_n3A_682 = arith.select %lt3A_678, %add3A_681, %xor3A_675 : vector<16xi1>, vector<16xi32>
    %broadcast_in_dim3A_683 = vector.shape_cast %select_n3A_682 : vector<16xi32> to vector<16x1xi32>
    %gather3A_684 = vector.shape_cast %broadcast_in_dim3A_683 : vector<16x1xi32> to vector<16xi32>
    %gather3A_685 = tpu.dynamic_gather %add3A_658[%gather3A_684] in [0] : vector<16xf32>, vector<16xi32> -> vector<16xf32>
    %add3A_686 = arith.addf %add3A_658, %gather3A_685 : vector<16xf32>
    %swap3A_687 = arith.constant 0 : i32
    %swap3A_688 = arith.index_cast %swap3A_687 : i32 to index
    %swap3A_689 = arith.constant 0 : index
    %swap3A_690 = tpu.vector_load %arg5[%swap3A_688, %swap3A_689] {strides = array<i32>} : memref<1x128xf32, #tpu.memory_space<vmem>>, vector<1x16xf32>,
    %swap3A_691 = vector.shape_cast %swap3A_690 : vector<1x16xf32> to vector<16xf32>
    %swap3A_692 = vector.shape_cast %add3A_672 : vector<16xf32> to vector<1x16xf32>
    tpu.vector_store %arg5[%swap3A_688, %swap3A_689], %swap3A_692 {strides = array<i32>} : memref<1x128xf32, #tpu.memory_space<vmem>>, vector<1x16xf32>,
    %swap3A_693 = arith.constant 0 : i32
    %swap3A_694 = arith.index_cast %swap3A_693 : i32 to index
    %swap3A_695 = arith.constant 16 : index
    %swap3A_696 = tpu.vector_load %arg5[%swap3A_694, %swap3A_695] {strides = array<i32>} : memref<1x128xf32, #tpu.memory_space<vmem>>, vector<1x16xf32>,
    %swap3A_697 = vector.shape_cast %swap3A_696 : vector<1x16xf32> to vector<16xf32>
    %swap3A_698 = vector.shape_cast %add3A_672 : vector<16xf32> to vector<1x16xf32>
    tpu.vector_store %arg5[%swap3A_694, %swap3A_695], %swap3A_698 {strides = array<i32>} : memref<1x128xf32, #tpu.memory_space<vmem>>, vector<1x16xf32>,
    %swap3A_699 = arith.constant 0 : i32
    %swap3A_700 = arith.index_cast %swap3A_699 : i32 to index
    %swap3A_701 = arith.constant 32 : index
    %swap3A_702 = tpu.vector_load %arg5[%swap3A_700, %swap3A_701] {strides = array<i32>} : memref<1x128xf32, #tpu.memory_space<vmem>>, vector<1x16xf32>,
    %swap3A_703 = vector.shape_cast %swap3A_702 : vector<1x16xf32> to vector<16xf32>
    %swap3A_704 = vector.shape_cast %add3A_672 : vector<16xf32> to vector<1x16xf32>
    tpu.vector_store %arg5[%swap3A_700, %swap3A_701], %swap3A_704 {strides = array<i32>} : memref<1x128xf32, #tpu.memory_space<vmem>>, vector<1x16xf32>,
    %swap3A_705 = arith.constant 0 : i32
    %swap3A_706 = arith.index_cast %swap3A_705 : i32 to index
    %swap3A_707 = arith.constant 48 : index
    %swap3A_708 = tpu.vector_load %arg5[%swap3A_706, %swap3A_707] {strides = array<i32>} : memref<1x128xf32, #tpu.memory_space<vmem>>, vector<1x16xf32>,
    %swap3A_709 = vector.shape_cast %swap3A_708 : vector<1x16xf32> to vector<16xf32>
    %swap3A_710 = vector.shape_cast %add3A_672 : vector<16xf32> to vector<1x16xf32>
    tpu.vector_store %arg5[%swap3A_706, %swap3A_707], %swap3A_710 {strides = array<i32>} : memref<1x128xf32, #tpu.memory_space<vmem>>, vector<1x16xf32>,
    %swap3A_711 = arith.constant 0 : i32
    %swap3A_712 = arith.index_cast %swap3A_711 : i32 to index
    %swap3A_713 = arith.constant 64 : index
    %swap3A_714 = tpu.vector_load %arg5[%swap3A_712, %swap3A_713] {strides = array<i32>} : memref<1x128xf32, #tpu.memory_space<vmem>>, vector<1x16xf32>,
    %swap3A_715 = vector.shape_cast %swap3A_714 : vector<1x16xf32> to vector<16xf32>
    %swap3A_716 = vector.shape_cast %add3A_686 : vector<16xf32> to vector<1x16xf32>
    tpu.vector_store %arg5[%swap3A_712, %swap3A_713], %swap3A_716 {strides = array<i32>} : memref<1x128xf32, #tpu.memory_space<vmem>>, vector<1x16xf32>,
    %swap3A_717 = arith.constant 0 : i32
    %swap3A_718 = arith.index_cast %swap3A_717 : i32 to index
    %swap3A_719 = arith.constant 80 : index
    %swap3A_720 = tpu.vector_load %arg5[%swap3A_718, %swap3A_719] {strides = array<i32>} : memref<1x128xf32, #tpu.memory_space<vmem>>, vector<1x16xf32>,
    %swap3A_721 = vector.shape_cast %swap3A_720 : vector<1x16xf32> to vector<16xf32>
    %swap3A_722 = vector.shape_cast %add3A_686 : vector<16xf32> to vector<1x16xf32>
    tpu.vector_store %arg5[%swap3A_718, %swap3A_719], %swap3A_722 {strides = array<i32>} : memref<1x128xf32, #tpu.memory_space<vmem>>, vector<1x16xf32>,
    %swap3A_723 = arith.constant 0 : i32
    %swap3A_724 = arith.index_cast %swap3A_723 : i32 to index
    %swap3A_725 = arith.constant 96 : index
    %swap3A_726 = tpu.vector_load %arg5[%swap3A_724, %swap3A_725] {strides = array<i32>} : memref<1x128xf32, #tpu.memory_space<vmem>>, vector<1x16xf32>,
    %swap3A_727 = vector.shape_cast %swap3A_726 : vector<1x16xf32> to vector<16xf32>
    %swap3A_728 = vector.shape_cast %add3A_686 : vector<16xf32> to vector<1x16xf32>
    tpu.vector_store %arg5[%swap3A_724, %swap3A_725], %swap3A_728 {strides = array<i32>} : memref<1x128xf32, #tpu.memory_space<vmem>>, vector<1x16xf32>,
    %swap3A_729 = arith.constant 0 : i32
    %swap3A_730 = arith.index_cast %swap3A_729 : i32 to index
    %swap3A_731 = arith.constant 112 : index
    %swap3A_732 = tpu.vector_load %arg5[%swap3A_730, %swap3A_731] {strides = array<i32>} : memref<1x128xf32, #tpu.memory_space<vmem>>, vector<1x16xf32>,
    %swap3A_733 = vector.shape_cast %swap3A_732 : vector<1x16xf32> to vector<16xf32>
    %swap3A_734 = vector.shape_cast %add3A_686 : vector<16xf32> to vector<1x16xf32>
    tpu.vector_store %arg5[%swap3A_730, %swap3A_731], %swap3A_734 {strides = array<i32>} : memref<1x128xf32, #tpu.memory_space<vmem>>, vector<1x16xf32>,
    %mul3A_735 = arith.constant 4 : i32
    %mul3A_736 = arith.muli %add3A, %mul3A_735 : i32
    %add3A_737 = arith.constant 2 : i32
    %add3A_738 = arith.addi %mul3A_736, %add3A_737 : i32
    "tpu.region"() ({
      %run_scoped3A = tpu.sem_alloc : memref<!tpu.dma_semaphore, #tpu.memory_space<semaphore_mem>>
      %dma_start3A = arith.constant 0 : i32
      %dma_start3A_903 = tpu.memref_slice %arg3[%add3A_738, %dma_start3A] : memref<128x128xf32, #tpu.memory_space<hbm>> -> memref<1x128xf32, #tpu.memory_space<hbm>>
      %dma_start3A_904 = arith.constant 0 : i32
      %dma_start3A_905 = tpu.memref_slice %arg3[%add3A_738, %dma_start3A_904] : memref<128x128xf32, #tpu.memory_space<hbm>> -> memref<1x128xf32, #tpu.memory_space<hbm>>
      tpu.enqueue_dma source(%arg5 : memref<1x128xf32, #tpu.memory_space<vmem>>) target(%dma_start3A_905 : memref<1x128xf32, #tpu.memory_space<hbm>>) target_semaphore(%run_scoped3A : memref<!tpu.dma_semaphore, #tpu.memory_space<semaphore_mem>>)
      %dma_wait3A = arith.constant 0 : i32
      %dma_wait3A_906 = tpu.memref_slice %arg3[%add3A_738, %dma_wait3A] : memref<128x128xf32, #tpu.memory_space<hbm>> -> memref<1x128xf32, #tpu.memory_space<hbm>>
      %dma_wait3A_907 = arith.constant 0 : i32
      %dma_wait3A_908 = tpu.memref_slice %arg3[%add3A_738, %dma_wait3A_907] : memref<128x128xf32, #tpu.memory_space<hbm>> -> memref<1x128xf32, #tpu.memory_space<hbm>>
      tpu.wait_dma2 semaphore(%run_scoped3A : memref<!tpu.dma_semaphore, #tpu.memory_space<semaphore_mem>>) src(%arg5 : memref<1x128xf32, #tpu.memory_space<vmem>>) dst(%dma_wait3A_908 : memref<1x128xf32, #tpu.memory_space<hbm>>)
      tpu.yield
    }) : () -> ()
    %xor3A_739 = arith.constant 1 : i32
    %xor3A_740 = vector.broadcast %xor3A_739 : i32 to vector<16xi32>
    %xor3A_741 = arith.xori %iota3A, %xor3A_740 : vector<16xi32>
    %lt3A_742 = arith.constant 0 : i32
    %lt3A_743 = vector.broadcast %lt3A_742 : i32 to vector<16xi32>
    %lt3A_744 = arith.cmpi slt, %xor3A_741, %lt3A_743 : vector<16xi32>
    %add3A_745 = arith.constant 16 : i32
    %add3A_746 = vector.broadcast %add3A_745 : i32 to vector<16xi32>
    %add3A_747 = arith.addi %xor3A_741, %add3A_746 : vector<16xi32>
    %select_n3A_748 = arith.select %lt3A_744, %add3A_747, %xor3A_741 : vector<16xi1>, vector<16xi32>
    %broadcast_in_dim3A_749 = vector.shape_cast %select_n3A_748 : vector<16xi32> to vector<16x1xi32>
    %gather3A_750 = vector.shape_cast %broadcast_in_dim3A_749 : vector<16x1xi32> to vector<16xi32>
    %gather3A_751 = tpu.dynamic_gather %scan3A_246#3[%gather3A_750] in [0] : vector<16xf32>, vector<16xi32> -> vector<16xf32>
    %add3A_752 = arith.addf %scan3A_246#3, %gather3A_751 : vector<16xf32>
    %xor3A_753 = arith.constant 1 : i32
    %xor3A_754 = vector.broadcast %xor3A_753 : i32 to vector<16xi32>
    %xor3A_755 = arith.xori %iota3A, %xor3A_754 : vector<16xi32>
    %lt3A_756 = arith.constant 0 : i32
    %lt3A_757 = vector.broadcast %lt3A_756 : i32 to vector<16xi32>
    %lt3A_758 = arith.cmpi slt, %xor3A_755, %lt3A_757 : vector<16xi32>
    %add3A_759 = arith.constant 16 : i32
    %add3A_760 = vector.broadcast %add3A_759 : i32 to vector<16xi32>
    %add3A_761 = arith.addi %xor3A_755, %add3A_760 : vector<16xi32>
    %select_n3A_762 = arith.select %lt3A_758, %add3A_761, %xor3A_755 : vector<16xi1>, vector<16xi32>
    %broadcast_in_dim3A_763 = vector.shape_cast %select_n3A_762 : vector<16xi32> to vector<16x1xi32>
    %gather3A_764 = vector.shape_cast %broadcast_in_dim3A_763 : vector<16x1xi32> to vector<16xi32>
    %gather3A_765 = tpu.dynamic_gather %scan3A_246#7[%gather3A_764] in [0] : vector<16xf32>, vector<16xi32> -> vector<16xf32>
    %add3A_766 = arith.addf %scan3A_246#7, %gather3A_765 : vector<16xf32>
    %xor3A_767 = arith.constant 2 : i32
    %xor3A_768 = vector.broadcast %xor3A_767 : i32 to vector<16xi32>
    %xor3A_769 = arith.xori %iota3A, %xor3A_768 : vector<16xi32>
    %lt3A_770 = arith.constant 0 : i32
    %lt3A_771 = vector.broadcast %lt3A_770 : i32 to vector<16xi32>
    %lt3A_772 = arith.cmpi slt, %xor3A_769, %lt3A_771 : vector<16xi32>
    %add3A_773 = arith.constant 16 : i32
    %add3A_774 = vector.broadcast %add3A_773 : i32 to vector<16xi32>
    %add3A_775 = arith.addi %xor3A_769, %add3A_774 : vector<16xi32>
    %select_n3A_776 = arith.select %lt3A_772, %add3A_775, %xor3A_769 : vector<16xi1>, vector<16xi32>
    %broadcast_in_dim3A_777 = vector.shape_cast %select_n3A_776 : vector<16xi32> to vector<16x1xi32>
    %gather3A_778 = vector.shape_cast %broadcast_in_dim3A_777 : vector<16x1xi32> to vector<16xi32>
    %gather3A_779 = tpu.dynamic_gather %add3A_752[%gather3A_778] in [0] : vector<16xf32>, vector<16xi32> -> vector<16xf32>
    %add3A_780 = arith.addf %add3A_752, %gather3A_779 : vector<16xf32>
    %xor3A_781 = arith.constant 2 : i32
    %xor3A_782 = vector.broadcast %xor3A_781 : i32 to vector<16xi32>
    %xor3A_783 = arith.xori %iota3A, %xor3A_782 : vector<16xi32>
    %lt3A_784 = arith.constant 0 : i32
    %lt3A_785 = vector.broadcast %lt3A_784 : i32 to vector<16xi32>
    %lt3A_786 = arith.cmpi slt, %xor3A_783, %lt3A_785 : vector<16xi32>
    %add3A_787 = arith.constant 16 : i32
    %add3A_788 = vector.broadcast %add3A_787 : i32 to vector<16xi32>
    %add3A_789 = arith.addi %xor3A_783, %add3A_788 : vector<16xi32>
    %select_n3A_790 = arith.select %lt3A_786, %add3A_789, %xor3A_783 : vector<16xi1>, vector<16xi32>
    %broadcast_in_dim3A_791 = vector.shape_cast %select_n3A_790 : vector<16xi32> to vector<16x1xi32>
    %gather3A_792 = vector.shape_cast %broadcast_in_dim3A_791 : vector<16x1xi32> to vector<16xi32>
    %gather3A_793 = tpu.dynamic_gather %add3A_766[%gather3A_792] in [0] : vector<16xf32>, vector<16xi32> -> vector<16xf32>
    %add3A_794 = arith.addf %add3A_766, %gather3A_793 : vector<16xf32>
    %xor3A_795 = arith.constant 4 : i32
    %xor3A_796 = vector.broadcast %xor3A_795 : i32 to vector<16xi32>
    %xor3A_797 = arith.xori %iota3A, %xor3A_796 : vector<16xi32>
    %lt3A_798 = arith.constant 0 : i32
    %lt3A_799 = vector.broadcast %lt3A_798 : i32 to vector<16xi32>
    %lt3A_800 = arith.cmpi slt, %xor3A_797, %lt3A_799 : vector<16xi32>
    %add3A_801 = arith.constant 16 : i32
    %add3A_802 = vector.broadcast %add3A_801 : i32 to vector<16xi32>
    %add3A_803 = arith.addi %xor3A_797, %add3A_802 : vector<16xi32>
    %select_n3A_804 = arith.select %lt3A_800, %add3A_803, %xor3A_797 : vector<16xi1>, vector<16xi32>
    %broadcast_in_dim3A_805 = vector.shape_cast %select_n3A_804 : vector<16xi32> to vector<16x1xi32>
    %gather3A_806 = vector.shape_cast %broadcast_in_dim3A_805 : vector<16x1xi32> to vector<16xi32>
    %gather3A_807 = tpu.dynamic_gather %add3A_780[%gather3A_806] in [0] : vector<16xf32>, vector<16xi32> -> vector<16xf32>
    %add3A_808 = arith.addf %add3A_780, %gather3A_807 : vector<16xf32>
    %xor3A_809 = arith.constant 4 : i32
    %xor3A_810 = vector.broadcast %xor3A_809 : i32 to vector<16xi32>
    %xor3A_811 = arith.xori %iota3A, %xor3A_810 : vector<16xi32>
    %lt3A_812 = arith.constant 0 : i32
    %lt3A_813 = vector.broadcast %lt3A_812 : i32 to vector<16xi32>
    %lt3A_814 = arith.cmpi slt, %xor3A_811, %lt3A_813 : vector<16xi32>
    %add3A_815 = arith.constant 16 : i32
    %add3A_816 = vector.broadcast %add3A_815 : i32 to vector<16xi32>
    %add3A_817 = arith.addi %xor3A_811, %add3A_816 : vector<16xi32>
    %select_n3A_818 = arith.select %lt3A_814, %add3A_817, %xor3A_811 : vector<16xi1>, vector<16xi32>
    %broadcast_in_dim3A_819 = vector.shape_cast %select_n3A_818 : vector<16xi32> to vector<16x1xi32>
    %gather3A_820 = vector.shape_cast %broadcast_in_dim3A_819 : vector<16x1xi32> to vector<16xi32>
    %gather3A_821 = tpu.dynamic_gather %add3A_794[%gather3A_820] in [0] : vector<16xf32>, vector<16xi32> -> vector<16xf32>
    %add3A_822 = arith.addf %add3A_794, %gather3A_821 : vector<16xf32>
    %xor3A_823 = arith.constant 8 : i32
    %xor3A_824 = vector.broadcast %xor3A_823 : i32 to vector<16xi32>
    %xor3A_825 = arith.xori %iota3A, %xor3A_824 : vector<16xi32>
    %lt3A_826 = arith.constant 0 : i32
    %lt3A_827 = vector.broadcast %lt3A_826 : i32 to vector<16xi32>
    %lt3A_828 = arith.cmpi slt, %xor3A_825, %lt3A_827 : vector<16xi32>
    %add3A_829 = arith.constant 16 : i32
    %add3A_830 = vector.broadcast %add3A_829 : i32 to vector<16xi32>
    %add3A_831 = arith.addi %xor3A_825, %add3A_830 : vector<16xi32>
    %select_n3A_832 = arith.select %lt3A_828, %add3A_831, %xor3A_825 : vector<16xi1>, vector<16xi32>
    %broadcast_in_dim3A_833 = vector.shape_cast %select_n3A_832 : vector<16xi32> to vector<16x1xi32>
    %gather3A_834 = vector.shape_cast %broadcast_in_dim3A_833 : vector<16x1xi32> to vector<16xi32>
    %gather3A_835 = tpu.dynamic_gather %add3A_808[%gather3A_834] in [0] : vector<16xf32>, vector<16xi32> -> vector<16xf32>
    %add3A_836 = arith.addf %add3A_808, %gather3A_835 : vector<16xf32>
    %xor3A_837 = arith.constant 8 : i32
    %xor3A_838 = vector.broadcast %xor3A_837 : i32 to vector<16xi32>
    %xor3A_839 = arith.xori %iota3A, %xor3A_838 : vector<16xi32>
    %lt3A_840 = arith.constant 0 : i32
    %lt3A_841 = vector.broadcast %lt3A_840 : i32 to vector<16xi32>
    %lt3A_842 = arith.cmpi slt, %xor3A_839, %lt3A_841 : vector<16xi32>
    %add3A_843 = arith.constant 16 : i32
    %add3A_844 = vector.broadcast %add3A_843 : i32 to vector<16xi32>
    %add3A_845 = arith.addi %xor3A_839, %add3A_844 : vector<16xi32>
    %select_n3A_846 = arith.select %lt3A_842, %add3A_845, %xor3A_839 : vector<16xi1>, vector<16xi32>
    %broadcast_in_dim3A_847 = vector.shape_cast %select_n3A_846 : vector<16xi32> to vector<16x1xi32>
    %gather3A_848 = vector.shape_cast %broadcast_in_dim3A_847 : vector<16x1xi32> to vector<16xi32>
    %gather3A_849 = tpu.dynamic_gather %add3A_822[%gather3A_848] in [0] : vector<16xf32>, vector<16xi32> -> vector<16xf32>
    %add3A_850 = arith.addf %add3A_822, %gather3A_849 : vector<16xf32>
    %swap3A_851 = arith.constant 0 : i32
    %swap3A_852 = arith.index_cast %swap3A_851 : i32 to index
    %swap3A_853 = arith.constant 0 : index
    %swap3A_854 = tpu.vector_load %arg5[%swap3A_852, %swap3A_853] {strides = array<i32>} : memref<1x128xf32, #tpu.memory_space<vmem>>, vector<1x16xf32>,
    %swap3A_855 = vector.shape_cast %swap3A_854 : vector<1x16xf32> to vector<16xf32>
    %swap3A_856 = vector.shape_cast %add3A_836 : vector<16xf32> to vector<1x16xf32>
    tpu.vector_store %arg5[%swap3A_852, %swap3A_853], %swap3A_856 {strides = array<i32>} : memref<1x128xf32, #tpu.memory_space<vmem>>, vector<1x16xf32>,
    %swap3A_857 = arith.constant 0 : i32
    %swap3A_858 = arith.index_cast %swap3A_857 : i32 to index
    %swap3A_859 = arith.constant 16 : index
    %swap3A_860 = tpu.vector_load %arg5[%swap3A_858, %swap3A_859] {strides = array<i32>} : memref<1x128xf32, #tpu.memory_space<vmem>>, vector<1x16xf32>,
    %swap3A_861 = vector.shape_cast %swap3A_860 : vector<1x16xf32> to vector<16xf32>
    %swap3A_862 = vector.shape_cast %add3A_836 : vector<16xf32> to vector<1x16xf32>
    tpu.vector_store %arg5[%swap3A_858, %swap3A_859], %swap3A_862 {strides = array<i32>} : memref<1x128xf32, #tpu.memory_space<vmem>>, vector<1x16xf32>,
    %swap3A_863 = arith.constant 0 : i32
    %swap3A_864 = arith.index_cast %swap3A_863 : i32 to index
    %swap3A_865 = arith.constant 32 : index
    %swap3A_866 = tpu.vector_load %arg5[%swap3A_864, %swap3A_865] {strides = array<i32>} : memref<1x128xf32, #tpu.memory_space<vmem>>, vector<1x16xf32>,
    %swap3A_867 = vector.shape_cast %swap3A_866 : vector<1x16xf32> to vector<16xf32>
    %swap3A_868 = vector.shape_cast %add3A_836 : vector<16xf32> to vector<1x16xf32>
    tpu.vector_store %arg5[%swap3A_864, %swap3A_865], %swap3A_868 {strides = array<i32>} : memref<1x128xf32, #tpu.memory_space<vmem>>, vector<1x16xf32>,
    %swap3A_869 = arith.constant 0 : i32
    %swap3A_870 = arith.index_cast %swap3A_869 : i32 to index
    %swap3A_871 = arith.constant 48 : index
    %swap3A_872 = tpu.vector_load %arg5[%swap3A_870, %swap3A_871] {strides = array<i32>} : memref<1x128xf32, #tpu.memory_space<vmem>>, vector<1x16xf32>,
    %swap3A_873 = vector.shape_cast %swap3A_872 : vector<1x16xf32> to vector<16xf32>
    %swap3A_874 = vector.shape_cast %add3A_836 : vector<16xf32> to vector<1x16xf32>
    tpu.vector_store %arg5[%swap3A_870, %swap3A_871], %swap3A_874 {strides = array<i32>} : memref<1x128xf32, #tpu.memory_space<vmem>>, vector<1x16xf32>,
    %swap3A_875 = arith.constant 0 : i32
    %swap3A_876 = arith.index_cast %swap3A_875 : i32 to index
    %swap3A_877 = arith.constant 64 : index
    %swap3A_878 = tpu.vector_load %arg5[%swap3A_876, %swap3A_877] {strides = array<i32>} : memref<1x128xf32, #tpu.memory_space<vmem>>, vector<1x16xf32>,
    %swap3A_879 = vector.shape_cast %swap3A_878 : vector<1x16xf32> to vector<16xf32>
    %swap3A_880 = vector.shape_cast %add3A_850 : vector<16xf32> to vector<1x16xf32>
    tpu.vector_store %arg5[%swap3A_876, %swap3A_877], %swap3A_880 {strides = array<i32>} : memref<1x128xf32, #tpu.memory_space<vmem>>, vector<1x16xf32>,
    %swap3A_881 = arith.constant 0 : i32
    %swap3A_882 = arith.index_cast %swap3A_881 : i32 to index
    %swap3A_883 = arith.constant 80 : index
    %swap3A_884 = tpu.vector_load %arg5[%swap3A_882, %swap3A_883] {strides = array<i32>} : memref<1x128xf32, #tpu.memory_space<vmem>>, vector<1x16xf32>,
    %swap3A_885 = vector.shape_cast %swap3A_884 : vector<1x16xf32> to vector<16xf32>
    %swap3A_886 = vector.shape_cast %add3A_850 : vector<16xf32> to vector<1x16xf32>
    tpu.vector_store %arg5[%swap3A_882, %swap3A_883], %swap3A_886 {strides = array<i32>} : memref<1x128xf32, #tpu.memory_space<vmem>>, vector<1x16xf32>,
    %swap3A_887 = arith.constant 0 : i32
    %swap3A_888 = arith.index_cast %swap3A_887 : i32 to index
    %swap3A_889 = arith.constant 96 : index
    %swap3A_890 = tpu.vector_load %arg5[%swap3A_888, %swap3A_889] {strides = array<i32>} : memref<1x128xf32, #tpu.memory_space<vmem>>, vector<1x16xf32>,
    %swap3A_891 = vector.shape_cast %swap3A_890 : vector<1x16xf32> to vector<16xf32>
    %swap3A_892 = vector.shape_cast %add3A_850 : vector<16xf32> to vector<1x16xf32>
    tpu.vector_store %arg5[%swap3A_888, %swap3A_889], %swap3A_892 {strides = array<i32>} : memref<1x128xf32, #tpu.memory_space<vmem>>, vector<1x16xf32>,
    %swap3A_893 = arith.constant 0 : i32
    %swap3A_894 = arith.index_cast %swap3A_893 : i32 to index
    %swap3A_895 = arith.constant 112 : index
    %swap3A_896 = tpu.vector_load %arg5[%swap3A_894, %swap3A_895] {strides = array<i32>} : memref<1x128xf32, #tpu.memory_space<vmem>>, vector<1x16xf32>,
    %swap3A_897 = vector.shape_cast %swap3A_896 : vector<1x16xf32> to vector<16xf32>
    %swap3A_898 = vector.shape_cast %add3A_850 : vector<16xf32> to vector<1x16xf32>
    tpu.vector_store %arg5[%swap3A_894, %swap3A_895], %swap3A_898 {strides = array<i32>} : memref<1x128xf32, #tpu.memory_space<vmem>>, vector<1x16xf32>,
    %mul3A_899 = arith.constant 4 : i32
    %mul3A_900 = arith.muli %add3A, %mul3A_899 : i32
    %add3A_901 = arith.constant 3 : i32
    %add3A_902 = arith.addi %mul3A_900, %add3A_901 : i32
    "tpu.region"() ({
      %run_scoped3A = tpu.sem_alloc : memref<!tpu.dma_semaphore, #tpu.memory_space<semaphore_mem>>
      %dma_start3A = arith.constant 0 : i32
      %dma_start3A_903 = tpu.memref_slice %arg3[%add3A_902, %dma_start3A] : memref<128x128xf32, #tpu.memory_space<hbm>> -> memref<1x128xf32, #tpu.memory_space<hbm>>
      %dma_start3A_904 = arith.constant 0 : i32
      %dma_start3A_905 = tpu.memref_slice %arg3[%add3A_902, %dma_start3A_904] : memref<128x128xf32, #tpu.memory_space<hbm>> -> memref<1x128xf32, #tpu.memory_space<hbm>>
      tpu.enqueue_dma source(%arg5 : memref<1x128xf32, #tpu.memory_space<vmem>>) target(%dma_start3A_905 : memref<1x128xf32, #tpu.memory_space<hbm>>) target_semaphore(%run_scoped3A : memref<!tpu.dma_semaphore, #tpu.memory_space<semaphore_mem>>)
      %dma_wait3A = arith.constant 0 : i32
      %dma_wait3A_906 = tpu.memref_slice %arg3[%add3A_902, %dma_wait3A] : memref<128x128xf32, #tpu.memory_space<hbm>> -> memref<1x128xf32, #tpu.memory_space<hbm>>
      %dma_wait3A_907 = arith.constant 0 : i32
      %dma_wait3A_908 = tpu.memref_slice %arg3[%add3A_902, %dma_wait3A_907] : memref<128x128xf32, #tpu.memory_space<hbm>> -> memref<1x128xf32, #tpu.memory_space<hbm>>
      tpu.wait_dma2 semaphore(%run_scoped3A : memref<!tpu.dma_semaphore, #tpu.memory_space<semaphore_mem>>) src(%arg5 : memref<1x128xf32, #tpu.memory_space<vmem>>) dst(%dma_wait3A_908 : memref<1x128xf32, #tpu.memory_space<hbm>>)
      tpu.yield
    }) : () -> ()
    return
  }
}

module attributes {stable_mosaic.version = 14 : i64} {
  func.func @_fused_body(%arg0: i32, %arg1: memref<8x256x768xf32, #tpu.memory_space<vmem>>, %arg2: memref<8x128xf32, #tpu.memory_space<vmem>>, %arg3: memref<8192x768xf32, #tpu.memory_space<any>>, %arg4: memref<56x768xf32, #tpu.memory_space<vmem>>, %arg5: memref<8x256x768xf32, #tpu.memory_space<vmem>>, %arg6: memref<8192x768xf32, #tpu.memory_space<vmem>>, %arg7: memref<1x8192xf32, #tpu.memory_space<vmem>>, %arg8: memref<8x768xf32, #tpu.memory_space<vmem>>, %arg9: memref<!tpu.dma_semaphore, #tpu.memory_space<semaphore_mem>>) attributes {dimension_semantics = [#tpu.dimension_semantics<arbitrary>], iteration_bounds = array<i64: 16>, scalar_prefetch = 0 : i64, scratch_operands = 4 : i64, tpu.core_type = #tpu.core_type<tc>, window_params = [{transform_indices = @transform_0, window_bounds = array<i64: 8, 256, 768>}, {transform_indices = @transform_1, window_bounds = array<i64: 8, 128>}, {}, {pipeline_mode = #tpu.pipeline_mode<synchronous>, transform_indices = @transform_3, window_bounds = array<i64: 56, 768>}, {transform_indices = @transform_4, window_bounds = array<i64: 8, 256, 768>}]} {
    %eq3A = arith.constant 0 : i32
    %eq3A_0 = arith.cmpi eq, %arg0, %eq3A : i32
    %convert_element_type3A = arith.extui %eq3A_0 : i1 to i32
    %cond3A = arith.constant 0 : i32
    %cond3A_1 = arith.cmpi ne, %convert_element_type3A, %cond3A : i32
    scf.if %cond3A_1 {
      tpu.enqueue_dma source(%arg3 : memref<8192x768xf32, #tpu.memory_space<any>>) target(%arg6 : memref<8192x768xf32, #tpu.memory_space<vmem>>) target_semaphore(%arg9 : memref<!tpu.dma_semaphore, #tpu.memory_space<semaphore_mem>>)
      tpu.wait_dma2 semaphore(%arg9 : memref<!tpu.dma_semaphore, #tpu.memory_space<semaphore_mem>>) src(%arg3 : memref<8192x768xf32, #tpu.memory_space<any>>) dst(%arg6 : memref<8192x768xf32, #tpu.memory_space<vmem>>)
      %scan3A_376 = arith.constant 0 : i32
      %scan3A_377 = arith.constant 16 : i32
      %scan3A_378 = arith.addi %scan3A_376, %scan3A_377 : i32
      %scan3A_379 = arith.constant 1 : i32
      scf.for %scan3A_381 = %scan3A_376 to %scan3A_378 step %scan3A_379  : i32 {
        %mul3A_382 = arith.constant 512 : i32
        %mul3A_383 = arith.muli %scan3A_381, %mul3A_382 : i32
        %get3A_384 = arith.index_cast %mul3A_383 : i32 to index
        %get3A_385 = arith.constant 0 : index
        %get3A_386 = vector.load %arg6[%get3A_384, %get3A_385] : memref<8192x768xf32, #tpu.memory_space<vmem>>, vector<512x768xf32>
        %mul3A_387 = arith.mulf %get3A_386, %get3A_386 : vector<512x768xf32>
        %reduce_sum3A_388 = arith.constant dense<0.000000e+00> : vector<512xf32>
        %reduce_sum3A_389 = vector.multi_reduction <add>, %mul3A_387, %reduce_sum3A_388 [1] : vector<512x768xf32> to vector<512xf32>
        %sqrt3A_390 = math.sqrt %reduce_sum3A_389 : vector<512xf32>
        %max3A_391 = arith.constant 9.99999996E-13 : f32
        %max3A_392 = vector.broadcast %max3A_391 : f32 to vector<512xf32>
        %max3A_393 = arith.maximumf %sqrt3A_390, %max3A_392 : vector<512xf32>
        %div3A_394 = arith.constant 1.000000e+00 : f32
        %div3A_395 = vector.broadcast %div3A_394 : f32 to vector<512xf32>
        %div3A_396 = arith.divf %div3A_395, %max3A_393 : vector<512xf32>
        %mul3A_397 = arith.constant 512 : i32
        %mul3A_398 = arith.muli %scan3A_381, %mul3A_397 : i32
        %swap3A_399 = arith.constant 0 : index
        %swap3A_400 = arith.index_cast %mul3A_398 : i32 to index
        %swap3A_401 = vector.load %arg7[%swap3A_399, %swap3A_400] : memref<1x8192xf32, #tpu.memory_space<vmem>>, vector<1x512xf32>
        %swap3A_402 = vector.shape_cast %swap3A_401 : vector<1x512xf32> to vector<512xf32>
        %swap3A_403 = vector.shape_cast %div3A_396 : vector<512xf32> to vector<1x512xf32>
        tpu.vector_store %arg7[%swap3A_399, %swap3A_400], %swap3A_403 {strides = array<i32>} : memref<1x8192xf32, #tpu.memory_space<vmem>>, vector<1x512xf32>,
      }
      %scan3A_380 = arith.constant 16 : i32
    } else {
    }
    %iota3A = tpu.iota {dimensions = array<i32: 1>} : vector<1x8xi32>
    %iota3A_2 = vector.shape_cast %iota3A : vector<1x8xi32> to vector<8xi32>
    %broadcast_in_dim3A = arith.constant 0.000000e+00 : f32
    %broadcast_in_dim3A_3 = vector.broadcast %broadcast_in_dim3A : f32 to vector<8x768xf32>
    %broadcast_in_dim3A_4 = arith.constant 0.000000e+00 : f32
    %broadcast_in_dim3A_5 = vector.broadcast %broadcast_in_dim3A_4 : f32 to vector<8x768xf32>
    %get3A = arith.constant 0 : index
    %get3A_6 = arith.constant 0 : index
    %get3A_7 = arith.constant 0 : index
    %get3A_8 = vector.load %arg1[%get3A, %get3A_6, %get3A_7] : memref<8x256x768xf32, #tpu.memory_space<vmem>>, vector<8x32x768xf32>
    %reduce_sum3A = arith.constant dense<0.000000e+00> : vector<8x768xf32>
    %reduce_sum3A_9 = vector.multi_reduction <add>, %get3A_8, %reduce_sum3A [1] : vector<8x32x768xf32> to vector<8x768xf32>
    %add3A = arith.addf %broadcast_in_dim3A_3, %reduce_sum3A_9 : vector<8x768xf32>
    %get3A_10 = arith.constant 0 : index
    %get3A_11 = arith.constant 32 : index
    %get3A_12 = arith.constant 0 : index
    %get3A_13 = vector.load %arg1[%get3A_10, %get3A_11, %get3A_12] : memref<8x256x768xf32, #tpu.memory_space<vmem>>, vector<8x32x768xf32>
    %reduce_sum3A_14 = arith.constant dense<0.000000e+00> : vector<8x768xf32>
    %reduce_sum3A_15 = vector.multi_reduction <add>, %get3A_13, %reduce_sum3A_14 [1] : vector<8x32x768xf32> to vector<8x768xf32>
    %add3A_16 = arith.addf %broadcast_in_dim3A_5, %reduce_sum3A_15 : vector<8x768xf32>
    %get3A_17 = arith.constant 0 : index
    %get3A_18 = arith.constant 64 : index
    %get3A_19 = arith.constant 0 : index
    %get3A_20 = vector.load %arg1[%get3A_17, %get3A_18, %get3A_19] : memref<8x256x768xf32, #tpu.memory_space<vmem>>, vector<8x32x768xf32>
    %reduce_sum3A_21 = arith.constant dense<0.000000e+00> : vector<8x768xf32>
    %reduce_sum3A_22 = vector.multi_reduction <add>, %get3A_20, %reduce_sum3A_21 [1] : vector<8x32x768xf32> to vector<8x768xf32>
    %add3A_23 = arith.addf %add3A, %reduce_sum3A_22 : vector<8x768xf32>
    %get3A_24 = arith.constant 0 : index
    %get3A_25 = arith.constant 96 : index
    %get3A_26 = arith.constant 0 : index
    %get3A_27 = vector.load %arg1[%get3A_24, %get3A_25, %get3A_26] : memref<8x256x768xf32, #tpu.memory_space<vmem>>, vector<8x32x768xf32>
    %reduce_sum3A_28 = arith.constant dense<0.000000e+00> : vector<8x768xf32>
    %reduce_sum3A_29 = vector.multi_reduction <add>, %get3A_27, %reduce_sum3A_28 [1] : vector<8x32x768xf32> to vector<8x768xf32>
    %add3A_30 = arith.addf %add3A_16, %reduce_sum3A_29 : vector<8x768xf32>
    %get3A_31 = arith.constant 0 : index
    %get3A_32 = arith.constant 128 : index
    %get3A_33 = arith.constant 0 : index
    %get3A_34 = vector.load %arg1[%get3A_31, %get3A_32, %get3A_33] : memref<8x256x768xf32, #tpu.memory_space<vmem>>, vector<8x32x768xf32>
    %reduce_sum3A_35 = arith.constant dense<0.000000e+00> : vector<8x768xf32>
    %reduce_sum3A_36 = vector.multi_reduction <add>, %get3A_34, %reduce_sum3A_35 [1] : vector<8x32x768xf32> to vector<8x768xf32>
    %add3A_37 = arith.addf %add3A_23, %reduce_sum3A_36 : vector<8x768xf32>
    %get3A_38 = arith.constant 0 : index
    %get3A_39 = arith.constant 160 : index
    %get3A_40 = arith.constant 0 : index
    %get3A_41 = vector.load %arg1[%get3A_38, %get3A_39, %get3A_40] : memref<8x256x768xf32, #tpu.memory_space<vmem>>, vector<8x32x768xf32>
    %reduce_sum3A_42 = arith.constant dense<0.000000e+00> : vector<8x768xf32>
    %reduce_sum3A_43 = vector.multi_reduction <add>, %get3A_41, %reduce_sum3A_42 [1] : vector<8x32x768xf32> to vector<8x768xf32>
    %add3A_44 = arith.addf %add3A_30, %reduce_sum3A_43 : vector<8x768xf32>
    %get3A_45 = arith.constant 0 : index
    %get3A_46 = arith.constant 192 : index
    %get3A_47 = arith.constant 0 : index
    %get3A_48 = vector.load %arg1[%get3A_45, %get3A_46, %get3A_47] : memref<8x256x768xf32, #tpu.memory_space<vmem>>, vector<8x32x768xf32>
    %reduce_sum3A_49 = arith.constant dense<0.000000e+00> : vector<8x768xf32>
    %reduce_sum3A_50 = vector.multi_reduction <add>, %get3A_48, %reduce_sum3A_49 [1] : vector<8x32x768xf32> to vector<8x768xf32>
    %add3A_51 = arith.addf %add3A_37, %reduce_sum3A_50 : vector<8x768xf32>
    %get3A_52 = arith.constant 0 : index
    %get3A_53 = arith.constant 224 : index
    %get3A_54 = arith.constant 0 : index
    %get3A_55 = vector.load %arg1[%get3A_52, %get3A_53, %get3A_54] : memref<8x256x768xf32, #tpu.memory_space<vmem>>, vector<8x32x768xf32>
    %reduce_sum3A_56 = arith.constant dense<0.000000e+00> : vector<8x768xf32>
    %reduce_sum3A_57 = vector.multi_reduction <add>, %get3A_55, %reduce_sum3A_56 [1] : vector<8x32x768xf32> to vector<8x768xf32>
    %add3A_58 = arith.addf %add3A_44, %reduce_sum3A_57 : vector<8x768xf32>
    %add3A_59 = arith.addf %add3A_51, %add3A_58 : vector<8x768xf32>
    %div3A = arith.constant 2.560000e+02 : f32
    %div3A_60 = vector.broadcast %div3A : f32 to vector<8x768xf32>
    %div3A_61 = arith.divf %add3A_59, %div3A_60 : vector<8x768xf32>
    %mul3A = arith.mulf %div3A_61, %div3A_61 : vector<8x768xf32>
    %reduce_sum3A_62 = arith.constant dense<0.000000e+00> : vector<8xf32>
    %reduce_sum3A_63 = vector.multi_reduction <add>, %mul3A, %reduce_sum3A_62 [1] : vector<8x768xf32> to vector<8xf32>
    %broadcast_in_dim3A_64 = vector.shape_cast %reduce_sum3A_63 : vector<8xf32> to vector<8x1xf32>
    %sqrt3A = math.sqrt %broadcast_in_dim3A_64 : vector<8x1xf32>
    %max3A = arith.constant 9.99999996E-13 : f32
    %max3A_65 = vector.broadcast %max3A : f32 to vector<8x1xf32>
    %max3A_66 = arith.maximumf %sqrt3A, %max3A_65 : vector<8x1xf32>
    %div3A_67 = vector.broadcast %max3A_66 : vector<8x1xf32> to vector<8x768xf32>
    %div3A_68 = arith.divf %div3A_61, %div3A_67 : vector<8x768xf32>
    %get3A_69 = arith.constant 0 : index
    %get3A_70 = arith.constant 0 : index
    %get3A_71 = vector.load %arg2[%get3A_69, %get3A_70] : memref<8x128xf32, #tpu.memory_space<vmem>>, vector<8x1xf32>
    %get3A_72 = vector.shape_cast %get3A_71 : vector<8x1xf32> to vector<8xf32>
    %get3A_73 = arith.constant 0 : index
    %get3A_74 = arith.constant 64 : index
    %get3A_75 = vector.load %arg2[%get3A_73, %get3A_74] : memref<8x128xf32, #tpu.memory_space<vmem>>, vector<8x1xf32>
    %get3A_76 = vector.shape_cast %get3A_75 : vector<8x1xf32> to vector<8xf32>
    %log3A = math.log %get3A_72 : vector<8xf32>
    %div3A_77 = arith.divf %get3A_76, %get3A_72 : vector<8xf32>
    %sub3A = arith.subf %log3A, %div3A_77 : vector<8xf32>
    %div3A_78 = arith.constant 10.3734913 : f32
    %div3A_79 = vector.broadcast %div3A_78 : f32 to vector<8xf32>
    %div3A_80 = arith.divf %sub3A, %div3A_79 : vector<8xf32>
    %sub3A_81 = arith.constant 1.000000e+00 : f32
    %sub3A_82 = vector.broadcast %sub3A_81 : f32 to vector<8xf32>
    %sub3A_83 = arith.subf %sub3A_82, %div3A_80 : vector<8xf32>
    %get3A_84 = arith.constant 0 : index
    %get3A_85 = arith.constant 0 : index
    %get3A_86 = vector.load %arg4[%get3A_84, %get3A_85] : memref<56x768xf32, #tpu.memory_space<vmem>>, vector<56x768xf32>
    %mul3A_87 = arith.mulf %get3A_86, %get3A_86 : vector<56x768xf32>
    %reduce_sum3A_88 = arith.constant dense<0.000000e+00> : vector<56xf32>
    %reduce_sum3A_89 = vector.multi_reduction <add>, %mul3A_87, %reduce_sum3A_88 [1] : vector<56x768xf32> to vector<56xf32>
    %broadcast_in_dim3A_90 = vector.shape_cast %reduce_sum3A_89 : vector<56xf32> to vector<56x1xf32>
    %sqrt3A_91 = math.sqrt %broadcast_in_dim3A_90 : vector<56x1xf32>
    %max3A_92 = arith.constant 9.99999996E-13 : f32
    %max3A_93 = vector.broadcast %max3A_92 : f32 to vector<56x1xf32>
    %max3A_94 = arith.maximumf %sqrt3A_91, %max3A_93 : vector<56x1xf32>
    %div3A_95 = vector.broadcast %max3A_94 : vector<56x1xf32> to vector<56x768xf32>
    %div3A_96 = arith.divf %get3A_86, %div3A_95 : vector<56x768xf32>
    %dot_general3A = arith.constant dense<0.000000e+00> : vector<8x56xf32>
    %dot_general3A_97 = tpu.matmul %div3A_68, %div3A_96, %dot_general3A {dimension_numbers = #tpu.dot_dimension_numbers<[1], [1], [0], [0], [0, 0, 1, 0], [], []>, transpose_lhs_hint = false} : vector<8x768xf32>, vector<56x768xf32>, vector<8x56xf32> -> vector<8x56xf32>
    %iota3A_98 = tpu.iota {dimensions = array<i32: 1>} : vector<8x56xi32>
    %lt3A = arith.constant 50 : i32
    %lt3A_99 = vector.broadcast %lt3A : i32 to vector<8x56xi32>
    %lt3A_100 = arith.cmpi slt, %iota3A_98, %lt3A_99 : vector<8x56xi32>
    %jit3A = arith.constant -1.000000e+30 : f32
    %broadcast_in_dim3A_101 = vector.broadcast %jit3A : f32 to vector<8x56xf32>
    %select_n3A = arith.select %lt3A_100, %dot_general3A_97, %broadcast_in_dim3A_101 : vector<8x56xi1>, vector<8x56xf32>
    %reduce_max3A = arith.constant dense<0xFF800000> : vector<8xf32>
    %reduce_max3A_102 = vector.multi_reduction <maximumf>, %select_n3A, %reduce_max3A [1] : vector<8x56xf32> to vector<8xf32>
    %get3A_103 = arith.constant 0 : index
    %get3A_104 = arith.constant 0 : index
    %get3A_105 = vector.load %arg6[%get3A_103, %get3A_104] : memref<8192x768xf32, #tpu.memory_space<vmem>>, vector<1024x768xf32>
    %dot_general3A_106 = arith.constant dense<0.000000e+00> : vector<8x1024xf32>
    %dot_general3A_107 = tpu.matmul %div3A_68, %get3A_105, %dot_general3A_106 {dimension_numbers = #tpu.dot_dimension_numbers<[1], [1], [0], [0], [0, 0, 1, 0], [], []>, transpose_lhs_hint = false} : vector<8x768xf32>, vector<1024x768xf32>, vector<8x1024xf32> -> vector<8x1024xf32>
    %get3A_108 = arith.constant 0 : index
    %get3A_109 = arith.constant 0 : index
    %get3A_110 = vector.load %arg7[%get3A_108, %get3A_109] : memref<1x8192xf32, #tpu.memory_space<vmem>>, vector<1x1024xf32>
    %get3A_111 = vector.shape_cast %get3A_110 : vector<1x1024xf32> to vector<1024xf32>
    %broadcast_in_dim3A_112 = vector.shape_cast %get3A_111 : vector<1024xf32> to vector<1x1024xf32>
    %mul3A_113 = vector.broadcast %broadcast_in_dim3A_112 : vector<1x1024xf32> to vector<8x1024xf32>
    %mul3A_114 = arith.mulf %dot_general3A_107, %mul3A_113 : vector<8x1024xf32>
    %get3A_115 = arith.constant 1024 : index
    %get3A_116 = arith.constant 0 : index
    %get3A_117 = vector.load %arg6[%get3A_115, %get3A_116] : memref<8192x768xf32, #tpu.memory_space<vmem>>, vector<1024x768xf32>
    %dot_general3A_118 = arith.constant dense<0.000000e+00> : vector<8x1024xf32>
    %dot_general3A_119 = tpu.matmul %div3A_68, %get3A_117, %dot_general3A_118 {dimension_numbers = #tpu.dot_dimension_numbers<[1], [1], [0], [0], [0, 0, 1, 0], [], []>, transpose_lhs_hint = false} : vector<8x768xf32>, vector<1024x768xf32>, vector<8x1024xf32> -> vector<8x1024xf32>
    %get3A_120 = arith.constant 0 : index
    %get3A_121 = arith.constant 1024 : index
    %get3A_122 = vector.load %arg7[%get3A_120, %get3A_121] : memref<1x8192xf32, #tpu.memory_space<vmem>>, vector<1x1024xf32>
    %get3A_123 = vector.shape_cast %get3A_122 : vector<1x1024xf32> to vector<1024xf32>
    %broadcast_in_dim3A_124 = vector.shape_cast %get3A_123 : vector<1024xf32> to vector<1x1024xf32>
    %mul3A_125 = vector.broadcast %broadcast_in_dim3A_124 : vector<1x1024xf32> to vector<8x1024xf32>
    %mul3A_126 = arith.mulf %dot_general3A_119, %mul3A_125 : vector<8x1024xf32>
    %get3A_127 = arith.constant 2048 : index
    %get3A_128 = arith.constant 0 : index
    %get3A_129 = vector.load %arg6[%get3A_127, %get3A_128] : memref<8192x768xf32, #tpu.memory_space<vmem>>, vector<1024x768xf32>
    %dot_general3A_130 = arith.constant dense<0.000000e+00> : vector<8x1024xf32>
    %dot_general3A_131 = tpu.matmul %div3A_68, %get3A_129, %dot_general3A_130 {dimension_numbers = #tpu.dot_dimension_numbers<[1], [1], [0], [0], [0, 0, 1, 0], [], []>, transpose_lhs_hint = false} : vector<8x768xf32>, vector<1024x768xf32>, vector<8x1024xf32> -> vector<8x1024xf32>
    %get3A_132 = arith.constant 0 : index
    %get3A_133 = arith.constant 2048 : index
    %get3A_134 = vector.load %arg7[%get3A_132, %get3A_133] : memref<1x8192xf32, #tpu.memory_space<vmem>>, vector<1x1024xf32>
    %get3A_135 = vector.shape_cast %get3A_134 : vector<1x1024xf32> to vector<1024xf32>
    %broadcast_in_dim3A_136 = vector.shape_cast %get3A_135 : vector<1024xf32> to vector<1x1024xf32>
    %mul3A_137 = vector.broadcast %broadcast_in_dim3A_136 : vector<1x1024xf32> to vector<8x1024xf32>
    %mul3A_138 = arith.mulf %dot_general3A_131, %mul3A_137 : vector<8x1024xf32>
    %get3A_139 = arith.constant 3072 : index
    %get3A_140 = arith.constant 0 : index
    %get3A_141 = vector.load %arg6[%get3A_139, %get3A_140] : memref<8192x768xf32, #tpu.memory_space<vmem>>, vector<1024x768xf32>
    %dot_general3A_142 = arith.constant dense<0.000000e+00> : vector<8x1024xf32>
    %dot_general3A_143 = tpu.matmul %div3A_68, %get3A_141, %dot_general3A_142 {dimension_numbers = #tpu.dot_dimension_numbers<[1], [1], [0], [0], [0, 0, 1, 0], [], []>, transpose_lhs_hint = false} : vector<8x768xf32>, vector<1024x768xf32>, vector<8x1024xf32> -> vector<8x1024xf32>
    %get3A_144 = arith.constant 0 : index
    %get3A_145 = arith.constant 3072 : index
    %get3A_146 = vector.load %arg7[%get3A_144, %get3A_145] : memref<1x8192xf32, #tpu.memory_space<vmem>>, vector<1x1024xf32>
    %get3A_147 = vector.shape_cast %get3A_146 : vector<1x1024xf32> to vector<1024xf32>
    %broadcast_in_dim3A_148 = vector.shape_cast %get3A_147 : vector<1024xf32> to vector<1x1024xf32>
    %mul3A_149 = vector.broadcast %broadcast_in_dim3A_148 : vector<1x1024xf32> to vector<8x1024xf32>
    %mul3A_150 = arith.mulf %dot_general3A_143, %mul3A_149 : vector<8x1024xf32>
    %get3A_151 = arith.constant 4096 : index
    %get3A_152 = arith.constant 0 : index
    %get3A_153 = vector.load %arg6[%get3A_151, %get3A_152] : memref<8192x768xf32, #tpu.memory_space<vmem>>, vector<1024x768xf32>
    %dot_general3A_154 = arith.constant dense<0.000000e+00> : vector<8x1024xf32>
    %dot_general3A_155 = tpu.matmul %div3A_68, %get3A_153, %dot_general3A_154 {dimension_numbers = #tpu.dot_dimension_numbers<[1], [1], [0], [0], [0, 0, 1, 0], [], []>, transpose_lhs_hint = false} : vector<8x768xf32>, vector<1024x768xf32>, vector<8x1024xf32> -> vector<8x1024xf32>
    %get3A_156 = arith.constant 0 : index
    %get3A_157 = arith.constant 4096 : index
    %get3A_158 = vector.load %arg7[%get3A_156, %get3A_157] : memref<1x8192xf32, #tpu.memory_space<vmem>>, vector<1x1024xf32>
    %get3A_159 = vector.shape_cast %get3A_158 : vector<1x1024xf32> to vector<1024xf32>
    %broadcast_in_dim3A_160 = vector.shape_cast %get3A_159 : vector<1024xf32> to vector<1x1024xf32>
    %mul3A_161 = vector.broadcast %broadcast_in_dim3A_160 : vector<1x1024xf32> to vector<8x1024xf32>
    %mul3A_162 = arith.mulf %dot_general3A_155, %mul3A_161 : vector<8x1024xf32>
    %get3A_163 = arith.constant 5120 : index
    %get3A_164 = arith.constant 0 : index
    %get3A_165 = vector.load %arg6[%get3A_163, %get3A_164] : memref<8192x768xf32, #tpu.memory_space<vmem>>, vector<1024x768xf32>
    %dot_general3A_166 = arith.constant dense<0.000000e+00> : vector<8x1024xf32>
    %dot_general3A_167 = tpu.matmul %div3A_68, %get3A_165, %dot_general3A_166 {dimension_numbers = #tpu.dot_dimension_numbers<[1], [1], [0], [0], [0, 0, 1, 0], [], []>, transpose_lhs_hint = false} : vector<8x768xf32>, vector<1024x768xf32>, vector<8x1024xf32> -> vector<8x1024xf32>
    %get3A_168 = arith.constant 0 : index
    %get3A_169 = arith.constant 5120 : index
    %get3A_170 = vector.load %arg7[%get3A_168, %get3A_169] : memref<1x8192xf32, #tpu.memory_space<vmem>>, vector<1x1024xf32>
    %get3A_171 = vector.shape_cast %get3A_170 : vector<1x1024xf32> to vector<1024xf32>
    %broadcast_in_dim3A_172 = vector.shape_cast %get3A_171 : vector<1024xf32> to vector<1x1024xf32>
    %mul3A_173 = vector.broadcast %broadcast_in_dim3A_172 : vector<1x1024xf32> to vector<8x1024xf32>
    %mul3A_174 = arith.mulf %dot_general3A_167, %mul3A_173 : vector<8x1024xf32>
    %get3A_175 = arith.constant 6144 : index
    %get3A_176 = arith.constant 0 : index
    %get3A_177 = vector.load %arg6[%get3A_175, %get3A_176] : memref<8192x768xf32, #tpu.memory_space<vmem>>, vector<1024x768xf32>
    %dot_general3A_178 = arith.constant dense<0.000000e+00> : vector<8x1024xf32>
    %dot_general3A_179 = tpu.matmul %div3A_68, %get3A_177, %dot_general3A_178 {dimension_numbers = #tpu.dot_dimension_numbers<[1], [1], [0], [0], [0, 0, 1, 0], [], []>, transpose_lhs_hint = false} : vector<8x768xf32>, vector<1024x768xf32>, vector<8x1024xf32> -> vector<8x1024xf32>
    %get3A_180 = arith.constant 0 : index
    %get3A_181 = arith.constant 6144 : index
    %get3A_182 = vector.load %arg7[%get3A_180, %get3A_181] : memref<1x8192xf32, #tpu.memory_space<vmem>>, vector<1x1024xf32>
    %get3A_183 = vector.shape_cast %get3A_182 : vector<1x1024xf32> to vector<1024xf32>
    %broadcast_in_dim3A_184 = vector.shape_cast %get3A_183 : vector<1024xf32> to vector<1x1024xf32>
    %mul3A_185 = vector.broadcast %broadcast_in_dim3A_184 : vector<1x1024xf32> to vector<8x1024xf32>
    %mul3A_186 = arith.mulf %dot_general3A_179, %mul3A_185 : vector<8x1024xf32>
    %get3A_187 = arith.constant 7168 : index
    %get3A_188 = arith.constant 0 : index
    %get3A_189 = vector.load %arg6[%get3A_187, %get3A_188] : memref<8192x768xf32, #tpu.memory_space<vmem>>, vector<1024x768xf32>
    %dot_general3A_190 = arith.constant dense<0.000000e+00> : vector<8x1024xf32>
    %dot_general3A_191 = tpu.matmul %div3A_68, %get3A_189, %dot_general3A_190 {dimension_numbers = #tpu.dot_dimension_numbers<[1], [1], [0], [0], [0, 0, 1, 0], [], []>, transpose_lhs_hint = false} : vector<8x768xf32>, vector<1024x768xf32>, vector<8x1024xf32> -> vector<8x1024xf32>
    %get3A_192 = arith.constant 0 : index
    %get3A_193 = arith.constant 7168 : index
    %get3A_194 = vector.load %arg7[%get3A_192, %get3A_193] : memref<1x8192xf32, #tpu.memory_space<vmem>>, vector<1x1024xf32>
    %get3A_195 = vector.shape_cast %get3A_194 : vector<1x1024xf32> to vector<1024xf32>
    %broadcast_in_dim3A_196 = vector.shape_cast %get3A_195 : vector<1024xf32> to vector<1x1024xf32>
    %mul3A_197 = vector.broadcast %broadcast_in_dim3A_196 : vector<1x1024xf32> to vector<8x1024xf32>
    %mul3A_198 = arith.mulf %dot_general3A_191, %mul3A_197 : vector<8x1024xf32>
    %concatenate3A = tpu.concatenate %mul3A_114, %mul3A_126, %mul3A_138, %mul3A_150, %mul3A_162, %mul3A_174, %mul3A_186, %mul3A_198 in 1 : vector<8x1024xf32>, vector<8x1024xf32>, vector<8x1024xf32>, vector<8x1024xf32>, vector<8x1024xf32>, vector<8x1024xf32>, vector<8x1024xf32>, vector<8x1024xf32> -> vector<8x8192xf32>
    %reduce_max3A_199 = arith.constant dense<0xFF800000> : vector<8xf32>
    %reduce_max3A_200 = vector.multi_reduction <maximumf>, %concatenate3A, %reduce_max3A_199 [1] : vector<8x8192xf32> to vector<8xf32>
    %argmax3A = tpu.reduce_index %concatenate3A {axis = 1 : i32, kind = #tpu.reduction_kind<arg_max>} : vector<8x8192xf32> -> vector<8xi32>
    %eq3A_201 = arith.constant 0 : i32
    %eq3A_202 = vector.broadcast %eq3A_201 : i32 to vector<8xi32>
    %eq3A_203 = arith.cmpi eq, %iota3A_2, %eq3A_202 : vector<8xi32>
    %jit3A_204 = arith.constant 0 : i32
    %broadcast_in_dim3A_205 = vector.broadcast %jit3A_204 : i32 to vector<8xi32>
    %select_n3A_206 = arith.select %eq3A_203, %argmax3A, %broadcast_in_dim3A_205 : vector<8xi1>, vector<8xi32>
    %reduce_sum3A_207 = vector.shape_cast %select_n3A_206 : vector<8xi32> to vector<1x8xi32>
    %reduce_sum3A_208 = arith.constant dense<0> : vector<1xi32>
    %reduce_sum3A_209 = vector.multi_reduction <add>, %reduce_sum3A_207, %reduce_sum3A_208 [1] : vector<1x8xi32> to vector<1xi32>
    %reduce_sum3A_210 = vector.shape_cast %reduce_sum3A_209 : vector<1xi32> to vector<1x1xi32>
    %reduce_sum3A_211 = vector.extract %reduce_sum3A_210[0, 0] : i32 from vector<1x1xi32>
    %get3A_212 = arith.index_cast %reduce_sum3A_211 : i32 to index
    %get3A_213 = arith.constant 0 : index
    %get3A_214 = vector.load %arg6[%get3A_212, %get3A_213] : memref<8192x768xf32, #tpu.memory_space<vmem>>, vector<1x768xf32>
    %swap3A = arith.constant 0 : index
    %swap3A_215 = arith.constant 0 : index
    %swap3A_216 = vector.load %arg8[%swap3A, %swap3A_215] : memref<8x768xf32, #tpu.memory_space<vmem>>, vector<1x768xf32>
    tpu.vector_store %arg8[%swap3A, %swap3A_215], %get3A_214 {strides = array<i32>} : memref<8x768xf32, #tpu.memory_space<vmem>>, vector<1x768xf32>,
    %eq3A_217 = arith.constant 1 : i32
    %eq3A_218 = vector.broadcast %eq3A_217 : i32 to vector<8xi32>
    %eq3A_219 = arith.cmpi eq, %iota3A_2, %eq3A_218 : vector<8xi32>
    %jit3A_220 = arith.constant 0 : i32
    %broadcast_in_dim3A_221 = vector.broadcast %jit3A_220 : i32 to vector<8xi32>
    %select_n3A_222 = arith.select %eq3A_219, %argmax3A, %broadcast_in_dim3A_221 : vector<8xi1>, vector<8xi32>
    %reduce_sum3A_223 = vector.shape_cast %select_n3A_222 : vector<8xi32> to vector<1x8xi32>
    %reduce_sum3A_224 = arith.constant dense<0> : vector<1xi32>
    %reduce_sum3A_225 = vector.multi_reduction <add>, %reduce_sum3A_223, %reduce_sum3A_224 [1] : vector<1x8xi32> to vector<1xi32>
    %reduce_sum3A_226 = vector.shape_cast %reduce_sum3A_225 : vector<1xi32> to vector<1x1xi32>
    %reduce_sum3A_227 = vector.extract %reduce_sum3A_226[0, 0] : i32 from vector<1x1xi32>
    %get3A_228 = arith.index_cast %reduce_sum3A_227 : i32 to index
    %get3A_229 = arith.constant 0 : index
    %get3A_230 = vector.load %arg6[%get3A_228, %get3A_229] : memref<8192x768xf32, #tpu.memory_space<vmem>>, vector<1x768xf32>
    %swap3A_231 = arith.constant 1 : index
    %swap3A_232 = arith.constant 0 : index
    %swap3A_233 = vector.load %arg8[%swap3A_231, %swap3A_232] : memref<8x768xf32, #tpu.memory_space<vmem>>, vector<1x768xf32>
    tpu.vector_store %arg8[%swap3A_231, %swap3A_232], %get3A_230 {strides = array<i32>} : memref<8x768xf32, #tpu.memory_space<vmem>>, vector<1x768xf32>,
    %eq3A_234 = arith.constant 2 : i32
    %eq3A_235 = vector.broadcast %eq3A_234 : i32 to vector<8xi32>
    %eq3A_236 = arith.cmpi eq, %iota3A_2, %eq3A_235 : vector<8xi32>
    %jit3A_237 = arith.constant 0 : i32
    %broadcast_in_dim3A_238 = vector.broadcast %jit3A_237 : i32 to vector<8xi32>
    %select_n3A_239 = arith.select %eq3A_236, %argmax3A, %broadcast_in_dim3A_238 : vector<8xi1>, vector<8xi32>
    %reduce_sum3A_240 = vector.shape_cast %select_n3A_239 : vector<8xi32> to vector<1x8xi32>
    %reduce_sum3A_241 = arith.constant dense<0> : vector<1xi32>
    %reduce_sum3A_242 = vector.multi_reduction <add>, %reduce_sum3A_240, %reduce_sum3A_241 [1] : vector<1x8xi32> to vector<1xi32>
    %reduce_sum3A_243 = vector.shape_cast %reduce_sum3A_242 : vector<1xi32> to vector<1x1xi32>
    %reduce_sum3A_244 = vector.extract %reduce_sum3A_243[0, 0] : i32 from vector<1x1xi32>
    %get3A_245 = arith.index_cast %reduce_sum3A_244 : i32 to index
    %get3A_246 = arith.constant 0 : index
    %get3A_247 = vector.load %arg6[%get3A_245, %get3A_246] : memref<8192x768xf32, #tpu.memory_space<vmem>>, vector<1x768xf32>
    %swap3A_248 = arith.constant 2 : index
    %swap3A_249 = arith.constant 0 : index
    %swap3A_250 = vector.load %arg8[%swap3A_248, %swap3A_249] : memref<8x768xf32, #tpu.memory_space<vmem>>, vector<1x768xf32>
    tpu.vector_store %arg8[%swap3A_248, %swap3A_249], %get3A_247 {strides = array<i32>} : memref<8x768xf32, #tpu.memory_space<vmem>>, vector<1x768xf32>,
    %eq3A_251 = arith.constant 3 : i32
    %eq3A_252 = vector.broadcast %eq3A_251 : i32 to vector<8xi32>
    %eq3A_253 = arith.cmpi eq, %iota3A_2, %eq3A_252 : vector<8xi32>
    %jit3A_254 = arith.constant 0 : i32
    %broadcast_in_dim3A_255 = vector.broadcast %jit3A_254 : i32 to vector<8xi32>
    %select_n3A_256 = arith.select %eq3A_253, %argmax3A, %broadcast_in_dim3A_255 : vector<8xi1>, vector<8xi32>
    %reduce_sum3A_257 = vector.shape_cast %select_n3A_256 : vector<8xi32> to vector<1x8xi32>
    %reduce_sum3A_258 = arith.constant dense<0> : vector<1xi32>
    %reduce_sum3A_259 = vector.multi_reduction <add>, %reduce_sum3A_257, %reduce_sum3A_258 [1] : vector<1x8xi32> to vector<1xi32>
    %reduce_sum3A_260 = vector.shape_cast %reduce_sum3A_259 : vector<1xi32> to vector<1x1xi32>
    %reduce_sum3A_261 = vector.extract %reduce_sum3A_260[0, 0] : i32 from vector<1x1xi32>
    %get3A_262 = arith.index_cast %reduce_sum3A_261 : i32 to index
    %get3A_263 = arith.constant 0 : index
    %get3A_264 = vector.load %arg6[%get3A_262, %get3A_263] : memref<8192x768xf32, #tpu.memory_space<vmem>>, vector<1x768xf32>
    %swap3A_265 = arith.constant 3 : index
    %swap3A_266 = arith.constant 0 : index
    %swap3A_267 = vector.load %arg8[%swap3A_265, %swap3A_266] : memref<8x768xf32, #tpu.memory_space<vmem>>, vector<1x768xf32>
    tpu.vector_store %arg8[%swap3A_265, %swap3A_266], %get3A_264 {strides = array<i32>} : memref<8x768xf32, #tpu.memory_space<vmem>>, vector<1x768xf32>,
    %eq3A_268 = arith.constant 4 : i32
    %eq3A_269 = vector.broadcast %eq3A_268 : i32 to vector<8xi32>
    %eq3A_270 = arith.cmpi eq, %iota3A_2, %eq3A_269 : vector<8xi32>
    %jit3A_271 = arith.constant 0 : i32
    %broadcast_in_dim3A_272 = vector.broadcast %jit3A_271 : i32 to vector<8xi32>
    %select_n3A_273 = arith.select %eq3A_270, %argmax3A, %broadcast_in_dim3A_272 : vector<8xi1>, vector<8xi32>
    %reduce_sum3A_274 = vector.shape_cast %select_n3A_273 : vector<8xi32> to vector<1x8xi32>
    %reduce_sum3A_275 = arith.constant dense<0> : vector<1xi32>
    %reduce_sum3A_276 = vector.multi_reduction <add>, %reduce_sum3A_274, %reduce_sum3A_275 [1] : vector<1x8xi32> to vector<1xi32>
    %reduce_sum3A_277 = vector.shape_cast %reduce_sum3A_276 : vector<1xi32> to vector<1x1xi32>
    %reduce_sum3A_278 = vector.extract %reduce_sum3A_277[0, 0] : i32 from vector<1x1xi32>
    %get3A_279 = arith.index_cast %reduce_sum3A_278 : i32 to index
    %get3A_280 = arith.constant 0 : index
    %get3A_281 = vector.load %arg6[%get3A_279, %get3A_280] : memref<8192x768xf32, #tpu.memory_space<vmem>>, vector<1x768xf32>
    %swap3A_282 = arith.constant 4 : index
    %swap3A_283 = arith.constant 0 : index
    %swap3A_284 = vector.load %arg8[%swap3A_282, %swap3A_283] : memref<8x768xf32, #tpu.memory_space<vmem>>, vector<1x768xf32>
    tpu.vector_store %arg8[%swap3A_282, %swap3A_283], %get3A_281 {strides = array<i32>} : memref<8x768xf32, #tpu.memory_space<vmem>>, vector<1x768xf32>,
    %eq3A_285 = arith.constant 5 : i32
    %eq3A_286 = vector.broadcast %eq3A_285 : i32 to vector<8xi32>
    %eq3A_287 = arith.cmpi eq, %iota3A_2, %eq3A_286 : vector<8xi32>
    %jit3A_288 = arith.constant 0 : i32
    %broadcast_in_dim3A_289 = vector.broadcast %jit3A_288 : i32 to vector<8xi32>
    %select_n3A_290 = arith.select %eq3A_287, %argmax3A, %broadcast_in_dim3A_289 : vector<8xi1>, vector<8xi32>
    %reduce_sum3A_291 = vector.shape_cast %select_n3A_290 : vector<8xi32> to vector<1x8xi32>
    %reduce_sum3A_292 = arith.constant dense<0> : vector<1xi32>
    %reduce_sum3A_293 = vector.multi_reduction <add>, %reduce_sum3A_291, %reduce_sum3A_292 [1] : vector<1x8xi32> to vector<1xi32>
    %reduce_sum3A_294 = vector.shape_cast %reduce_sum3A_293 : vector<1xi32> to vector<1x1xi32>
    %reduce_sum3A_295 = vector.extract %reduce_sum3A_294[0, 0] : i32 from vector<1x1xi32>
    %get3A_296 = arith.index_cast %reduce_sum3A_295 : i32 to index
    %get3A_297 = arith.constant 0 : index
    %get3A_298 = vector.load %arg6[%get3A_296, %get3A_297] : memref<8192x768xf32, #tpu.memory_space<vmem>>, vector<1x768xf32>
    %swap3A_299 = arith.constant 5 : index
    %swap3A_300 = arith.constant 0 : index
    %swap3A_301 = vector.load %arg8[%swap3A_299, %swap3A_300] : memref<8x768xf32, #tpu.memory_space<vmem>>, vector<1x768xf32>
    tpu.vector_store %arg8[%swap3A_299, %swap3A_300], %get3A_298 {strides = array<i32>} : memref<8x768xf32, #tpu.memory_space<vmem>>, vector<1x768xf32>,
    %eq3A_302 = arith.constant 6 : i32
    %eq3A_303 = vector.broadcast %eq3A_302 : i32 to vector<8xi32>
    %eq3A_304 = arith.cmpi eq, %iota3A_2, %eq3A_303 : vector<8xi32>
    %jit3A_305 = arith.constant 0 : i32
    %broadcast_in_dim3A_306 = vector.broadcast %jit3A_305 : i32 to vector<8xi32>
    %select_n3A_307 = arith.select %eq3A_304, %argmax3A, %broadcast_in_dim3A_306 : vector<8xi1>, vector<8xi32>
    %reduce_sum3A_308 = vector.shape_cast %select_n3A_307 : vector<8xi32> to vector<1x8xi32>
    %reduce_sum3A_309 = arith.constant dense<0> : vector<1xi32>
    %reduce_sum3A_310 = vector.multi_reduction <add>, %reduce_sum3A_308, %reduce_sum3A_309 [1] : vector<1x8xi32> to vector<1xi32>
    %reduce_sum3A_311 = vector.shape_cast %reduce_sum3A_310 : vector<1xi32> to vector<1x1xi32>
    %reduce_sum3A_312 = vector.extract %reduce_sum3A_311[0, 0] : i32 from vector<1x1xi32>
    %get3A_313 = arith.index_cast %reduce_sum3A_312 : i32 to index
    %get3A_314 = arith.constant 0 : index
    %get3A_315 = vector.load %arg6[%get3A_313, %get3A_314] : memref<8192x768xf32, #tpu.memory_space<vmem>>, vector<1x768xf32>
    %swap3A_316 = arith.constant 6 : index
    %swap3A_317 = arith.constant 0 : index
    %swap3A_318 = vector.load %arg8[%swap3A_316, %swap3A_317] : memref<8x768xf32, #tpu.memory_space<vmem>>, vector<1x768xf32>
    tpu.vector_store %arg8[%swap3A_316, %swap3A_317], %get3A_315 {strides = array<i32>} : memref<8x768xf32, #tpu.memory_space<vmem>>, vector<1x768xf32>,
    %eq3A_319 = arith.constant 7 : i32
    %eq3A_320 = vector.broadcast %eq3A_319 : i32 to vector<8xi32>
    %eq3A_321 = arith.cmpi eq, %iota3A_2, %eq3A_320 : vector<8xi32>
    %jit3A_322 = arith.constant 0 : i32
    %broadcast_in_dim3A_323 = vector.broadcast %jit3A_322 : i32 to vector<8xi32>
    %select_n3A_324 = arith.select %eq3A_321, %argmax3A, %broadcast_in_dim3A_323 : vector<8xi1>, vector<8xi32>
    %reduce_sum3A_325 = vector.shape_cast %select_n3A_324 : vector<8xi32> to vector<1x8xi32>
    %reduce_sum3A_326 = arith.constant dense<0> : vector<1xi32>
    %reduce_sum3A_327 = vector.multi_reduction <add>, %reduce_sum3A_325, %reduce_sum3A_326 [1] : vector<1x8xi32> to vector<1xi32>
    %reduce_sum3A_328 = vector.shape_cast %reduce_sum3A_327 : vector<1xi32> to vector<1x1xi32>
    %reduce_sum3A_329 = vector.extract %reduce_sum3A_328[0, 0] : i32 from vector<1x1xi32>
    %get3A_330 = arith.index_cast %reduce_sum3A_329 : i32 to index
    %get3A_331 = arith.constant 0 : index
    %get3A_332 = vector.load %arg6[%get3A_330, %get3A_331] : memref<8192x768xf32, #tpu.memory_space<vmem>>, vector<1x768xf32>
    %swap3A_333 = arith.constant 7 : index
    %swap3A_334 = arith.constant 0 : index
    %swap3A_335 = vector.load %arg8[%swap3A_333, %swap3A_334] : memref<8x768xf32, #tpu.memory_space<vmem>>, vector<1x768xf32>
    tpu.vector_store %arg8[%swap3A_333, %swap3A_334], %get3A_332 {strides = array<i32>} : memref<8x768xf32, #tpu.memory_space<vmem>>, vector<1x768xf32>,
    %get3A_336 = arith.constant 0 : index
    %get3A_337 = arith.constant 0 : index
    %get3A_338 = vector.load %arg8[%get3A_336, %get3A_337] : memref<8x768xf32, #tpu.memory_space<vmem>>, vector<8x768xf32>
    %mul3A_339 = arith.mulf %get3A_338, %get3A_338 : vector<8x768xf32>
    %reduce_sum3A_340 = arith.constant dense<0.000000e+00> : vector<8xf32>
    %reduce_sum3A_341 = vector.multi_reduction <add>, %mul3A_339, %reduce_sum3A_340 [1] : vector<8x768xf32> to vector<8xf32>
    %broadcast_in_dim3A_342 = vector.shape_cast %reduce_sum3A_341 : vector<8xf32> to vector<8x1xf32>
    %sqrt3A_343 = math.sqrt %broadcast_in_dim3A_342 : vector<8x1xf32>
    %max3A_344 = arith.constant 9.99999996E-13 : f32
    %max3A_345 = vector.broadcast %max3A_344 : f32 to vector<8x1xf32>
    %max3A_346 = arith.maximumf %sqrt3A_343, %max3A_345 : vector<8x1xf32>
    %div3A_347 = vector.broadcast %max3A_346 : vector<8x1xf32> to vector<8x768xf32>
    %div3A_348 = arith.divf %get3A_338, %div3A_347 : vector<8x768xf32>
    %sub3A_349 = arith.constant 1.000000e+00 : f32
    %sub3A_350 = vector.broadcast %sub3A_349 : f32 to vector<8xf32>
    %sub3A_351 = arith.subf %sub3A_350, %reduce_max3A_200 : vector<8xf32>
    %mul3A_352 = arith.constant 3.000000e-01 : f32
    %mul3A_353 = vector.broadcast %mul3A_352 : f32 to vector<8xf32>
    %mul3A_354 = arith.mulf %mul3A_353, %sub3A_351 : vector<8xf32>
    %mul3A_355 = arith.mulf %mul3A_354, %sub3A_83 : vector<8xf32>
    %mul3A_356 = arith.constant 5.000000e-01 : f32
    %mul3A_357 = vector.broadcast %mul3A_356 : f32 to vector<8xf32>
    %mul3A_358 = arith.mulf %reduce_max3A_102, %mul3A_357 : vector<8xf32>
    %sub3A_359 = arith.constant 1.000000e+00 : f32
    %sub3A_360 = vector.broadcast %sub3A_359 : f32 to vector<8xf32>
    %sub3A_361 = arith.subf %sub3A_360, %mul3A_358 : vector<8xf32>
    %mul3A_362 = arith.mulf %mul3A_355, %sub3A_361 : vector<8xf32>
    %sub3A_363 = arith.subf %div3A_348, %div3A_68 : vector<8x768xf32>
    %jit3A_364 = arith.constant -5.000000e-01 : f32
    %jit3A_365 = arith.constant 5.000000e-01 : f32
    %max3A_366 = vector.broadcast %jit3A_364 : f32 to vector<8x768xf32>
    %max3A_367 = arith.maximumf %max3A_366, %sub3A_363 : vector<8x768xf32>
    %min3A = vector.broadcast %jit3A_365 : f32 to vector<8x768xf32>
    %min3A_368 = arith.minimumf %min3A, %max3A_367 : vector<8x768xf32>
    %broadcast_in_dim3A_369 = vector.shape_cast %mul3A_362 : vector<8xf32> to vector<8x1xf32>
    %mul3A_370 = vector.broadcast %broadcast_in_dim3A_369 : vector<8x1xf32> to vector<8x768xf32>
    %mul3A_371 = arith.mulf %mul3A_370, %min3A_368 : vector<8x768xf32>
    %scan3A = arith.constant 0 : i32
    %scan3A_372 = arith.constant 8 : i32
    %scan3A_373 = arith.addi %scan3A, %scan3A_372 : i32
    %scan3A_374 = arith.constant 1 : i32
    scf.for %scan3A_376 = %scan3A to %scan3A_373 step %scan3A_374  : i32 {
      %mul3A_377 = arith.constant 32 : i32
      %mul3A_378 = arith.muli %scan3A_376, %mul3A_377 : i32
      %get3A_379 = arith.constant 0 : index
      %get3A_380 = arith.index_cast %mul3A_378 : i32 to index
      %get3A_381 = arith.constant 0 : index
      %get3A_382 = vector.load %arg1[%get3A_379, %get3A_380, %get3A_381] : memref<8x256x768xf32, #tpu.memory_space<vmem>>, vector<8x32x768xf32>
      %broadcast_in_dim3A_383 = vector.shape_cast %mul3A_371 : vector<8x768xf32> to vector<8x1x768xf32>
      %add3A_384 = vector.broadcast %broadcast_in_dim3A_383 : vector<8x1x768xf32> to vector<8x32x768xf32>
      %add3A_385 = arith.addf %get3A_382, %add3A_384 : vector<8x32x768xf32>
      %mul3A_386 = arith.constant 32 : i32
      %mul3A_387 = arith.muli %scan3A_376, %mul3A_386 : i32
      %swap3A_388 = arith.constant 0 : index
      %swap3A_389 = arith.index_cast %mul3A_387 : i32 to index
      %swap3A_390 = arith.constant 0 : index
      %swap3A_391 = vector.load %arg5[%swap3A_388, %swap3A_389, %swap3A_390] : memref<8x256x768xf32, #tpu.memory_space<vmem>>, vector<8x32x768xf32>
      tpu.vector_store %arg5[%swap3A_388, %swap3A_389, %swap3A_390], %add3A_385 {strides = array<i32>} : memref<8x256x768xf32, #tpu.memory_space<vmem>>, vector<8x32x768xf32>,
    }
    %scan3A_375 = arith.constant 8 : i32
    return
  }
  func.func @transform_0(%arg0: i32) -> (i32, i32, i32) {
    %c0_i32 = arith.constant 0 : i32
    %c0_i32_0 = arith.constant 0 : i32
    %c0_i32_1 = arith.constant 0 : i32
    return %arg0, %c0_i32, %c0_i32_0 : i32, i32, i32
  }
  func.func @transform_1(%arg0: i32) -> (i32, i32) {
    %c0_i32 = arith.constant 0 : i32
    %c0_i32_0 = arith.constant 0 : i32
    return %arg0, %c0_i32 : i32, i32
  }
  func.func @transform_3(%arg0: i32) -> (i32, i32) {
    %c0_i32 = arith.constant 0 : i32
    %c0_i32_0 = arith.constant 0 : i32
    %c0_i32_1 = arith.constant 0 : i32
    return %c0_i32, %c0_i32_0 : i32, i32
  }
  func.func @transform_4(%arg0: i32) -> (i32, i32, i32) {
    %c0_i32 = arith.constant 0 : i32
    %c0_i32_0 = arith.constant 0 : i32
    %c0_i32_1 = arith.constant 0 : i32
    return %arg0, %c0_i32, %c0_i32_0 : i32, i32, i32
  }
}

</mosaic_0001>

<sc_bundles>
// kernel: kernel.4.cloned.1.call-start
scs
__scs_entry_jumppad:
0x0: {  	(pc) =	sbr.rel $0x88, $3  }
0x1: {  	(tag) =	ssettag $0x0;
	lr =	simm.s32 $0x1  }
0x2: {  	[smem:$0x3F9D] =	sst lr;
	_ =	strace $0xD0000000  }
0x3: {  	_ = 	snop  }
0x4: {  	_ = 	snop  }
0x5: {  	_ = 	snop  }
0x6: {  	_ = 	snop  }
0x7: {  	_ = 	snop  }
__scs_overlays_trampoline_lowered:
0x8: {  	[smem:$0x3FAC] =	sst s0  }
0x9: {  	[smem:$0x3FAD] =	sst s1  }
0xa: {  	[smem:$0x3FAE] =	sst s2  }
0xb: {  	[smem:$0x3FAF] =	sst s3  }
0xc: {  	[smem:$0x3FB0] =	sst s4  }
0xd: {  	[smem:$0x3FB1] =	sst s5  }
0xe: {  	[smem:$0x3FB2] =	sst s6  }
0xf: {  	[smem:$0x3FB3] =	sst s7  }
0x10: {  	[smem:$0x3FB4] =	sst s8  }
0x11: {  	[smem:$0x3FB5] =	sst s9;
	s0 =	simm.s32 @!p0 $0x0  }
0x12: {  	s1 =	sld [smem:$0x3F9B];
	s0 =	simm.s32 @p0 $0x1  }
0x13: {  	[smem:$0x3FB6] =	sst s0;
	s0 =	simm.s32 @!p1 $0x0  }
0x14: {  	s2 =	sld [smem:$0x3F9A];
	s0 =	simm.s32 @p1 $0x1  }
0x15: {  	[smem:$0x3FB7] =	sst s0;
	s0 =	simm.s32 @!p2 $0x0  }
0x16: {  	s3 =	sld [smem:$0x3FDB];
	s0 =	simm.s32 @p2 $0x1  }
0x17: {  	s4 =	simm.s32 $0x1BF5;
	[smem:$0x3FB9] =	sst s0  }
0x18: {  	s0 =	sld [smem:$0x3F9C];
	_ =	swait.ge [sflag:s4], $0x0  }
0x19: {  	s7 =	sld [smem:$0x3F9D]  }
0x1a: {  	s8 =	sadd.s32 $0xFFFFE003, lr  }
0x1b: {  	s9 =	sadd.s32 $0xFFFFFEF7, lr;
	s5 =	simm.s32 $0xFFFFFFFF;
	p2 =	slt.u32 s8, $0xFFFFF086  }
0x1c: {  	p1 =	slt.u32 s9, $0xF7A;
	s5 =	simm.s32 @!p2 $0x0  }
0x1d: {  	s5 =	simm.s32 @p1 $0x1;
	p0 =	seq.s32 s7, s2  }
0x1e: {  	s7 =	smul.u32 @!p0 $0xF7A, s2;
	p2 =	seq.s32 @!p0 s5, $0x0  }
0x1f: {  	s9 =	smul.u32 $0xF7A, s1;
	s8 =	simm.s32 @!p0 $0x1BF5;
	p2 =	por !p2, p0  }
0x20: {  	[sflag:s8] =	ssyncset.s32 @!p0 $0xFFFFF086;
	s6 =	sadd.s32 @!p0 s3, s7;
	s7 =	simm.s32 @!p0 $0x108  }
0x21: {  	s3 =	sadd.s32 s3, s9;
	s6 =	sadd.s32 @!p0 $0x88, s6;
	s7 =	simm.s32 @p2 $0x1082  }
0x22: {  	[simem:s7], [sflag:s8] =	dma.local @!p0 [hbm:s6], $0xF7A  }
0x23: {  	s9 =	sor.u32 $0xD0000000, s2;
	s6 =	simm.s32 $0x108;
	_ =	swait.ge @!p0 [sflag:s8], $0x0  }
0x24: {  	s3 =	sadd.s32 $0x88, s3;
	s6 =	simm.s32 @!p1 $0x1082;
	[sflag:s4] =	ssyncset.s32 $0xFFFFF086  }
0x25: {  	[simem:s6], [sflag:s4] =	dma.local [hbm:s3], $0xF7A  }
0x26: {  	[smem:$0x3F9D] =	sst s1;
	(tag) =	ssettag s2;
	_ =	strace s9  }
0x27: {  	s1 =	sld [smem:$0x3FAD]  }
0x28: {  	s2 =	sld [smem:$0x3FAE]  }
0x29: {  	s4 =	sld [smem:$0x3FB0]  }
0x2a: {  	p0 =	seq.s32 s5, $0x0;
	s5 =	sld [smem:$0x3FB1]  }
0x2b: {  	s6 =	sld [smem:$0x3FB2]  }
0x2c: {  	s7 =	sld [smem:$0x3FB3]  }
0x2d: {  	s3 =	simm.s32 $0x108;
	s8 =	sld [smem:$0x3FB4]  }
0x2e: {  	s3 =	simm.s32 @!p0 $0x1082;
	s9 =	sld [smem:$0x3FB5]  }
0x2f: {  	lr =	sadd.s32 s0, s3;
	s0 =	sld [smem:$0x3FAC]  }
0x30: {  	s3 =	sld [smem:$0x3FAF]  }
0x31: {  	[smem:$0x3FB8] =	sst s10  }
0x32: {  	s10 =	sld [smem:$0x3FB6];
	_ =	sdelay $0x3  }
0x33: {  	p0 =	seq.s32 s10, $0x1;
	s10 =	sld [smem:$0x3FB8];
	_ =	sdelay $0x3  }
0x34: {  	[smem:$0x3FB8] =	sst s10  }
0x35: {  	s10 =	sld [smem:$0x3FB7];
	_ =	sdelay $0x3  }
0x36: {  	p1 =	seq.s32 s10, $0x1;
	s10 =	sld [smem:$0x3FB8];
	_ =	sdelay $0x3  }
0x37: {  	[smem:$0x3FB8] =	sst s10  }
0x38: {  	s10 =	sld [smem:$0x3FB9]  }
0x39: {  	_ = 	snop;
	(pc) =	sbr.ind lr, $3  }
0x3a: {  	_ = 	snop  }
0x3b: {  	_ = 	snop  }
0x3c: {  	p2 =	seq.s32 s10, $0x1;
	s10 =	sld [smem:$0x3FB8]  }
0x3d: {  	_ =	shalt  }
0x3e: {  	_ =	shalt  }
0x3f: {  	_ =	shalt  }
0x40: {  	_ =	shalt  }
0x41: {  	_ =	shalt  }
0x42: {  	_ =	shalt  }
0x43: {  	_ =	shalt  }
0x44: {  	_ =	shalt  }
0x45: {  	_ =	shalt  }
0x46: {  	_ =	shalt  }
0x47: {  	_ =	shalt  }
0x48: {  	_ =	shalt  }
0x49: {  	_ =	shalt  }
0x4a: {  	_ =	shalt  }
0x4b: {  	_ =	shalt  }
0x4c: {  	_ =	shalt  }
0x4d: {  	_ =	shalt  }
0x4e: {  	_ =	shalt  }
0x4f: {  	_ =	shalt  }
0x50: {  	_ =	shalt  }
0x51: {  	_ =	shalt  }
0x52: {  	_ =	shalt  }
0x53: {  	_ =	shalt  }
0x54: {  	_ =	shalt  }
0x55: {  	_ =	shalt  }
0x56: {  	_ =	shalt  }
0x57: {  	_ =	shalt  }
0x58: {  	_ =	shalt  }
0x59: {  	_ =	shalt  }
0x5a: {  	_ =	shalt  }
0x5b: {  	_ =	shalt  }
0x5c: {  	_ =	shalt  }
0x5d: {  	_ =	shalt  }
0x5e: {  	_ =	shalt  }
0x5f: {  	_ =	shalt  }
0x60: {  	_ =	shalt  }
0x61: {  	_ =	shalt  }
0x62: {  	_ =	shalt  }
0x63: {  	_ =	shalt  }
0x64: {  	_ =	shalt  }
0x65: {  	_ =	shalt  }
0x66: {  	_ =	shalt  }
0x67: {  	_ =	shalt  }
0x68: {  	_ =	shalt  }
0x69: {  	_ =	shalt  }
0x6a: {  	_ =	shalt  }
0x6b: {  	_ =	shalt  }
0x6c: {  	_ =	shalt  }
0x6d: {  	_ =	shalt  }
0x6e: {  	_ =	shalt  }
0x6f: {  	_ =	shalt  }
0x70: {  	_ =	shalt  }
0x71: {  	_ =	shalt  }
0x72: {  	_ =	shalt  }
0x73: {  	_ =	shalt  }
0x74: {  	_ =	shalt  }
0x75: {  	_ =	shalt  }
0x76: {  	_ =	shalt  }
0x77: {  	_ =	shalt  }
0x78: {  	_ =	shalt  }
0x79: {  	_ =	shalt  }
0x7a: {  	_ =	shalt  }
0x7b: {  	_ =	shalt  }
0x7c: {  	_ =	shalt  }
0x7d: {  	_ =	shalt  }
0x7e: {  	_ =	shalt  }
0x7f: {  	_ =	shalt  }
0x80: {  	_ =	shalt  }
0x81: {  	_ =	shalt  }
0x82: {  	_ =	shalt  }
0x83: {  	_ =	shalt  }
0x84: {  	_ =	shalt  }
0x85: {  	_ =	shalt  }
0x86: {  	_ =	shalt  }
0x87: {  	_ =	shalt  }
.Lfunc_end0:
.L_simem_size_0:
called_computation_lowered:
.L_overlay_start_0:
0x88: {  	s2 =	sld [smem:$0x3FD9]  }
0x89: {  	s3 =	sld [smem:$0x3FFE];
	_ =	sdelay $0x1  }
0x8a: {  	s1 =	srdreg.scid  }
0x8b: {  	s0 =	sand.u32 $0x1, s1  }
0x8c: {  	s17 =	sshll.u32 s0, $0xA;
	s2 =	sadd.s32 s3, s2  }
0x8d: {  	s2 =	sadd.s32 s2, s17  }
0x8e: {  	[smem:$0x3FC4] =	sst s2  }
0x8f: {  	_ = 	snop  }
0x90: {  	s2 =	sld [smem:$0x3FC8];
	(tm) =	ssettm $0x1  }
0x91: {  	s18 =	sld [smem:$0x3FFB];
	_ =	sdelay $0x3  }
0x92: {  	_ =	strace s18  }
0x93: {  	s3 =	sld [smem:$0x3FFC];
	_ =	sdelay $0x3  }
0x94: {  	_ =	strace s3  }
0x95: {  	s3 =	sld [smem:$0x3FFD];
	_ =	sdelay $0x3  }
0x96: {  	_ =	strace s3  }
0x97: {  	_ =	strace $0x8FFFFFFF  }
0x98: {  	s19 =	sld [smem:$0x3FDB];
	_ =	sdelay $0x1  }
0x99: {  	s4 =	simm.s32 $_scs_section_size  }
0x9a: {  	s5 =	simm.s32 $_size__tile_overlayer_lowered;
	s6 =	simm.s32 $_tile_overlayer_lowered  }
0x9b: {  	s22 =	simm.s32 $0x1BFF;
	s21 =	sshll.u32 s6, $0x1;
	s3 =	sadd.s32 s4, s19  }
0x9c: {  	s7 =	simm.s32 $0x0;
	s20 =	sshll.u32 s5, $0x1;
	s5 =	sadd.s32 s21, s3  }
0x9d: {  	[timem:s7], [sflag:s22] =	dma.local [hbm:s5], s20  }
0x9e: {  	_ =	swait.ge [sflag:s22], s20  }
0x9f: {  	s4 =	ssub.s32 $0x0, s20;
	[sflag:s22] =	ssyncset.done $0x0  }
0xa0: {  	[sflag:s22] =	ssyncadd.s32 s4;
	_ =	sdelay $0x1  }
0xa1: {  	s23 =	simm.s32 $0x1B8B  }
0xa2: {  	_ =	swait.ge [sflag:s23], $0x1  }
0xa3: {  	[sflag:s23] =	ssyncset.done $0x0  }
0xa4: {  	s25 =	simm.s32 $0x1B8E;
	s24 =	sld [smem:$0x3FFE];
	[sflag:s23] =	ssyncadd.s32 $0xFFFFFFFF  }
0xa5: {  	s26 =	simm.s32 $execute0_lowered;
	[smem:$0x3FD2] =	sst s25  }
0xa6: {  	s5 =	sshll.u32 s26, $0x1;
	_ =	strace $0x80000046;
	[dreg:$0x1] =	wrdreg $0xFFFFFFFF  }
0xa7: {  	s28 =	simm.s32 $_size_execute0_lowered;
	s3 =	sadd.s32 s3, s5;
	[dreg:$0x0] =	wrdreg $0x0  }
0xa8: {  	s5 =	sshll.u32 s28, $0x1;
	[dreg:$0x2] =	wrdreg s3  }
0xa9: {  	[dreg:$0x3] =	wrdreg s5  }
0xaa: {  	[dreg:$0x4] =	wrdreg $0xC0  }
0xab: {  	_ =	task [dreg:s7], $0x5FFFF  }
0xac: {  	[dreg:$0x1] =	wrdreg $0xFFFFFFFF  }
0xad: {  	[dreg:$0x0] =	wrdreg $0x60  }
0xae: {  	[dreg:$0x2] =	wrdreg s2  }
0xaf: {  	[dreg:$0x3] =	wrdreg s24  }
0xb0: {  	[dreg:$0x4] =	wrdreg $0x9  }
0xb1: {  	_ =	task.clear_ibuf [dreg:s7], $0x5FFFF;
	_ =	strace $0x90000046  }
0xb2: {  	s29 =	simm.s32 $0x9;
	_ =	strace $0x80000048  }
0xb3: {  	_ =	swait.ge [sflag:s29], $0x1  }
0xb4: {  	[sflag:s29] =	ssyncadd.s32 $0xFFFFFFFF  }
0xb5: {  	_ =	strace $0x90000048  }
0xb6: {  	_ =	sfence  }
0xb7: {  	s30 =	sld [smem:$0x0];
	_ =	sdelay $0x2  }
0xb8: {  	s31 =	sshll.u32 s1, $0xD;
	s1 =	sshrl.u32 s1, $0x2  }
0xb9: {  	s3 =	sand.u32 $0x4000, s31;
	s1 =	sadd.s32 s1, s30  }
0xba: {  	s0 =	sor.u32 s3, s0;
	s1 =	sshll.u32 s1, $0x11  }
0xbb: {  	s0 =	sor.u32 s1, s0  }
0xbc: {  	s0 =	sadd.s32 $0x8F2B, s0  }
0xbd: {  	[sflag:s0] =	ssyncadd.remote.s32 $0x1  }
0xbe: {  	_ =	sfence.sel $0xFFFF  }
0xbf: {  	[dreg:$0x0] =	wrdreg $0xFFFFFFFF;
	(pc) =	sbr.abs _section_cstart, $3  }
0xc0: {  	[dreg:$0x1] =	wrdreg $0xFFFFFFFF  }
0xc1: {  	_ =	task.clear_ibuf [dreg:s7], $0x2FFFF;
	_ =	strace $0x9FFFFFFF  }
0xc2: {  	(tm) =	ssettm $0x7FFFFFFF  }
0xc3: {  	_ =	shalt  }
tec
execute0_lowered:
.L_overlay_start_1:
0x0: {  	(tag) =	ssettag $0x1  }
0x1: {  	v0 =	vimm.s32 $0xEFCDAB89;
	v1 =	vimm.s32 $0x67452301  }
0x2: {  	v2 =	vimm.s32 $0xDCFE98BA;
	v3 =	vimm.s32 $0x54761032;
	v4 =	vimm.s32 $0xBA98FEDC  }
0x3: {  	v5 =	vimm.s32 $0x32107654;
	v6 =	vimm.s32 $0xFEDCBA98;
	v7 =	vimm.s32 $0x76543210  }
0x4: {  	s3 =	rddreg [dreg:$0x0];
	v0 =	vunpack.c.l.s4.s8 v0;
	v1 =	vunpack.c.l.s4.s8 v1;
	v2 =	vunpack.c.l.s4.s8 v2  }
0x5: {  	s4 =	rddreg [dreg:$0x1];
	v3 =	vunpack.c.l.s4.s8 v3;
	v4 =	vunpack.c.l.s4.s8 v4;
	v5 =	vunpack.c.l.s4.s8 v5  }
0x6: {  	s0 =	rddreg [dreg:$0x2];
	s5 =	srdreg.scid;
	v6 =	vunpack.c.l.s4.s8 v6;
	v0 =	vunpack.c.0.s8.s32 v0;
	v1 =	vunpack.c.0.s8.s32 v1  }
0x7: {  	s2 =	simm.s32 $0x0;
	s1 =	stileid.u32;
	s10 =	simm.s32 $0x1F400;
	v7 =	vunpack.c.l.s4.s8 v7;
	v2 =	vunpack.c.0.s8.s32 v2;
	v3 =	vunpack.c.0.s8.s32 v3  }
0x8: {  	s11 =	simm.s32 $0x0;
	s5 =	sand.u32 $0x1, s5;
	s7 =	sshll.u32 s1, $0x1;
	v4 =	vunpack.c.0.s8.s32 v4;
	v5 =	vunpack.c.0.s8.s32 v5;
	v0 =	vcombine.low v1, v0  }
0x9: {  	s6 =	sshll.u32 s5, $0x6;
	s9 =	ssub.s32 $0x2, s5;
	s5 =	sor.u32 s5, s7;
	v60 =	vunpack.c.0.s8.s32 v6;
	v2 =	vcombine.low v3, v2  }
0xa: {  	[smem:$0x7FF] =	sst s2;
	s8 =	sshll.u32 s1, $0x7;
	s5 =	smul.u32 $0x3E80, s5;
	v62 =	vunpack.c.0.s8.s32 v7;
	v61 =	vcombine.low v5, v4;
	v27 =	vand.u32 $0xF, v0  }
0xb: {  	_ =	strace $0x80000047;
	s6 =	sor.u32 s6, s8;
	s31 =	sshrl.u32 s9, $0x1;
	v63 =	vand.u32 $0xF, v60;
	v29 =	vand.u32 $0xF, v2;
	[tilespmem:$0x1FFC0] =	vst v27  }
0xc: {  	s8 =	sadd.s32 s6, s4;
	s9 =	ssub.s32 s9, s31;
	s3 =	sadd.s32 s3, s5;
	v28 =	vcombine.low v63, v62;
	v31 =	vand.u32 $0xF, v61;
	[tilespmem:$0x1FFD0] =	vst v29  }
0xd: {  	s4 =	sadd.s32 $0x400, s8;
	s5 =	sadd.s32 $0x410, s8;
	s6 =	sadd.s32 $0x420, s8;
	[tilespmem:$0x1FFE0] =	vst v31  }
0xe: {  	s7 =	sadd.s32 $0x430, s8;
	s8 =	smax.u32 s9, $0x1;
	s9 =	simm.s32 $0x1;
	[tilespmem:$0x1FFF0] =	vst v28  }
.LBB2_1:
0xf: {  	[tilespmem:s2], [sflag:$0x1] =	stream.linear.gather [hbm4b:s3+s2], $0x1F400, $0x38;
	[tilespmem:$0x1F480] =	vst v63  }
0x10: {  	_ =	swait.ge [sflag:s9], $0x1F400  }
0x11: {  	[sflag:s9] =	ssyncset.done $0x0  }
0x12: {  	s12 =	simm.s32 $0x0;
	[sflag:s9] =	ssyncadd.s32 $0xFFFE0C00  }
0x13: {  	v9 =	vld [tilespmem:s12+$0x70]  }
0x14: {  	v4 =	vld [tilespmem:s12+$0x7D70]  }
0x15: {  	v5 =	vld [tilespmem:s12+$0xFA70]  }
0x16: {  	v2 =	vld [tilespmem:s12+$0x60]  }
0x17: {  	v6 =	vld [tilespmem:s12+$0x7D60]  }
0x18: {  	v7 =	vld [tilespmem:s12+$0xFA60]  }
0x19: {  	v14 =	vld [tilespmem:s12+$0x50]  }
0x1a: {  	v0 =	vld [tilespmem:s12+$0x7D50]  }
0x1b: {  	v8 =	vld [tilespmem:s12+$0xFA50]  }
0x1c: {  	v19 =	vld [tilespmem:s12+$0x40]  }
0x1d: {  	v10 =	vld [tilespmem:s12+$0x7D40]  }
0x1e: {  	v11 =	vld [tilespmem:s12+$0xFA40]  }
0x1f: {  	v22 =	vld [tilespmem:s12+$0x30]  }
0x20: {  	v1 =	vld [tilespmem:s12+$0x7D30]  }
0x21: {  	v12 =	vld [tilespmem:s12+$0xFA30]  }
0x22: {  	v3 =	vld [tilespmem:s12+$0x20]  }
0x23: {  	v15 =	vld [tilespmem:s12+$0x0]  }
0x24: {  	v16 =	vld [tilespmem:s12+$0x10]  }
0x25: {  	v17 =	vld [tilespmem:s12+$0x7D20]  }
0x26: {  	v18 =	vld [tilespmem:s12+$0xFA20]  }
0x27: {  	v13 =	vimm.f32 $-Inf;
	v20 =	vld [tilespmem:s12+$0x7D10]  }
0x28: {  	v21 =	vld [tilespmem:s12+$0xFA10];
	v15 =	vmax.f32 v13, v15  }
0x29: {  	v23 =	vld [tilespmem:s12+$0x7D00];
	v15 =	vmax.f32 v15, v16  }
0x2a: {  	s13 =	simm.s32 $0x200;
	v24 =	vld [tilespmem:s12+$0xFA00];
	v16 =	vimm.f32 $-Inf;
	v3 =	vmax.f32 v15, v3;
	v15 =	vimm.f32 $-Inf  }
.LBB2_2:
0x2b: {  	p0 =	sne.s32 s13, $0x1F200;
	v3 =	vmax.f32 v3, v22;
	v22 =	vld [tilespmem:s12+$0x17700]  }
0x2c: {  	v3 =	vmax.f32 v3, v19;
	v19 =	vld [tilespmem:s12+$0x17710]  }
0x2d: {  	v3 =	vmax.f32 v3, v14;
	v14 =	vld [tilespmem:s12+$0x17720]  }
0x2e: {  	v2 =	vmax.f32 v3, v2;
	v3 =	vld [tilespmem:s12+$0x17730]  }
0x2f: {  	v25 =	vmax.f32 v2, v9;
	v2 =	vld [tilespmem:s12+$0x17740]  }
0x30: {  	v9 =	vmax.f32 v13, v23;
	v13 =	vmax.f32 v15, v24;
	v15 =	vmax.f32 v16, v22;
	v16 =	vld [tilespmem:s12+$0x17750]  }
0x31: {  	v9 =	vmax.f32 v9, v20;
	v13 =	vmax.f32 v13, v21;
	v15 =	vmax.f32 v15, v19;
	v19 =	vld [tilespmem:s12+$0x17760]  }
0x32: {  	v17 =	vmax.f32 v9, v17;
	v13 =	vmax.f32 v13, v18;
	v14 =	vmax.f32 v15, v14;
	v18 =	vld [tilespmem:s12+$0x17770];
	s12 =	sshra.s32 s13, $0x2  }
0x33: {  	v1 =	vmax.f32 v17, v1;
	v12 =	vmax.f32 v13, v12;
	v9 =	vld [tilespmem:s12+$0x70];
	v3 =	vmax.f32 v14, v3  }
0x34: {  	v1 =	vmax.f32 v1, v10;
	v10 =	vmax.f32 v12, v11;
	v17 =	vld [tilespmem:s12+$0x7D70];
	v2 =	vmax.f32 v3, v2  }
0x35: {  	v0 =	vmax.f32 v1, v0;
	v1 =	vmax.f32 v10, v8;
	v3 =	vld [tilespmem:s12+$0xFA70];
	v8 =	vmax.f32 v2, v16  }
0x36: {  	v0 =	vmax.f32 v0, v6;
	v1 =	vmax.f32 v1, v7;
	v2 =	vld [tilespmem:s12+$0x60];
	v7 =	vmax.f32 v8, v19  }
0x37: {  	v13 =	vmax.f32 v0, v4;
	v15 =	vmax.f32 v1, v5;
	v6 =	vld [tilespmem:s12+$0x7D60];
	v16 =	vmax.f32 v7, v18  }
0x38: {  	v7 =	vld [tilespmem:s12+$0xFA60]  }
0x39: {  	v14 =	vld [tilespmem:s12+$0x50];
	v4 =	vmov v17  }
0x3a: {  	v0 =	vld [tilespmem:s12+$0x7D50];
	v5 =	vmov v3  }
0x3b: {  	v8 =	vld [tilespmem:s12+$0xFA50]  }
0x3c: {  	v19 =	vld [tilespmem:s12+$0x40]  }
0x3d: {  	v10 =	vld [tilespmem:s12+$0x7D40]  }
0x3e: {  	v11 =	vld [tilespmem:s12+$0xFA40]  }
0x3f: {  	v22 =	vld [tilespmem:s12+$0x30]  }
0x40: {  	v1 =	vld [tilespmem:s12+$0x7D30]  }
0x41: {  	v12 =	vld [tilespmem:s12+$0xFA30]  }
0x42: {  	v3 =	vld [tilespmem:s12+$0x20]  }
0x43: {  	v21 =	vld [tilespmem:s12+$0x0]  }
0x44: {  	v23 =	vld [tilespmem:s12+$0x10]  }
0x45: {  	v17 =	vld [tilespmem:s12+$0x7D20]  }
.Ltmp0:
0x46: {  	v18 =	vld [tilespmem:s12+$0xFA20];
	(pc) =	sbr.rel @p0 .LBB2_2-.Ltmp0, $4  }
0x47: {  	v20 =	vld [tilespmem:s12+$0x7D10]  }
0x48: {  	v24 =	vmax.f32 v25, v21;
	v21 =	vld [tilespmem:s12+$0xFA10]  }
0x49: {  	v24 =	vmax.f32 v24, v23;
	v23 =	vld [tilespmem:s12+$0x7D00]  }
0x4a: {  	s13 =	sadd.s32 $0x200, s13;
	v3 =	vmax.f32 v24, v3;
	v24 =	vld [tilespmem:s12+$0xFA00]  }
0x4b: {  	v3 =	vmax.f32 v3, v22;
	v22 =	vld [tilespmem:s12+$0x17700]  }
0x4c: {  	v3 =	vmax.f32 v3, v19;
	v19 =	vld [tilespmem:s12+$0x17710]  }
0x4d: {  	v3 =	vmax.f32 v3, v14;
	v14 =	vld [tilespmem:s12+$0x17720]  }
0x4e: {  	v2 =	vmax.f32 v3, v2;
	v3 =	vld [tilespmem:s12+$0x17730]  }
0x4f: {  	v13 =	vmax.f32 v13, v23;
	v2 =	vmax.f32 v2, v9;
	v9 =	vld [tilespmem:s12+$0x17740]  }
0x50: {  	v15 =	vmax.f32 v15, v24;
	v13 =	vmax.f32 v13, v20;
	v16 =	vmax.f32 v16, v22;
	v22 =	vld [tilespmem:s12+$0x17750]  }
0x51: {  	v15 =	vmax.f32 v15, v21;
	v13 =	vmax.f32 v13, v17;
	v16 =	vmax.f32 v16, v19  }
0x52: {  	v19 =	vld [tilespmem:s12+$0x17760];
	v15 =	vmax.f32 v15, v18;
	v1 =	vmax.f32 v13, v1;
	v14 =	vmax.f32 v16, v14  }
0x53: {  	v16 =	vld [tilespmem:s12+$0x17770];
	v12 =	vmax.f32 v15, v12;
	v1 =	vmax.f32 v1, v10;
	v3 =	vmax.f32 v14, v3  }
0x54: {  	v10 =	vmax.f32 v12, v11;
	v0 =	vmax.f32 v1, v0;
	v3 =	vmax.f32 v3, v9  }
0x55: {  	v1 =	vmax.f32 v10, v8;
	v0 =	vmax.f32 v0, v6;
	v3 =	vmax.f32 v3, v22  }
0x56: {  	v1 =	vmax.f32 v1, v7;
	v0 =	vmax.f32 v0, v4;
	v4 =	vperm.xlane v2, v27  }
0x57: {  	v3 =	vmax.f32 v3, v19;
	v1 =	vmax.f32 v1, v5;
	v5 =	vperm.xlane v0, v27  }
0x58: {  	v3 =	vmax.f32 v3, v16;
	v6 =	vperm.xlane v1, v27;
	v2 =	vmax.f32 v2, v4  }
0x59: {  	v4 =	vperm.xlane v3, v27;
	v7 =	vperm.xlane v2, v29;
	v0 =	vmax.f32 v0, v5  }
0x5a: {  	v1 =	vmax.f32 v1, v6;
	v5 =	vperm.xlane v0, v29  }
0x5b: {  	s31 =	simm.s32 $0x0;
	v6 =	vperm.xlane v1, v29;
	v3 =	vmax.f32 v3, v4;
	v2 =	vmax.f32 v2, v7  }
0x5c: {  	v24 =	vld [tilespmem:s31+$0x0];
	v4 =	vperm.xlane v3, v29;
	v7 =	vperm.xlane v2, v31;
	v0 =	vmax.f32 v0, v5  }
0x5d: {  	v5 =	vld [tilespmem:s31+$0x70];
	v1 =	vmax.f32 v1, v6;
	v6 =	vperm.xlane v0, v31  }
0x5e: {  	v8 =	vperm.xlane v1, v31;
	v3 =	vmax.f32 v3, v4;
	v4 =	vld [tilespmem:s31+$0x7D70];
	v2 =	vmax.f32 v2, v7  }
0x5f: {  	v9 =	vld [tilespmem:s31+$0xFA70];
	v7 =	vperm.xlane v3, v31;
	v10 =	vperm.xlane v2, v28;
	v0 =	vmax.f32 v0, v6  }
0x60: {  	v6 =	vld [tilespmem:s31+$0x17770];
	v1 =	vmax.f32 v1, v8;
	v8 =	vperm.xlane v0, v28  }
0x61: {  	v12 =	vperm.xlane v1, v28;
	v3 =	vmax.f32 v3, v7;
	v7 =	vld [tilespmem:s31+$0x60];
	v10 =	vmax.f32 v2, v10  }
0x62: {  	v14 =	vld [tilespmem:s31+$0x7D60];
	v2 =	vperm.xlane v3, v28;
	v11 =	vmax.f32 v0, v8;
	v18 =	vsub.f32 v5, v10  }
0x63: {  	v37 =	vimm.f32 $0.0e+00;
	v0 =	vld [tilespmem:s31+$0xFA60];
	v12 =	vmax.f32 v1, v12;
	v15 =	vsub.f32 v4, v11  }
0x64: {  	v1 =	vld [tilespmem:s31+$0x17760];
	v13 =	vmax.f32 v3, v2;
	v9 =	vsub.f32 v9, v12;
	v2 =	vmul.f32 $1.442695020e+00, v18  }
0x65: {  	v42 =	vimm.f32 $0.0e+00;
	v3 =	vld [tilespmem:s31+$0x50];
	v5 =	vsub.f32 v6, v13;
	v4 =	vmul.f32 $1.442695020e+00, v15  }
0x66: {  	v8 =	vld [tilespmem:s31+$0x7D50];
	v22 =	vsub.f32 v7, v10;
	v6 =	vmul.f32 $1.442695020e+00, v9;
	(erf) = vpow2.f32 v2  }
0x67: {  	v20 =	vsub.f32 v14, v11;
	[tilespmem:$0x1FF80] =	vst v9;
	v2 =	vld [tilespmem:s31+$0xFA50];
	v9 =	vmul.f32 $1.442695020e+00, v5;
	(erf) = vpow2.f32 v4  }
0x68: {  	v7 =	vsub.f32 v0, v12;
	v0 =	vld [tilespmem:s31+$0x17750];
	v4 =	vmul.f32 $1.442695020e+00, v22;
	(erf) = vpow2.f32 v6  }
0x69: {  	v14 =	vmul.f32 $1.442695020e+00, v20;
	[tilespmem:$0x1FF90] =	vst v5;
	v5 =	vsub.f32 v1, v13;
	v1 =	vld [tilespmem:s31+$0x7D40];
	(erf) = vpow2.f32 v9  }
0x6a: {  	v16 =	vld [tilespmem:s31+$0x40];
	v29 =	vsub.f32 v3, v10;
	v3 =	vmul.f32 $1.442695020e+00, v7;
	(erf) = vpow2.f32 v4  }
0x6b: {  	v27 =	vsub.f32 v8, v11;
	v4 =	vld [tilespmem:s31+$0xFA40];
	v9 =	vmul.f32 $1.442695020e+00, v5;
	(erf) = vpow2.f32 v14  }
0x6c: {  	v17 =	vmul.f32 $1.442695020e+00, v29;
	v14 =	vsub.f32 v2, v12;
	v2 =	vld [tilespmem:s31+$0x17740];
	(erf) = vpow2.f32 v3  }
0x6d: {  	v19 =	vmul.f32 $1.442695020e+00, v27;
	v3 =	vld [tilespmem:s31+$0x30];
	v8 =	vsub.f32 v0, v13;
	(erf) = vpow2.f32 v9  }
0x6e: {  	v0 =	vld [tilespmem:s31+$0x7D30];
	v9 =	vmul.f32 $1.442695020e+00, v14;
	v38 =	vsub.f32 v1, v11;
	(erf) = vpow2.f32 v17  }
0x6f: {  	v39 =	vsub.f32 v16, v10;
	v1 =	vld [tilespmem:s31+$0xFA30];
	v17 =	vmul.f32 $1.442695020e+00, v8;
	(erf) = vpow2.f32 v19  }
0x70: {  	v21 =	vsub.f32 v4, v12;
	v4 =	vld [tilespmem:s31+$0x17730];
	(erf) = vpow2.f32 v9;
	v9 =	vmul.f32 $1.442695020e+00, v38  }
0x71: {  	v26 =	vld [tilespmem:s31+$0x7D10];
	v60 =	vsub.f32 v24, v10;
	v19 =	vmul.f32 $1.442695020e+00, v39;
	v34 =	vpop (erf);
	v16 =	vsub.f32 v2, v13  }
0x72: {  	v2 =	vld [tilespmem:s31+$0x7D00];
	v31 =	vpop (erf);
	(erf) = vpow2.f32 v17;
	v49 =	vsub.f32 v3, v10;
	v3 =	vmul.f32 $1.442695020e+00, v21  }
0x73: {  	v48 =	vsub.f32 v0, v11;
	(erf) = vpow2.f32 v19;
	v19 =	vld [tilespmem:s31+$0x10];
	v0 =	vmul.f32 $1.442695020e+00, v16;
	v17 =	vpop (erf)  }
0x74: {  	v30 =	vsub.f32 v1, v12;
	v1 =	vld [tilespmem:s31+$0x20];
	(erf) = vpow2.f32 v9;
	v25 =	vmul.f32 $1.442695020e+00, v49;
	v9 =	vpop (erf)  }
0x75: {  	(erf) = vpow2.f32 v3;
	v3 =	vmul.f32 $1.442695020e+00, v48;
	v23 =	vsub.f32 v4, v13;
	v45 =	vpop (erf)  }
0x76: {  	v61 =	vsub.f32 v26, v11;
	v4 =	vld [tilespmem:s31+$0x7D20];
	(erf) = vpow2.f32 v0;
	v0 =	vmul.f32 $1.442695020e+00, v30;
	v43 =	vpop (erf)  }
0x77: {  	v28 =	vld [tilespmem:s31+$0x17720];
	v59 =	vsub.f32 v2, v11;
	(erf) = vpow2.f32 v25;
	v25 =	vmul.f32 $1.442695020e+00, v23;
	v24 =	vpop (erf)  }
0x78: {  	v2 =	vld [tilespmem:s31+$0xFA20];
	(erf) = vpow2.f32 v3;
	v3 =	vmul.f32 $1.442695020e+00, v60;
	v62 =	vsub.f32 v19, v10;
	v19 =	vpop (erf)  }
0x79: {  	v32 =	vmul.f32 $1.442695020e+00, v59;
	(erf) = vpow2.f32 v0;
	v0 =	vsub.f32 v1, v10;
	v1 =	vld [tilespmem:s31+$0x17710];
	v52 =	vpop (erf)  }
0x7a: {  	v41 =	vimm.f32 $0.0e+00;
	v26 =	vld [tilespmem:s31+$0xFA10];
	(erf) = vpow2.f32 v25;
	v33 =	vmul.f32 $1.442695020e+00, v62;
	v51 =	vpop (erf)  }
0x7b: {  	v40 =	vld [tilespmem:s31+$0x17700];
	v63 =	vsub.f32 v4, v11;
	(erf) = vpow2.f32 v3;
	v3 =	vmul.f32 $1.442695020e+00, v61;
	v35 =	vpop (erf)  }
0x7c: {  	v44 =	vsub.f32 v28, v13;
	v36 =	vmul.f32 $1.442695020e+00, v0;
	(erf) = vpow2.f32 v32;
	v25 =	vpop (erf)  }
0x7d: {  	v4 =	vld [tilespmem:s31+$0xFA00];
	v50 =	vsub.f32 v2, v12;
	v2 =	vmul.f32 $1.442695020e+00, v63;
	(erf) = vpow2.f32 v33;
	v58 =	vpop (erf)  }
0x7e: {  	(erf) = vpow2.f32 v3;
	v47 =	vsub.f32 v1, v13;
	v1 =	vmul.f32 $1.442695020e+00, v44;
	v57 =	vpop (erf)  }
0x7f: {  	v53 =	vsub.f32 v26, v12;
	v26 =	vmul.f32 $1.442695020e+00, v50;
	(erf) = vpow2.f32 v36;
	v46 =	vpop (erf)  }
0x80: {  	v55 =	vsub.f32 v40, v13;
	v40 =	vimm.f32 $0.0e+00;
	(erf) = vpow2.f32 v2;
	v36 =	vpop (erf)  }
0x81: {  	v28 =	vimm.f32 $0.0e+00;
	v32 =	vimm.f32 $0.0e+00;
	(erf) = vpow2.f32 v26;
	v2 =	vpop (erf)  }
0x82: {  	[tilespmem:$0x1FFA0] =	vst v7;
	v3 =	vmul.f32 $1.442695020e+00, v53;
	v56 =	vsub.f32 v4, v12;
	(erf) = vpow2.f32 v1;
	v1 =	vpop (erf)  }
0x83: {  	s12 =	simm.s32 $0x200;
	[tilespmem:$0x1FFB0] =	vst v5;
	v33 =	vimm.f32 $0.0e+00;
	v4 =	vmul.f32 $1.442695020e+00, v47;
	v26 =	vimm.f32 $0.0e+00;
	v54 =	vpop (erf)  }
.LBB2_4:
0x84: {  	v5 =	vmul.f32 $1.442695020e+00, v56;
	(erf) = vpow2.f32 v3;
	v3 =	vpop (erf)  }
0x85: {  	v6 =	vmul.f32 $1.442695020e+00, v55;
	v7 =	vpop (erf);
	(erf) = vpow2.f32 v4  }
0x86: {  	v4 =	vmul.f32 v7, v60;
	v60 =	vpop (erf);
	(erf) = vpow2.f32 v5  }
0x87: {  	v5 =	vmul.f32 v60, v59;
	v59 =	vpop (erf);
	(erf) = vpow2.f32 v6;
	v6 =	vadd.f32 v7, v37  }
0x88: {  	v41 =	vadd.f32 v60, v41;
	v4 =	vadd.f32 v4, v42;
	v62 =	vmul.f32 v59, v62;
	v37 =	vpop (erf)  }
0x89: {  	v5 =	vadd.f32 v5, v40;
	v60 =	vmul.f32 v37, v61;
	v61 =	vpop (erf)  }
0x8a: {  	v37 =	vadd.f32 v37, v41;
	v4 =	vadd.f32 v62, v4;
	v0 =	vmul.f32 v61, v0;
	v7 =	vpop (erf)  }
0x8b: {  	v6 =	vadd.f32 v59, v6;
	v5 =	vadd.f32 v60, v5;
	v62 =	vmul.f32 v7, v63  }
0x8c: {  	v7 =	vadd.f32 v7, v37;
	v0 =	vadd.f32 v0, v4;
	v4 =	vmul.f32 v2, v49  }
0x8d: {  	v63 =	vadd.f32 v61, v6;
	v61 =	vmul.f32 v1, v48;
	v5 =	vadd.f32 v62, v5  }
0x8e: {  	v1 =	vadd.f32 v1, v7;
	v0 =	vadd.f32 v4, v0;
	v4 =	vmul.f32 v58, v39  }
0x8f: {  	v7 =	vmul.f32 v57, v38;
	v5 =	vadd.f32 v61, v5  }
0x90: {  	v59 =	vpop (erf);
	v1 =	vadd.f32 v57, v1;
	v0 =	vadd.f32 v4, v0;
	v4 =	vmul.f32 v52, v29  }
0x91: {  	v60 =	vpop (erf);
	v2 =	vadd.f32 v2, v63;
	v5 =	vadd.f32 v7, v5;
	v7 =	vmul.f32 v51, v27  }
0x92: {  	v62 =	vpop (erf);
	v1 =	vadd.f32 v51, v1;
	v0 =	vadd.f32 v4, v0;
	v4 =	vmul.f32 v45, v22  }
0x93: {  	v2 =	vadd.f32 v58, v2;
	v6 =	vpop (erf);
	v5 =	vadd.f32 v7, v5;
	v7 =	vmul.f32 v43, v20  }
0x94: {  	v63 =	vpop (erf);
	v1 =	vadd.f32 v43, v1;
	v0 =	vadd.f32 v4, v0  }
0x95: {  	v29 =	vpop (erf);
	v4 =	vmul.f32 v34, v18;
	v5 =	vadd.f32 v7, v5;
	v7 =	vmul.f32 v31, v15  }
0x96: {  	v2 =	vadd.f32 v52, v2;
	v41 =	vadd.f32 v31, v1;
	v1 =	vmul.f32 v29, v55  }
0x97: {  	v42 =	vadd.f32 v4, v0;
	v0 =	vmul.f32 v63, v56;
	v40 =	vadd.f32 v7, v5  }
0x98: {  	v5 =	vadd.f32 v29, v28;
	v1 =	vadd.f32 v1, v26;
	v7 =	vmul.f32 v6, v47  }
0x99: {  	v2 =	vadd.f32 v45, v2;
	v4 =	vmul.f32 v62, v53;
	v0 =	vadd.f32 v0, v33  }
0x9a: {  	v5 =	vadd.f32 v6, v5;
	v1 =	vadd.f32 v7, v1;
	v6 =	vmul.f32 v60, v44  }
0x9b: {  	v37 =	vadd.f32 v34, v2;
	v0 =	vadd.f32 v4, v0;
	v4 =	vmul.f32 v59, v50  }
0x9c: {  	v5 =	vadd.f32 v60, v5;
	v1 =	vadd.f32 v6, v1;
	v6 =	vmul.f32 v3, v23  }
0x9d: {  	v2 =	vadd.f32 v63, v32;
	v0 =	vadd.f32 v4, v0;
	v4 =	vmul.f32 v54, v30  }
0x9e: {  	v3 =	vadd.f32 v3, v5;
	v1 =	vadd.f32 v6, v1;
	v5 =	vmul.f32 v36, v16  }
0x9f: {  	s13 =	sshra.s32 s12, $0x2;
	v0 =	vadd.f32 v4, v0;
	v4 =	vmul.f32 v46, v21  }
0xa0: {  	v2 =	vadd.f32 v62, v2;
	v7 =	vld [tilespmem:s13+$0x7D70];
	v1 =	vadd.f32 v5, v1;
	v5 =	vmul.f32 v25, v8  }
0xa1: {  	v6 =	vld [tilespmem:s13+$0x70];
	v0 =	vadd.f32 v4, v0;
	v4 =	vmul.f32 v35, v14  }
0xa2: {  	v2 =	vadd.f32 v59, v2;
	v1 =	vadd.f32 v5, v1;
	v5 =	vld [tilespmem:$0x1FFB0]  }
0xa3: {  	v0 =	vadd.f32 v4, v0;
	v4 =	vld [tilespmem:$0x1FFA0]  }
0xa4: {  	v2 =	vadd.f32 v54, v2  }
0xa5: {  	v3 =	vadd.f32 v36, v3  }
0xa6: {  	v2 =	vadd.f32 v46, v2;
	v8 =	vld [tilespmem:s13+$0xFA70]  }
0xa7: {  	v15 =	vsub.f32 v7, v11;
	v3 =	vadd.f32 v25, v3;
	v5 =	vmul.f32 v19, v5  }
0xa8: {  	v2 =	vadd.f32 v35, v2;
	v14 =	vld [tilespmem:s13+$0x17770];
	v18 =	vsub.f32 v6, v10;
	v4 =	vmul.f32 v24, v4  }
0xa9: {  	v3 =	vadd.f32 v19, v3;
	v1 =	vadd.f32 v5, v1;
	v5 =	vld [tilespmem:$0x1FF90]  }
0xaa: {  	v2 =	vadd.f32 v24, v2;
	v0 =	vadd.f32 v4, v0;
	v4 =	vld [tilespmem:$0x1FF80]  }
0xab: {  	v7 =	vsub.f32 v8, v12;
	v28 =	vadd.f32 v9, v3;
	v3 =	vmul.f32 $1.442695020e+00, v18  }
0xac: {  	v6 =	vmul.f32 $1.442695020e+00, v15  }
0xad: {  	v32 =	vadd.f32 v17, v2;
	(erf) = vpow2.f32 v3;
	[tilespmem:$0x1FF80] =	vst v7;
	v7 =	vmul.f32 $1.442695020e+00, v7  }
0xae: {  	v2 =	vld [tilespmem:s13+$0xFA60];
	v8 =	vsub.f32 v14, v13;
	(erf) = vpow2.f32 v6;
	v5 =	vmul.f32 v9, v5  }
0xaf: {  	(erf) = vpow2.f32 v7;
	v7 =	vld [tilespmem:s13+$0x40];
	v4 =	vmul.f32 v17, v4  }
0xb0: {  	v3 =	vmul.f32 $1.442695020e+00, v8;
	v26 =	vadd.f32 v5, v1;
	v1 =	vld [tilespmem:s13+$0x7D60]  }
0xb1: {  	v33 =	vadd.f32 v4, v0;
	v0 =	vld [tilespmem:s13+$0x60]  }
0xb2: {  	(erf) = vpow2.f32 v3;
	v3 =	vld [tilespmem:s13+$0x7D40]  }
0xb3: {  	v5 =	vld [tilespmem:s13+$0x50]  }
0xb4: {  	v4 =	vld [tilespmem:s13+$0x17760]  }
0xb5: {  	v20 =	vsub.f32 v1, v11;
	v1 =	vld [tilespmem:s13+$0xFA50]  }
0xb6: {  	v39 =	vsub.f32 v7, v10;
	v22 =	vsub.f32 v0, v10;
	v0 =	vld [tilespmem:s13+$0x7D50]  }
0xb7: {  	v14 =	vsub.f32 v2, v12;
	v2 =	vld [tilespmem:s13+$0x17750];
	v38 =	vsub.f32 v3, v11  }
0xb8: {  	v7 =	vmul.f32 $1.442695020e+00, v39  }
0xb9: {  	[tilespmem:$0x1FF90] =	vst v8;
	v19 =	vmul.f32 $1.442695020e+00, v38;
	v9 =	vsub.f32 v4, v13;
	v6 =	vmul.f32 $1.442695020e+00, v22  }
0xba: {  	[tilespmem:$0x1FFA0] =	vst v14;
	v4 =	vmul.f32 $1.442695020e+00, v14;
	v8 =	vmul.f32 $1.442695020e+00, v20;
	v14 =	vsub.f32 v1, v12;
	v1 =	vld [tilespmem:s13+$0x17740]  }
0xbb: {  	v29 =	vsub.f32 v5, v10;
	(erf) = vpow2.f32 v6;
	v27 =	vsub.f32 v0, v11;
	v0 =	vld [tilespmem:s13+$0xFA40]  }
0xbc: {  	v5 =	vmul.f32 $1.442695020e+00, v9;
	(erf) = vpow2.f32 v8;
	v8 =	vsub.f32 v2, v13;
	v2 =	vld [tilespmem:s13+$0x7D30]  }
0xbd: {  	v6 =	vmul.f32 $1.442695020e+00, v29;
	(erf) = vpow2.f32 v4;
	v4 =	vld [tilespmem:s13+$0x30]  }
0xbe: {  	[tilespmem:$0x1FFB0] =	vst v9;
	v9 =	vmul.f32 $1.442695020e+00, v27;
	(erf) = vpow2.f32 v5  }
0xbf: {  	v3 =	vld [tilespmem:s13+$0xFA30];
	v5 =	vmul.f32 $1.442695020e+00, v14;
	(erf) = vpow2.f32 v6  }
0xc0: {  	v34 =	vpop (erf);
	v6 =	vmul.f32 $1.442695020e+00, v8;
	(erf) = vpow2.f32 v9;
	v16 =	vsub.f32 v1, v13;
	v1 =	vld [tilespmem:s13+$0x7D00]  }
0xc1: {  	v31 =	vpop (erf);
	v21 =	vsub.f32 v0, v12;
	v0 =	vld [tilespmem:s13+$0x17730];
	(erf) = vpow2.f32 v5;
	v48 =	vsub.f32 v2, v11  }
0xc2: {  	v17 =	vpop (erf);
	v5 =	vld [tilespmem:s13+$0x0];
	(erf) = vpow2.f32 v6;
	v49 =	vsub.f32 v4, v10;
	v2 =	vmul.f32 $1.442695020e+00, v16  }
0xc3: {  	v9 =	vpop (erf);
	v6 =	vld [tilespmem:s13+$0x10];
	v4 =	vmul.f32 $1.442695020e+00, v21;
	(erf) = vpow2.f32 v7  }
0xc4: {  	v25 =	vld [tilespmem:s13+$0x7D10];
	v30 =	vsub.f32 v3, v12;
	v45 =	vpop (erf);
	(erf) = vpow2.f32 v19;
	v7 =	vmul.f32 $1.442695020e+00, v49  }
0xc5: {  	v3 =	vld [tilespmem:s13+$0x20];
	v43 =	vpop (erf);
	(erf) = vpow2.f32 v4;
	v4 =	vmul.f32 $1.442695020e+00, v48;
	v59 =	vsub.f32 v1, v11  }
0xc6: {  	v23 =	vsub.f32 v0, v13;
	v24 =	vpop (erf);
	(erf) = vpow2.f32 v2;
	v2 =	vld [tilespmem:s13+$0x7D20];
	v0 =	vmul.f32 $1.442695020e+00, v30  }
0xc7: {  	v60 =	vsub.f32 v5, v10;
	(erf) = vpow2.f32 v7;
	v19 =	vpop (erf);
	v7 =	vmul.f32 $1.442695020e+00, v59  }
0xc8: {  	v1 =	vld [tilespmem:s13+$0xFA20];
	v62 =	vsub.f32 v6, v10;
	v5 =	vmul.f32 $1.442695020e+00, v23;
	v52 =	vpop (erf);
	(erf) = vpow2.f32 v4  }
0xc9: {  	v61 =	vsub.f32 v25, v11;
	v6 =	vld [tilespmem:s13+$0x17720];
	v4 =	vmul.f32 $1.442695020e+00, v60;
	v51 =	vpop (erf);
	(erf) = vpow2.f32 v0  }
0xca: {  	v36 =	vld [tilespmem:s13+$0xFA10];
	v0 =	vsub.f32 v3, v10;
	v35 =	vpop (erf);
	(erf) = vpow2.f32 v5;
	v5 =	vmul.f32 $1.442695020e+00, v62  }
0xcb: {  	v3 =	vld [tilespmem:s13+$0x17710];
	(erf) = vpow2.f32 v4;
	v25 =	vpop (erf);
	v4 =	vmul.f32 $1.442695020e+00, v61;
	v63 =	vsub.f32 v2, v11  }
0xcc: {  	v54 =	vld [tilespmem:s13+$0xFA00];
	v55 =	vmul.f32 $1.442695020e+00, v0;
	v58 =	vpop (erf);
	(erf) = vpow2.f32 v7  }
0xcd: {  	p0 =	sne.s32 s12, $0x1F200;
	v50 =	vsub.f32 v1, v12;
	v7 =	vld [tilespmem:s13+$0x17700];
	(erf) = vpow2.f32 v5;
	v57 =	vpop (erf);
	v1 =	vmul.f32 $1.442695020e+00, v63  }
.Ltmp1:
0xce: {  	v44 =	vsub.f32 v6, v13;
	(erf) = vpow2.f32 v4;
	v46 =	vpop (erf);
	(pc) =	sbr.rel @p0 .LBB2_4-.Ltmp1, $4  }
0xcf: {  	v53 =	vsub.f32 v36, v12;
	v4 =	vmul.f32 $1.442695020e+00, v50;
	(erf) = vpow2.f32 v55;
	v36 =	vpop (erf)  }
0xd0: {  	v47 =	vsub.f32 v3, v13;
	v5 =	vmul.f32 $1.442695020e+00, v44;
	v2 =	vpop (erf);
	(erf) = vpow2.f32 v1  }
0xd1: {  	v56 =	vsub.f32 v54, v12;
	v3 =	vmul.f32 $1.442695020e+00, v53;
	v1 =	vpop (erf);
	(erf) = vpow2.f32 v4  }
0xd2: {  	s12 =	sadd.s32 $0x200, s12;
	v55 =	vsub.f32 v7, v13;
	v4 =	vmul.f32 $1.442695020e+00, v47;
	v54 =	vpop (erf);
	(erf) = vpow2.f32 v5  }
0xd3: {  	v10 =	vpop (erf)  }
0xd4: {  	v5 =	vpop (erf)  }
0xd5: {  	(erf) = vpow2.f32 v3;
	v3 =	vmul.f32 $1.442695020e+00, v56;
	v6 =	vpop (erf);
	v7 =	vadd.f32 v5, v37  }
0xd6: {  	(erf) = vpow2.f32 v4;
	v5 =	vmul.f32 v5, v60;
	v11 =	vpop (erf)  }
0xd7: {  	(erf) = vpow2.f32 v3;
	v7 =	vadd.f32 v11, v7;
	v12 =	vpop (erf)  }
0xd8: {  	v37 =	vadd.f32 v5, v42;
	v42 =	vmul.f32 v11, v62;
	v62 =	vmul.f32 v6, v59;
	v60 =	vpop (erf)  }
0xd9: {  	v6 =	vadd.f32 v6, v41;
	v13 =	vmul.f32 v12, v61;
	v7 =	vadd.f32 v60, v7  }
0xda: {  	v61 =	vmul.f32 v57, v38;
	v38 =	vmul.f32 v51, v27;
	v4 =	vadd.f32 v42, v37  }
0xdb: {  	v0 =	vmul.f32 v60, v0;
	v3 =	vadd.f32 v62, v40;
	v7 =	vadd.f32 v2, v7  }
0xdc: {  	v6 =	vadd.f32 v12, v6;
	v37 =	vmul.f32 v2, v49;
	v42 =	vmul.f32 v58, v39  }
0xdd: {  	v40 =	vpop (erf);
	v49 =	vmul.f32 v1, v48;
	v0 =	vadd.f32 v0, v4;
	v7 =	vadd.f32 v58, v7  }
0xde: {  	v41 =	vmul.f32 v40, v63;
	v3 =	vadd.f32 v13, v3;
	v4 =	vadd.f32 v40, v6  }
0xdf: {  	v13 =	vmul.f32 v45, v22;
	v0 =	vadd.f32 v37, v0;
	v58 =	vadd.f32 v52, v7  }
0xe0: {  	v27 =	vld [tilespmem:$0x1FFC0];
	v22 =	vmul.f32 $1.442695020e+00, v55;
	v3 =	vadd.f32 v41, v3;
	v59 =	vadd.f32 v1, v4  }
0xe1: {  	v60 =	vmul.f32 v52, v29;
	v0 =	vadd.f32 v42, v0;
	v62 =	vadd.f32 v45, v58  }
0xe2: {  	v63 =	vpop (erf);
	(erf) = vpow2.f32 v22;
	v3 =	vadd.f32 v49, v3;
	v1 =	vadd.f32 v57, v59  }
0xe3: {  	v0 =	vadd.f32 v60, v0;
	v5 =	vadd.f32 v34, v62  }
0xe4: {  	v15 =	vmul.f32 v31, v15;
	v29 =	vld [tilespmem:$0x1FFD0];
	v4 =	vpop (erf);
	v3 =	vadd.f32 v61, v3;
	v1 =	vadd.f32 v51, v1  }
0xe5: {  	v37 =	vpop (erf);
	v0 =	vadd.f32 v13, v0;
	v34 =	vmul.f32 v34, v18;
	v13 =	vperm.xlane v5, v27  }
0xe6: {  	v41 =	vmul.f32 v43, v20;
	v39 =	vpop (erf);
	v3 =	vadd.f32 v38, v3;
	v1 =	vadd.f32 v43, v1  }
0xe7: {  	v48 =	vmul.f32 v37, v53;
	v40 =	vpop (erf);
	v0 =	vadd.f32 v34, v0;
	v5 =	vadd.f32 v13, v5  }
0xe8: {  	v51 =	vmul.f32 v63, v50;
	v6 =	vadd.f32 v40, v32;
	v1 =	vadd.f32 v31, v1;
	v31 =	vld [tilespmem:$0x1FFE0]  }
0xe9: {  	v43 =	vperm.xlane v0, v27;
	v45 =	vperm.xlane v5, v29  }
0xea: {  	v42 =	vmul.f32 v40, v56;
	v3 =	vadd.f32 v41, v3;
	v6 =	vadd.f32 v37, v6  }
0xeb: {  	v58 =	vmul.f32 v54, v30;
	v56 =	vpop (erf);
	v0 =	vadd.f32 v43, v0;
	v5 =	vadd.f32 v45, v5  }
0xec: {  	v7 =	vmul.f32 v39, v47;
	v13 =	vadd.f32 v42, v33;
	v12 =	vadd.f32 v56, v28;
	v28 =	vld [tilespmem:$0x1FFF0]  }
0xed: {  	v3 =	vadd.f32 v15, v3;
	v52 =	vperm.xlane v0, v29;
	v53 =	vperm.xlane v5, v31  }
0xee: {  	v2 =	vadd.f32 v63, v6;
	v61 =	vperm.xlane v1, v27;
	v49 =	vadd.f32 v48, v13  }
0xef: {  	v57 =	vmul.f32 v56, v55;
	v0 =	vadd.f32 v52, v0;
	v5 =	vadd.f32 v53, v5  }
0xf0: {  	v62 =	vmul.f32 v46, v21;
	v2 =	vadd.f32 v54, v2;
	v1 =	vadd.f32 v61, v1  }
0xf1: {  	v6 =	vadd.f32 v57, v26;
	v59 =	vperm.xlane v0, v31;
	v60 =	vperm.xlane v5, v28  }
0xf2: {  	v63 =	vperm.xlane v3, v27;
	v12 =	vadd.f32 v39, v12;
	v11 =	vadd.f32 v51, v49  }
0xf3: {  	v33 =	vmul.f32 v4, v44;
	v0 =	vadd.f32 v59, v0;
	v5 =	vadd.f32 v60, v5  }
0xf4: {  	v2 =	vadd.f32 v46, v2;
	v18 =	vperm.xlane v1, v29;
	v3 =	vadd.f32 v63, v3  }
0xf5: {  	v21 =	vld [tilespmem:$0x1FFA0];
	v6 =	vadd.f32 v7, v6;
	v4 =	vadd.f32 v4, v12;
	v15 =	vperm.xlane v0, v28;
	[tilespmem:$0x1F400] =	vst v5  }
0xf6: {  	v11 =	vadd.f32 v58, v11;
	v2 =	vadd.f32 v35, v2;
	[tilespmem:$0x1F410] =	vst v5  }
0xf7: {  	v34 =	vld [tilespmem:$0x1FF80];
	v1 =	vadd.f32 v18, v1;
	v0 =	vadd.f32 v15, v0;
	[tilespmem:$0x1F420] =	vst v5  }
0xf8: {  	v14 =	vmul.f32 v35, v14;
	v11 =	vadd.f32 v62, v11;
	v2 =	vadd.f32 v24, v2;
	[tilespmem:$0x1F430] =	vst v5  }
0xf9: {  	v22 =	vperm.xlane v3, v29;
	v39 =	vadd.f32 v10, v4;
	v32 =	vperm.xlane v1, v31;
	[tilespmem:$0x1F440] =	vst v0  }
0xfa: {  	v13 =	vmul.f32 v24, v21;
	v11 =	vadd.f32 v14, v11;
	v2 =	vadd.f32 v17, v2;
	[tilespmem:$0x1F450] =	vst v0  }
0xfb: {  	v3 =	vadd.f32 v22, v3;
	v1 =	vadd.f32 v32, v1;
	[tilespmem:$0x1F460] =	vst v0  }
0xfc: {  	v11 =	vadd.f32 v13, v11;
	v13 =	vmul.f32 v17, v34;
	v38 =	vperm.xlane v2, v27;
	[tilespmem:$0x1F470] =	vst v0  }
0xfd: {  	v35 =	vperm.xlane v3, v31;
	v7 =	vperm.xlane v1, v28;
	v5 =	vadd.f32 v33, v6;
	[hbm4b:s4+s2] =	stream.linear.scatter [tilespmem:s10], [sflag:$0x1], $0x80, $0x38;
	[tilespmem:$0x1F480] =	vst v63  }
0xfe: {  	v37 =	vadd.f32 v13, v11;
	v2 =	vadd.f32 v38, v2;
	_ =	swait.ge [sflag:s9], $0x80  }
0xff: {  	v40 =	vmul.f32 v10, v23;
	v1 =	vadd.f32 v7, v1;
	v0 =	vadd.f32 v35, v3;
	[sflag:s9] =	ssyncset.done $0x0  }
0x100: {  	v42 =	vperm.xlane v37, v27;
	v43 =	vperm.xlane v2, v29;
	[sflag:s9] =	ssyncadd.s32 $0xFFFFFF80  }
0x101: {  	v4 =	vadd.f32 v40, v5;
	v3 =	vadd.f32 v36, v39;
	v41 =	vperm.xlane v0, v28;
	[tilespmem:$0x1F400] =	vst v1  }
0x102: {  	v6 =	vadd.f32 v42, v37;
	v2 =	vadd.f32 v43, v2;
	v48 =	vld [tilespmem:$0x1FFB0];
	[tilespmem:$0x1F410] =	vst v1  }
0x103: {  	v44 =	vmul.f32 v36, v16;
	v3 =	vadd.f32 v25, v3;
	v0 =	vadd.f32 v41, v0;
	[tilespmem:$0x1F420] =	vst v1  }
0x104: {  	v49 =	vld [tilespmem:$0x1FF90];
	v46 =	vperm.xlane v6, v29;
	v47 =	vperm.xlane v2, v31;
	[tilespmem:$0x1F430] =	vst v1  }
0x105: {  	v45 =	vmul.f32 v25, v8;
	v4 =	vadd.f32 v44, v4;
	v3 =	vadd.f32 v19, v3;
	[tilespmem:$0x1F440] =	vst v0  }
0x106: {  	v1 =	vadd.f32 v46, v6;
	[tilespmem:$0x1F450] =	vst v0;
	v2 =	vadd.f32 v47, v2  }
0x107: {  	v4 =	vadd.f32 v45, v4;
	v3 =	vadd.f32 v9, v3;
	[tilespmem:$0x1F460] =	vst v0;
	v5 =	vmul.f32 v19, v48  }
0x108: {  	[tilespmem:$0x1F470] =	vst v0;
	v50 =	vperm.xlane v1, v31;
	v51 =	vperm.xlane v2, v28  }
0x109: {  	[hbm4b:s5+s2] =	stream.linear.scatter [tilespmem:s10], [sflag:$0x1], $0x80, $0x38;
	v52 =	vperm.xlane v3, v27;
	v4 =	vadd.f32 v5, v4;
	v5 =	vmul.f32 v9, v49;
	[tilespmem:$0x1F480] =	vst v63  }
0x10a: {  	_ =	swait.ge [sflag:s9], $0x80;
	v0 =	vadd.f32 v50, v1;
	v53 =	vadd.f32 v51, v2  }
0x10b: {  	[sflag:s9] =	ssyncset.done $0x0;
	v54 =	vadd.f32 v52, v3;
	v4 =	vadd.f32 v5, v4  }
0x10c: {  	[sflag:s9] =	ssyncadd.s32 $0xFFFFFF80;
	v55 =	vperm.xlane v0, v28  }
0x10d: {  	[tilespmem:$0x1F400] =	vst v53;
	v56 =	vperm.xlane v54, v29;
	v5 =	vperm.xlane v4, v27  }
0x10e: {  	[tilespmem:$0x1F410] =	vst v53;
	v0 =	vadd.f32 v55, v0  }
0x10f: {  	[tilespmem:$0x1F420] =	vst v53;
	v2 =	vadd.f32 v56, v54;
	v57 =	vadd.f32 v5, v4  }
0x110: {  	[tilespmem:$0x1F430] =	vst v53  }
0x111: {  	[tilespmem:$0x1F440] =	vst v0;
	v59 =	vperm.xlane v2, v31;
	v58 =	vperm.xlane v57, v29  }
0x112: {  	[tilespmem:$0x1F450] =	vst v0  }
0x113: {  	[tilespmem:$0x1F460] =	vst v0;
	v2 =	vadd.f32 v59, v2;
	v1 =	vadd.f32 v58, v57  }
0x114: {  	[tilespmem:$0x1F470] =	vst v0  }
0x115: {  	[hbm4b:s6+s2] =	stream.linear.scatter [tilespmem:s10], [sflag:$0x1], $0x80, $0x38;
	v61 =	vperm.xlane v2, v28;
	v60 =	vperm.xlane v1, v31;
	[tilespmem:$0x1F480] =	vst v63  }
0x116: {  	_ =	swait.ge [sflag:s9], $0x80  }
0x117: {  	[sflag:s9] =	ssyncset.done $0x0;
	v62 =	vadd.f32 v61, v2;
	v0 =	vadd.f32 v60, v1  }
0x118: {  	[sflag:s9] =	ssyncadd.s32 $0xFFFFFF80  }
0x119: {  	[tilespmem:$0x1F400] =	vst v62;
	v63 =	vperm.xlane v0, v28  }
0x11a: {  	[tilespmem:$0x1F410] =	vst v62  }
0x11b: {  	[tilespmem:$0x1F420] =	vst v62;
	v0 =	vadd.f32 v63, v0  }
0x11c: {  	[tilespmem:$0x1F430] =	vst v62  }
0x11d: {  	[tilespmem:$0x1F440] =	vst v0  }
0x11e: {  	s11 =	sadd.s32 $0x1, s11;
	[tilespmem:$0x1F450] =	vst v0  }
0x11f: {  	p0 =	sne.s32 s11, s8;
	[tilespmem:$0x1F460] =	vst v0  }
.Ltmp2:
0x120: {  	[tilespmem:$0x1F470] =	vst v0;
	(pc) =	sbr.rel @p0 .LBB2_1-.Ltmp2, $4  }
0x121: {  	[hbm4b:s7+s2] =	stream.linear.scatter [tilespmem:s10], [sflag:$0x1], $0x80, $0x38;
	[tilespmem:$0x1F480] =	vst v63  }
0x122: {  	_ =	swait.ge [sflag:s9], $0x80  }
0x123: {  	[sflag:s9] =	ssyncset.done $0x0  }
0x124: {  	[sflag:s9] =	ssyncadd.s32 $0xFFFFFF80  }
0x125: {  	_ =	sfence.sel $0x180000  }
0x126: {  	[bflag:$0x0] =	sbarrier.arrive $0xFFFF  }
0x127: {  	p0 =	sne.s32 s1, $0x0;
	_ =	strace $0x90000047  }
0x128: {  	s0 =	sadd.s32 @!p0 $0x100000, s0;
	[bflag:$0x2] =	sbarrier.arrive $0xFFFF  }
0x129: {  	[sflag:s0] =	ssyncadd.tile.s32 @!p0 $0x1;
	_ =	shalt  }
.Lfunc_end2:
_tile_overlayer_lowered:
.L_overlay_start_2:
0x12a: {  	(tag) =	ssettag $0x2  }
0x12b: {  	s0 =	rddreg [dreg:$0x0];
	s2 =	stileid.u32  }
0x12c: {  	s1 =	rddreg [dreg:$0x1];
	p0 =	sne.s32 s2, $0x0  }
0x12d: {  	s3 =	rddreg [dreg:$0x2];
	[bflag:$0x3] =	sbarrier.arrive $0xFFFF;
	s2 =	simm.s32 @!p0 $0x1C01  }
0x12e: {  	[timem:s3], [sflag:s2] =	dma.local @!p0 [hbm:s0], s1  }
0x12f: {  	s0 =	simm.s32 @!p0 $0x1  }
0x130: {  	_ =	swait.ge @!p0 [sflag:s0], s1  }
0x131: {  	s1 =	ssub.s32 @!p0 $0x0, s1;
	[sflag:s0] =	ssyncset.done @!p0 $0x0  }
0x132: {  	[sflag:s0] =	ssyncadd.s32 @!p0 s1  }
0x133: {  	[bflag:$0x3] =	sbarrier.arrive $0xFFFF  }
0x134: {  	_ =	shalt  }

</sc_bundles>
